<compile_context>
chip_gen: v7x
topology: tpu7x:2x2x1
jax: 0.10.2.dev20260603
libtpu: 0.0.44.dev20260713+nightly
codegen_flags: <defaults>
</compile_context>

<pallas_src>
import functools

import jax
import jax.numpy as jnp
from jax import lax
from jax.experimental import pallas as pl
from jax.experimental.pallas import tpu as pltpu
from jax.experimental.pallas import tpu_sc as plsc

N_NODES = 10000
N_EDGES = 320000
D_FEAT = 128
N_CLASSES = 16

NC = 2
NS = 16
CHUNK = 128
NCHUNKS = N_EDGES // CHUNK
CPT = 78
EXTRA = NCHUNKS - NC * NS * CPT
NODES_PAD = 10240
ROWS_PER_TILE = NODES_PAD // NS
G_ROWS_PER_TILE = N_NODES // NS

NBUF = 6
LOOKAHEAD = 3

_mesh = plsc.VectorSubcoreMesh(core_axis_name="c", subcore_axis_name="s")



def _deg_body(e_hbm, ones_hbm, zeros_hbm, out_hbm, eidx_v, ones_v, stage_v, acc, sem):
    cid = lax.axis_index("c")
    sid = lax.axis_index("s")
    wid = cid * NS + sid
    pltpu.sync_copy(zeros_hbm, stage_v)
    pltpu.sync_copy(stage_v, acc.at[pl.ds(sid * ROWS_PER_TILE, ROWS_PER_TILE)])
    pltpu.sync_copy(ones_hbm, ones_v)
    pltpu.sync_copy(e_hbm.at[pl.ds(wid * CPT, CPT)], eidx_v)
    plsc.subcore_barrier()

    def chunk(j, carry):
        pltpu.async_copy(ones_v, acc.at[eidx_v.at[j, 1, :]], sem, add=True)
        return carry

    lax.fori_loop(0, CPT, chunk, 0)

    @pl.when(wid < EXTRA)
    def _():
        pltpu.sync_copy(e_hbm.at[pl.ds(NC * NS * CPT + wid, 1)],
                        eidx_v.at[pl.ds(0, 1)])
        pltpu.async_copy(ones_v, acc.at[eidx_v.at[0, 1, :]], sem, add=True)

    def drain(j, carry):
        pltpu.make_async_copy(ones_v, acc.at[eidx_v.at[0, 1, :]], sem).wait()
        return carry

    lax.fori_loop(0, CPT, drain, 0)

    @pl.when(wid < EXTRA)
    def _():
        pltpu.make_async_copy(ones_v, acc.at[eidx_v.at[0, 1, :]], sem).wait()

    plsc.subcore_barrier()
    pltpu.sync_copy(acc.at[pl.ds(sid * ROWS_PER_TILE, ROWS_PER_TILE)], stage_v)
    pltpu.sync_copy(stage_v, out_hbm.at[cid, pl.ds(sid * ROWS_PER_TILE, ROWS_PER_TILE)])


def _hop_body(e_hbm, g_hbm, zeros_hbm, out_hbm,
              eidx_v, rows_v, stage_v, g_stage_v, acc, g_s, sem):
    cid = lax.axis_index("c")
    sid = lax.axis_index("s")
    wid = cid * NS + sid
    pltpu.sync_copy(zeros_hbm, stage_v)
    pltpu.sync_copy(stage_v, acc.at[pl.ds(sid * ROWS_PER_TILE, ROWS_PER_TILE)])
    pltpu.sync_copy(g_hbm.at[pl.ds(sid * G_ROWS_PER_TILE, G_ROWS_PER_TILE)],
                    g_stage_v)
    pltpu.sync_copy(g_stage_v,
                    g_s.at[pl.ds(sid * G_ROWS_PER_TILE, G_ROWS_PER_TILE)])
    pltpu.sync_copy(e_hbm.at[pl.ds(wid * CPT, CPT)], eidx_v)
    gsem, ssem = sem
    plsc.subcore_barrier()

    for b in range(LOOKAHEAD):
        pltpu.async_copy(g_s.at[eidx_v.at[b, 0, :]], rows_v.at[b], gsem.at[b])

    def lap(g, carry):
        for b in range(NBUF):
            j = g * NBUF + b
            pltpu.make_async_copy(
                g_s.at[eidx_v.at[j, 0, :]], rows_v.at[b], gsem.at[b]).wait()
            pltpu.async_copy(
                rows_v.at[b], acc.at[eidx_v.at[j, 1, :]], ssem.at[b],
                add=True)
            bb = (b + LOOKAHEAD) % NBUF

            @pl.when(j + LOOKAHEAD < CPT)
            def _():
                @pl.when(j >= LOOKAHEAD)
                def _():
                    pltpu.make_async_copy(
                        rows_v.at[bb], acc.at[eidx_v.at[j, 1, :]],
                        ssem.at[bb]).wait()

                pltpu.async_copy(
                    g_s.at[eidx_v.at[j + LOOKAHEAD, 0, :]], rows_v.at[bb],
                    gsem.at[bb])
        return carry

    lax.fori_loop(0, CPT // NBUF, lap, 0)
    for b in range(NBUF):
        pltpu.make_async_copy(
            rows_v.at[b], acc.at[eidx_v.at[0, 1, :]], ssem.at[b]).wait()

    @pl.when(wid < EXTRA)
    def _():
        pltpu.sync_copy(e_hbm.at[pl.ds(NC * NS * CPT + wid, 1)],
                        eidx_v.at[pl.ds(0, 1)])
        pltpu.async_copy(g_s.at[eidx_v.at[0, 0, :]], rows_v.at[0],
                         gsem.at[0]).wait()
        pltpu.sync_copy(rows_v.at[0], acc.at[eidx_v.at[0, 1, :]], add=True)

    plsc.subcore_barrier()
    pltpu.sync_copy(acc.at[pl.ds(sid * ROWS_PER_TILE, ROWS_PER_TILE)], stage_v)
    pltpu.sync_copy(stage_v, out_hbm.at[cid, pl.ds(sid * ROWS_PER_TILE, ROWS_PER_TILE)])


_sc_params = pltpu.CompilerParams(use_tc_tiling_on_sc=False)

_deg_pass = functools.partial(
    pl.kernel, _deg_body,
    out_type=jax.ShapeDtypeStruct((NC, NODES_PAD), jnp.float32),
    mesh=_mesh,
    compiler_params=_sc_params,
    scratch_types=[
        pltpu.VMEM((CPT, NC, CHUNK), jnp.int32),
        pltpu.VMEM((CHUNK,), jnp.float32),
        pltpu.VMEM((ROWS_PER_TILE,), jnp.float32),
        pltpu.VMEM_SHARED((NODES_PAD,), jnp.float32),
        pltpu.SemaphoreType.DMA,
    ],
)()

_hop_pass = functools.partial(
    pl.kernel, _hop_body,
    out_type=jax.ShapeDtypeStruct((NC, NODES_PAD, N_CLASSES), jnp.float32),
    mesh=_mesh,
    compiler_params=_sc_params,
    scratch_types=[
        pltpu.VMEM((CPT, NC, CHUNK), jnp.int32),
        pltpu.VMEM((NBUF, CHUNK, N_CLASSES), jnp.float32),
        pltpu.VMEM((ROWS_PER_TILE, N_CLASSES), jnp.float32),
        pltpu.VMEM((G_ROWS_PER_TILE, N_CLASSES), jnp.float32),
        pltpu.VMEM_SHARED((NODES_PAD, N_CLASSES), jnp.float32),
        pltpu.VMEM_SHARED((N_NODES, N_CLASSES), jnp.float32),
        (pltpu.SemaphoreType.DMA((NBUF,)), pltpu.SemaphoreType.DMA((NBUF,))),
    ],
)()



N_FLAT = N_NODES * N_CLASSES // 128
NP_FLAT = NODES_PAD * N_CLASSES // 128


def _matmul_body(x_ref, w_ref, y_ref):
    y_ref[...] = jnp.dot(x_ref[...], w_ref[...],
                         preferred_element_type=jnp.float32)


def _scale_in_body(y_ref, degp_ref, g1_ref, dinv_ref, invdeg_ref):
    deg = degp_ref[0, :N_FLAT] + degp_ref[1, :N_FLAT] + 1.0
    dinv = lax.rsqrt(deg)
    invdeg = 1.0 / deg
    g1_ref[...] = y_ref[...] * dinv
    dinv_ref[...] = dinv
    invdeg_ref[...] = invdeg


def _mid_body(sp_ref, g1_ref, invdeg_ref, g2_ref):
    s = sp_ref[0, :N_FLAT] + sp_ref[1, :N_FLAT] + g1_ref[...]
    g2_ref[...] = s * invdeg_ref[...]


def _out_body(sp_ref, g2_ref, dinv_ref, b_ref, out_ref):
    s = sp_ref[0, :N_FLAT] + sp_ref[1, :N_FLAT] + g2_ref[...]
    out_ref[...] = s * dinv_ref[...] + b_ref[...]


_flat_spec = pl.BlockSpec((N_FLAT, 128), lambda: (0, 0))
_partial_spec = pl.BlockSpec((NC, NP_FLAT, 128), lambda: (0, 0, 0))
_flat_out = jax.ShapeDtypeStruct((N_FLAT, 128), jnp.float32)

_matmul = pl.pallas_call(
    _matmul_body,
    in_specs=[pl.BlockSpec((N_FLAT, 8 * D_FEAT), lambda: (0, 0)),
              pl.BlockSpec((8 * D_FEAT, 128), lambda: (0, 0))],
    out_specs=_flat_spec,
    out_shape=_flat_out,
)

_scale_in = pl.pallas_call(
    _scale_in_body,
    in_specs=[_flat_spec, _partial_spec],
    out_specs=[_flat_spec] * 3,
    out_shape=[_flat_out] * 3,
)

_mid = pl.pallas_call(
    _mid_body,
    in_specs=[_partial_spec, _flat_spec, _flat_spec],
    out_specs=_flat_spec,
    out_shape=_flat_out,
)

_out_stage = pl.pallas_call(
    _out_body,
    in_specs=[_partial_spec, _flat_spec, _flat_spec,
              pl.BlockSpec((1, 128), lambda: (0, 0))],
    out_specs=_flat_spec,
    out_shape=_flat_out,
)


def kernel(x, edge_index, W, b):
    e_pairs = edge_index.astype(jnp.int32).reshape(
        2, NCHUNKS, CHUNK).transpose(1, 0, 2)

    ones_col = jnp.ones((CHUNK,), jnp.float32)
    zeros_col = jnp.zeros((ROWS_PER_TILE,), jnp.float32)
    zeros_rows = jnp.zeros((ROWS_PER_TILE, N_CLASSES), jnp.float32)
    b_flat = jnp.tile(b, 8).reshape(1, 128)

    degp = _deg_pass(e_pairs, ones_col, zeros_col)
    degp_flat = jnp.broadcast_to(
        degp.reshape(NC, NP_FLAT, 8, 1), (NC, NP_FLAT, 8, N_CLASSES)
    ).reshape(NC, NP_FLAT, 128)
    wb = jnp.kron(jnp.eye(8, dtype=jnp.float32), W)
    y = _matmul(x.reshape(N_FLAT, 8 * D_FEAT), wb)
    g1, dinv, invdeg = _scale_in(y, degp_flat)
    s1p = _hop_pass(e_pairs, g1.reshape(N_NODES, N_CLASSES), zeros_rows)
    g2 = _mid(s1p.reshape(NC, NP_FLAT, 128), g1, invdeg)
    s2p = _hop_pass(e_pairs, g2.reshape(N_NODES, N_CLASSES), zeros_rows)
    out = _out_stage(s2p.reshape(NC, NP_FLAT, 128), g2, dinv, b_flat)
    return out.reshape(N_NODES, N_CLASSES)

# --- scband reference (transcript-rebuilt; emitter-appended) ---
"""Pipeline reference for scband-sgcnet-82076825026738 (READ-ONLY COPY).

The authoritative reference and input builder live on the scoring server;
editing this copy changes nothing except your own understanding.
"""

import jax, jax.numpy as jnp
import numpy as np

N_NODES = 10000
N_EDGES = 320000
D_FEAT = 128
N_CLASSES = 16
HOP = 2


def gcn_norm(edge_index, num_nodes):
    # PyG gcn_norm with add_self_loops=True, edge_weight=None -> ones
    row, col = edge_index[0], edge_index[1]
    loop = jnp.arange(num_nodes, dtype=edge_index.dtype)
    row = jnp.concatenate([row, loop])
    col = jnp.concatenate([col, loop])
    ew = jnp.ones(row.shape[0], dtype=jnp.float32)
    deg = jnp.zeros(num_nodes, dtype=jnp.float32).at[col].add(ew)
    deg_inv_sqrt = jnp.where(deg > 0, jax.lax.rsqrt(jnp.maximum(deg, 1e-12)), 0.0)
    norm = deg_inv_sqrt[row] * ew * deg_inv_sqrt[col]
    return row, col, norm


def setup_inputs(seed: int = 0) -> dict:
    key = jax.random.key(seed)
    k1, k2, k3 = jax.random.split(key, 3)
    x = jax.random.normal(k1, (N_NODES, D_FEAT), dtype=jnp.float32)
    edge_index = jax.random.randint(k2, (2, N_EDGES), 0, N_NODES, dtype=jnp.int64)
    # SGConv.lin = Linear(num_features, num_classes, bias=True)
    W = jax.random.normal(k3, (D_FEAT, N_CLASSES), dtype=jnp.float32) * 0.05
    b = jnp.zeros((N_CLASSES,), dtype=jnp.float32)
    return {"x": x, "edge_index": edge_index, "W": W, "b": b}


def reference(x, edge_index, W, b):
    # SGCNet.forward -> SGConv(x, edge_index): K-hop symmetric-normalized propagation then linear
    row, col, norm = gcn_norm(edge_index, N_NODES)
    h = x
    for _ in range(HOP):
        msg = h[row] * norm[:, None]            # gather + scale
        h = jnp.zeros_like(h).at[col].add(msg)  # scatter-add to dst nodes
    out = h @ W + b
    return out

if __name__ == "__main__":
    import jax
    _d = setup_inputs()
    print(jax.jit(kernel)(*tuple(_d.values())))

</pallas_src>

<mosaic_0001>
#map = affine_map<(d0, d1) -> (0, 0, 0)>
#map1 = affine_map<(d0, d1) -> (0, 0)>
module attributes {stable_mosaic.version = 14 : i64} {
  func.func @_hop_body(%arg0: i32, %arg1: i32, %arg2: memref<2500x2x128xi32, #tpu.memory_space<hbm>>, %arg3: memref<10000x16xf32, #tpu.memory_space<hbm>>, %arg4: memref<640x16xf32, #tpu.memory_space<hbm>>, %arg5: memref<2x10240x16xf32, #tpu.memory_space<hbm>>, %arg6: memref<78x2x128xi32, #tpu.memory_space<vmem>>, %arg7: memref<6x128x16xf32, #tpu.memory_space<vmem>>, %arg8: memref<640x16xf32, #tpu.memory_space<vmem>>, %arg9: memref<625x16xf32, #tpu.memory_space<vmem>>, %arg10: memref<10240x16xf32, #tpu.memory_space<vmem_shared>>, %arg11: memref<10000x16xf32, #tpu.memory_space<vmem_shared>>, %arg12: memref<6x!tpu.dma_semaphore, #tpu.memory_space<semaphore_mem>>, %arg13: memref<6x!tpu.dma_semaphore, #tpu.memory_space<semaphore_mem>>) attributes {dimension_semantics = [#tpu.dimension_semantics<core_parallel>, #tpu.dimension_semantics<subcore_parallel>], iteration_bounds = array<i64: 2, 16>, scalar_prefetch = 0 : i64, scratch_operands = 8 : i64, tpu.core_type = #tpu.core_type<sc_vector_subcore>, window_params = [{transform_indices = #map}, {transform_indices = #map1}, {transform_indices = #map1}, {transform_indices = #map}]} {
    %mul3A = arith.constant 16 : i32
    %mul3A_0 = arith.muli %arg0, %mul3A : i32
    %add3A = arith.addi %mul3A_0, %arg1 : i32
    "tpu.region"() ({
      %run_scoped3A = tpu.sem_alloc : memref<!tpu.dma_semaphore, #tpu.memory_space<semaphore_mem>>
      tpu.enqueue_dma source(%arg4 : memref<640x16xf32, #tpu.memory_space<hbm>>) target(%arg8 : memref<640x16xf32, #tpu.memory_space<vmem>>) target_semaphore(%run_scoped3A : memref<!tpu.dma_semaphore, #tpu.memory_space<semaphore_mem>>)
      tpu.wait_dma2 semaphore(%run_scoped3A : memref<!tpu.dma_semaphore, #tpu.memory_space<semaphore_mem>>) src(%arg4 : memref<640x16xf32, #tpu.memory_space<hbm>>) dst(%arg8 : memref<640x16xf32, #tpu.memory_space<vmem>>)
      tpu.yield
    }) : () -> ()
    %mul3A_1 = arith.constant 640 : i32
    %mul3A_2 = arith.muli %arg1, %mul3A_1 : i32
    "tpu.region"() ({
      %run_scoped3A = tpu.sem_alloc : memref<!tpu.dma_semaphore, #tpu.memory_space<semaphore_mem>>
      %dma_start3A_163 = arith.constant 0 : i32
      %dma_start3A_164 = tpu.memref_slice %arg10[%mul3A_2, %dma_start3A_163] : memref<10240x16xf32, #tpu.memory_space<vmem_shared>> -> memref<640x16xf32, #tpu.memory_space<vmem_shared>>
      %dma_start3A_165 = arith.constant 0 : i32
      %dma_start3A_166 = tpu.memref_slice %arg10[%mul3A_2, %dma_start3A_165] : memref<10240x16xf32, #tpu.memory_space<vmem_shared>> -> memref<640x16xf32, #tpu.memory_space<vmem_shared>>
      tpu.enqueue_dma source(%arg8 : memref<640x16xf32, #tpu.memory_space<vmem>>) target(%dma_start3A_166 : memref<640x16xf32, #tpu.memory_space<vmem_shared>>) target_semaphore(%run_scoped3A : memref<!tpu.dma_semaphore, #tpu.memory_space<semaphore_mem>>)
      %dma_wait3A_167 = arith.constant 0 : i32
      %dma_wait3A_168 = tpu.memref_slice %arg10[%mul3A_2, %dma_wait3A_167] : memref<10240x16xf32, #tpu.memory_space<vmem_shared>> -> memref<640x16xf32, #tpu.memory_space<vmem_shared>>
      %dma_wait3A_169 = arith.constant 0 : i32
      %dma_wait3A_170 = tpu.memref_slice %arg10[%mul3A_2, %dma_wait3A_169] : memref<10240x16xf32, #tpu.memory_space<vmem_shared>> -> memref<640x16xf32, #tpu.memory_space<vmem_shared>>
      tpu.wait_dma2 semaphore(%run_scoped3A : memref<!tpu.dma_semaphore, #tpu.memory_space<semaphore_mem>>) src(%arg8 : memref<640x16xf32, #tpu.memory_space<vmem>>) dst(%dma_wait3A_170 : memref<640x16xf32, #tpu.memory_space<vmem_shared>>)
      tpu.yield
    }) : () -> ()
    %mul3A_3 = arith.constant 625 : i32
    %mul3A_4 = arith.muli %arg1, %mul3A_3 : i32
    "tpu.region"() ({
      %run_scoped3A = tpu.sem_alloc : memref<!tpu.dma_semaphore, #tpu.memory_space<semaphore_mem>>
      %dma_start3A_163 = arith.constant 0 : i32
      %dma_start3A_164 = tpu.memref_slice %arg3[%mul3A_4, %dma_start3A_163] : memref<10000x16xf32, #tpu.memory_space<hbm>> -> memref<625x16xf32, #tpu.memory_space<hbm>>
      %dma_start3A_165 = arith.constant 0 : i32
      %dma_start3A_166 = tpu.memref_slice %arg3[%mul3A_4, %dma_start3A_165] : memref<10000x16xf32, #tpu.memory_space<hbm>> -> memref<625x16xf32, #tpu.memory_space<hbm>>
      tpu.enqueue_dma source(%dma_start3A_166 : memref<625x16xf32, #tpu.memory_space<hbm>>) target(%arg9 : memref<625x16xf32, #tpu.memory_space<vmem>>) target_semaphore(%run_scoped3A : memref<!tpu.dma_semaphore, #tpu.memory_space<semaphore_mem>>)
      %dma_wait3A_167 = arith.constant 0 : i32
      %dma_wait3A_168 = tpu.memref_slice %arg3[%mul3A_4, %dma_wait3A_167] : memref<10000x16xf32, #tpu.memory_space<hbm>> -> memref<625x16xf32, #tpu.memory_space<hbm>>
      %dma_wait3A_169 = arith.constant 0 : i32
      %dma_wait3A_170 = tpu.memref_slice %arg3[%mul3A_4, %dma_wait3A_169] : memref<10000x16xf32, #tpu.memory_space<hbm>> -> memref<625x16xf32, #tpu.memory_space<hbm>>
      tpu.wait_dma2 semaphore(%run_scoped3A : memref<!tpu.dma_semaphore, #tpu.memory_space<semaphore_mem>>) src(%dma_wait3A_170 : memref<625x16xf32, #tpu.memory_space<hbm>>) dst(%arg9 : memref<625x16xf32, #tpu.memory_space<vmem>>)
      tpu.yield
    }) : () -> ()
    %mul3A_5 = arith.constant 625 : i32
    %mul3A_6 = arith.muli %arg1, %mul3A_5 : i32
    "tpu.region"() ({
      %run_scoped3A = tpu.sem_alloc : memref<!tpu.dma_semaphore, #tpu.memory_space<semaphore_mem>>
      %dma_start3A_163 = arith.constant 0 : i32
      %dma_start3A_164 = tpu.memref_slice %arg11[%mul3A_6, %dma_start3A_163] : memref<10000x16xf32, #tpu.memory_space<vmem_shared>> -> memref<625x16xf32, #tpu.memory_space<vmem_shared>>
      %dma_start3A_165 = arith.constant 0 : i32
      %dma_start3A_166 = tpu.memref_slice %arg11[%mul3A_6, %dma_start3A_165] : memref<10000x16xf32, #tpu.memory_space<vmem_shared>> -> memref<625x16xf32, #tpu.memory_space<vmem_shared>>
      tpu.enqueue_dma source(%arg9 : memref<625x16xf32, #tpu.memory_space<vmem>>) target(%dma_start3A_166 : memref<625x16xf32, #tpu.memory_space<vmem_shared>>) target_semaphore(%run_scoped3A : memref<!tpu.dma_semaphore, #tpu.memory_space<semaphore_mem>>)
      %dma_wait3A_167 = arith.constant 0 : i32
      %dma_wait3A_168 = tpu.memref_slice %arg11[%mul3A_6, %dma_wait3A_167] : memref<10000x16xf32, #tpu.memory_space<vmem_shared>> -> memref<625x16xf32, #tpu.memory_space<vmem_shared>>
      %dma_wait3A_169 = arith.constant 0 : i32
      %dma_wait3A_170 = tpu.memref_slice %arg11[%mul3A_6, %dma_wait3A_169] : memref<10000x16xf32, #tpu.memory_space<vmem_shared>> -> memref<625x16xf32, #tpu.memory_space<vmem_shared>>
      tpu.wait_dma2 semaphore(%run_scoped3A : memref<!tpu.dma_semaphore, #tpu.memory_space<semaphore_mem>>) src(%arg9 : memref<625x16xf32, #tpu.memory_space<vmem>>) dst(%dma_wait3A_170 : memref<625x16xf32, #tpu.memory_space<vmem_shared>>)
      tpu.yield
    }) : () -> ()
    %mul3A_7 = arith.constant 78 : i32
    %mul3A_8 = arith.muli %add3A, %mul3A_7 : i32
    "tpu.region"() ({
      %run_scoped3A = tpu.sem_alloc : memref<!tpu.dma_semaphore, #tpu.memory_space<semaphore_mem>>
      %dma_start3A_163 = arith.constant 0 : i32
      %dma_start3A_164 = arith.constant 0 : i32
      %dma_start3A_165 = tpu.memref_slice %arg2[%mul3A_8, %dma_start3A_163, %dma_start3A_164] : memref<2500x2x128xi32, #tpu.memory_space<hbm>> -> memref<78x2x128xi32, #tpu.memory_space<hbm>>
      %dma_start3A_166 = arith.constant 0 : i32
      %dma_start3A_167 = arith.constant 0 : i32
      %dma_start3A_168 = tpu.memref_slice %arg2[%mul3A_8, %dma_start3A_166, %dma_start3A_167] : memref<2500x2x128xi32, #tpu.memory_space<hbm>> -> memref<78x2x128xi32, #tpu.memory_space<hbm>>
      tpu.enqueue_dma source(%dma_start3A_168 : memref<78x2x128xi32, #tpu.memory_space<hbm>>) target(%arg6 : memref<78x2x128xi32, #tpu.memory_space<vmem>>) target_semaphore(%run_scoped3A : memref<!tpu.dma_semaphore, #tpu.memory_space<semaphore_mem>>)
      %dma_wait3A_169 = arith.constant 0 : i32
      %dma_wait3A_170 = arith.constant 0 : i32
      %dma_wait3A_171 = tpu.memref_slice %arg2[%mul3A_8, %dma_wait3A_169, %dma_wait3A_170] : memref<2500x2x128xi32, #tpu.memory_space<hbm>> -> memref<78x2x128xi32, #tpu.memory_space<hbm>>
      %dma_wait3A_172 = arith.constant 0 : i32
      %dma_wait3A_173 = arith.constant 0 : i32
      %dma_wait3A_174 = tpu.memref_slice %arg2[%mul3A_8, %dma_wait3A_172, %dma_wait3A_173] : memref<2500x2x128xi32, #tpu.memory_space<hbm>> -> memref<78x2x128xi32, #tpu.memory_space<hbm>>
      tpu.wait_dma2 semaphore(%run_scoped3A : memref<!tpu.dma_semaphore, #tpu.memory_space<semaphore_mem>>) src(%dma_wait3A_174 : memref<78x2x128xi32, #tpu.memory_space<hbm>>) dst(%arg6 : memref<78x2x128xi32, #tpu.memory_space<vmem>>)
      tpu.yield
    }) : () -> ()
    %barrier3A = arith.constant 0 : index
    tpu.barrier barrier_id(%barrier3A)
    %dma_start3A = arith.constant 0 : i32
    %dma_start3A_9 = arith.constant 0 : i32
    %dma_start3A_10 = arith.constant 0 : i32
    %dma_start3A_11 = arith.constant 0 : i32
    %dma_start3A_12 = arith.constant 0 : i32
    %dma_start3A_13 = arith.constant 0 : i32
    %dma_start3A_14 = tpu.memref_slice %arg7[%dma_start3A_10, %dma_start3A_12, %dma_start3A_13] : memref<6x128x16xf32, #tpu.memory_space<vmem>> -> memref<1x128x16xf32, #tpu.memory_space<vmem>>
    %dma_start3A_15 = tpu.memref_squeeze %dma_start3A_14 : memref<1x128x16xf32, #tpu.memory_space<vmem>> -> memref<128x16xf32, #tpu.memory_space<vmem>>
    %dma_start3A_16 = arith.constant 0 : i32
    %dma_start3A_17 = tpu.memref_slice %arg6[%dma_start3A, %dma_start3A_9, %dma_start3A_16] : memref<78x2x128xi32, #tpu.memory_space<vmem>> -> memref<1x1x128xi32, #tpu.memory_space<vmem>>
    %dma_start3A_18 = tpu.memref_squeeze %dma_start3A_17 : memref<1x1x128xi32, #tpu.memory_space<vmem>> -> memref<128xi32, #tpu.memory_space<vmem>>
    %dma_start3A_19 = arith.constant 0 : i32
    %dma_start3A_20 = arith.constant 0 : i32
    %dma_start3A_21 = tpu.memref_slice %arg11[%dma_start3A_19, %dma_start3A_20] : memref<10000x16xf32, #tpu.memory_space<vmem_shared>> -> memref<10000x16xf32, #tpu.memory_space<vmem_shared>>
    %dma_start3A_22 = tpu.memref_slice %arg12[%dma_start3A_11] : memref<6x!tpu.dma_semaphore, #tpu.memory_space<semaphore_mem>> -> memref<1x!tpu.dma_semaphore, #tpu.memory_space<semaphore_mem>>
    %dma_start3A_23 = tpu.memref_squeeze %dma_start3A_22 : memref<1x!tpu.dma_semaphore, #tpu.memory_space<semaphore_mem>> -> memref<!tpu.dma_semaphore, #tpu.memory_space<semaphore_mem>>
    tpu.enqueue_indirect_dma source(%dma_start3A_21 : memref<10000x16xf32, #tpu.memory_space<vmem_shared>>) target(%dma_start3A_15 : memref<128x16xf32, #tpu.memory_space<vmem>>) offsets(%dma_start3A_18 : memref<128xi32, #tpu.memory_space<vmem>>) semaphore(%dma_start3A_23 : memref<!tpu.dma_semaphore, #tpu.memory_space<semaphore_mem>>)
    %dma_start3A_24 = arith.constant 1 : i32
    %dma_start3A_25 = arith.constant 0 : i32
    %dma_start3A_26 = arith.constant 1 : i32
    %dma_start3A_27 = arith.constant 1 : i32
    %dma_start3A_28 = arith.constant 0 : i32
    %dma_start3A_29 = arith.constant 0 : i32
    %dma_start3A_30 = tpu.memref_slice %arg7[%dma_start3A_26, %dma_start3A_28, %dma_start3A_29] : memref<6x128x16xf32, #tpu.memory_space<vmem>> -> memref<1x128x16xf32, #tpu.memory_space<vmem>>
    %dma_start3A_31 = tpu.memref_squeeze %dma_start3A_30 : memref<1x128x16xf32, #tpu.memory_space<vmem>> -> memref<128x16xf32, #tpu.memory_space<vmem>>
    %dma_start3A_32 = arith.constant 0 : i32
    %dma_start3A_33 = tpu.memref_slice %arg6[%dma_start3A_24, %dma_start3A_25, %dma_start3A_32] : memref<78x2x128xi32, #tpu.memory_space<vmem>> -> memref<1x1x128xi32, #tpu.memory_space<vmem>>
    %dma_start3A_34 = tpu.memref_squeeze %dma_start3A_33 : memref<1x1x128xi32, #tpu.memory_space<vmem>> -> memref<128xi32, #tpu.memory_space<vmem>>
    %dma_start3A_35 = arith.constant 0 : i32
    %dma_start3A_36 = arith.constant 0 : i32
    %dma_start3A_37 = tpu.memref_slice %arg11[%dma_start3A_35, %dma_start3A_36] : memref<10000x16xf32, #tpu.memory_space<vmem_shared>> -> memref<10000x16xf32, #tpu.memory_space<vmem_shared>>
    %dma_start3A_38 = tpu.memref_slice %arg12[%dma_start3A_27] : memref<6x!tpu.dma_semaphore, #tpu.memory_space<semaphore_mem>> -> memref<1x!tpu.dma_semaphore, #tpu.memory_space<semaphore_mem>>
    %dma_start3A_39 = tpu.memref_squeeze %dma_start3A_38 : memref<1x!tpu.dma_semaphore, #tpu.memory_space<semaphore_mem>> -> memref<!tpu.dma_semaphore, #tpu.memory_space<semaphore_mem>>
    tpu.enqueue_indirect_dma source(%dma_start3A_37 : memref<10000x16xf32, #tpu.memory_space<vmem_shared>>) target(%dma_start3A_31 : memref<128x16xf32, #tpu.memory_space<vmem>>) offsets(%dma_start3A_34 : memref<128xi32, #tpu.memory_space<vmem>>) semaphore(%dma_start3A_39 : memref<!tpu.dma_semaphore, #tpu.memory_space<semaphore_mem>>)
    %dma_start3A_40 = arith.constant 2 : i32
    %dma_start3A_41 = arith.constant 0 : i32
    %dma_start3A_42 = arith.constant 2 : i32
    %dma_start3A_43 = arith.constant 2 : i32
    %dma_start3A_44 = arith.constant 0 : i32
    %dma_start3A_45 = arith.constant 0 : i32
    %dma_start3A_46 = tpu.memref_slice %arg7[%dma_start3A_42, %dma_start3A_44, %dma_start3A_45] : memref<6x128x16xf32, #tpu.memory_space<vmem>> -> memref<1x128x16xf32, #tpu.memory_space<vmem>>
    %dma_start3A_47 = tpu.memref_squeeze %dma_start3A_46 : memref<1x128x16xf32, #tpu.memory_space<vmem>> -> memref<128x16xf32, #tpu.memory_space<vmem>>
    %dma_start3A_48 = arith.constant 0 : i32
    %dma_start3A_49 = tpu.memref_slice %arg6[%dma_start3A_40, %dma_start3A_41, %dma_start3A_48] : memref<78x2x128xi32, #tpu.memory_space<vmem>> -> memref<1x1x128xi32, #tpu.memory_space<vmem>>
    %dma_start3A_50 = tpu.memref_squeeze %dma_start3A_49 : memref<1x1x128xi32, #tpu.memory_space<vmem>> -> memref<128xi32, #tpu.memory_space<vmem>>
    %dma_start3A_51 = arith.constant 0 : i32
    %dma_start3A_52 = arith.constant 0 : i32
    %dma_start3A_53 = tpu.memref_slice %arg11[%dma_start3A_51, %dma_start3A_52] : memref<10000x16xf32, #tpu.memory_space<vmem_shared>> -> memref<10000x16xf32, #tpu.memory_space<vmem_shared>>
    %dma_start3A_54 = tpu.memref_slice %arg12[%dma_start3A_43] : memref<6x!tpu.dma_semaphore, #tpu.memory_space<semaphore_mem>> -> memref<1x!tpu.dma_semaphore, #tpu.memory_space<semaphore_mem>>
    %dma_start3A_55 = tpu.memref_squeeze %dma_start3A_54 : memref<1x!tpu.dma_semaphore, #tpu.memory_space<semaphore_mem>> -> memref<!tpu.dma_semaphore, #tpu.memory_space<semaphore_mem>>
    tpu.enqueue_indirect_dma source(%dma_start3A_53 : memref<10000x16xf32, #tpu.memory_space<vmem_shared>>) target(%dma_start3A_47 : memref<128x16xf32, #tpu.memory_space<vmem>>) offsets(%dma_start3A_50 : memref<128xi32, #tpu.memory_space<vmem>>) semaphore(%dma_start3A_55 : memref<!tpu.dma_semaphore, #tpu.memory_space<semaphore_mem>>)
    %scan3A = arith.constant 0 : i32
    %scan3A_56 = arith.constant 0 : i32
    %scan3A_57 = arith.constant 13 : i32
    %scan3A_58 = arith.addi %scan3A_56, %scan3A_57 : i32
    %scan3A_59 = arith.constant 1 : i32
    scf.for %scan3A_163 = %scan3A_56 to %scan3A_58 step %scan3A_59  : i32 {
      %mul3A_164 = arith.constant 6 : i32
      %mul3A_165 = arith.muli %scan3A_163, %mul3A_164 : i32
      %add3A_166 = arith.constant 0 : i32
      %add3A_167 = arith.addi %mul3A_165, %add3A_166 : i32
      %dma_wait3A_168 = arith.constant 0 : i32
      %dma_wait3A_169 = arith.constant 0 : i32
      %dma_wait3A_170 = arith.constant 0 : i32
      %dma_wait3A_171 = arith.constant 0 : i32
      %dma_wait3A_172 = arith.constant 0 : i32
      %dma_wait3A_173 = tpu.memref_slice %arg7[%dma_wait3A_169, %dma_wait3A_171, %dma_wait3A_172] : memref<6x128x16xf32, #tpu.memory_space<vmem>> -> memref<1x128x16xf32, #tpu.memory_space<vmem>>
      %dma_wait3A_174 = tpu.memref_squeeze %dma_wait3A_173 : memref<1x128x16xf32, #tpu.memory_space<vmem>> -> memref<128x16xf32, #tpu.memory_space<vmem>>
      %dma_wait3A_175 = arith.constant 0 : i32
      %dma_wait3A_176 = tpu.memref_slice %arg6[%add3A_167, %dma_wait3A_168, %dma_wait3A_175] : memref<78x2x128xi32, #tpu.memory_space<vmem>> -> memref<1x1x128xi32, #tpu.memory_space<vmem>>
      %dma_wait3A_177 = tpu.memref_squeeze %dma_wait3A_176 : memref<1x1x128xi32, #tpu.memory_space<vmem>> -> memref<128xi32, #tpu.memory_space<vmem>>
      %dma_wait3A_178 = arith.constant 0 : i32
      %dma_wait3A_179 = arith.constant 0 : i32
      %dma_wait3A_180 = tpu.memref_slice %arg11[%dma_wait3A_178, %dma_wait3A_179] : memref<10000x16xf32, #tpu.memory_space<vmem_shared>> -> memref<10000x16xf32, #tpu.memory_space<vmem_shared>>
      %dma_wait3A_181 = tpu.memref_slice %arg12[%dma_wait3A_170] : memref<6x!tpu.dma_semaphore, #tpu.memory_space<semaphore_mem>> -> memref<1x!tpu.dma_semaphore, #tpu.memory_space<semaphore_mem>>
      %dma_wait3A_182 = tpu.memref_squeeze %dma_wait3A_181 : memref<1x!tpu.dma_semaphore, #tpu.memory_space<semaphore_mem>> -> memref<!tpu.dma_semaphore, #tpu.memory_space<semaphore_mem>>
      tpu.wait_indirect_dma semaphore(%dma_wait3A_182 : memref<!tpu.dma_semaphore, #tpu.memory_space<semaphore_mem>>) src(%dma_wait3A_180 : memref<10000x16xf32, #tpu.memory_space<vmem_shared>>) dst(%dma_wait3A_174 : memref<128x16xf32, #tpu.memory_space<vmem>>)
      %dma_start3A_183 = arith.constant 0 : i32
      %dma_start3A_184 = arith.constant 1 : i32
      %dma_start3A_185 = arith.constant 0 : i32
      %dma_start3A_186 = arith.constant 0 : i32
      %dma_start3A_187 = arith.constant 0 : i32
      %dma_start3A_188 = tpu.memref_slice %arg7[%dma_start3A_183, %dma_start3A_186, %dma_start3A_187] : memref<6x128x16xf32, #tpu.memory_space<vmem>> -> memref<1x128x16xf32, #tpu.memory_space<vmem>>
      %dma_start3A_189 = tpu.memref_squeeze %dma_start3A_188 : memref<1x128x16xf32, #tpu.memory_space<vmem>> -> memref<128x16xf32, #tpu.memory_space<vmem>>
      %dma_start3A_190 = arith.constant 0 : i32
      %dma_start3A_191 = tpu.memref_slice %arg6[%add3A_167, %dma_start3A_184, %dma_start3A_190] : memref<78x2x128xi32, #tpu.memory_space<vmem>> -> memref<1x1x128xi32, #tpu.memory_space<vmem>>
      %dma_start3A_192 = tpu.memref_squeeze %dma_start3A_191 : memref<1x1x128xi32, #tpu.memory_space<vmem>> -> memref<128xi32, #tpu.memory_space<vmem>>
      %dma_start3A_193 = arith.constant 0 : i32
      %dma_start3A_194 = arith.constant 0 : i32
      %dma_start3A_195 = tpu.memref_slice %arg10[%dma_start3A_193, %dma_start3A_194] : memref<10240x16xf32, #tpu.memory_space<vmem_shared>> -> memref<10240x16xf32, #tpu.memory_space<vmem_shared>>
      %dma_start3A_196 = tpu.memref_slice %arg13[%dma_start3A_185] : memref<6x!tpu.dma_semaphore, #tpu.memory_space<semaphore_mem>> -> memref<1x!tpu.dma_semaphore, #tpu.memory_space<semaphore_mem>>
      %dma_start3A_197 = tpu.memref_squeeze %dma_start3A_196 : memref<1x!tpu.dma_semaphore, #tpu.memory_space<semaphore_mem>> -> memref<!tpu.dma_semaphore, #tpu.memory_space<semaphore_mem>>
      tpu.enqueue_indirect_dma source(%dma_start3A_189 : memref<128x16xf32, #tpu.memory_space<vmem>>) target(%dma_start3A_195 : memref<10240x16xf32, #tpu.memory_space<vmem_shared>>) offsets(%dma_start3A_192 : memref<128xi32, #tpu.memory_space<vmem>>) semaphore(%dma_start3A_197 : memref<!tpu.dma_semaphore, #tpu.memory_space<semaphore_mem>>) {add = true}
      %add3A_198 = arith.constant 3 : i32
      %add3A_199 = arith.addi %add3A_167, %add3A_198 : i32
      %lt3A_200 = arith.constant 78 : i32
      %lt3A_201 = arith.cmpi slt, %add3A_199, %lt3A_200 : i32
      %convert_element_type3A_202 = arith.extui %lt3A_201 : i1 to i32
      %cond3A_203 = arith.constant 0 : i32
      %cond3A_204 = arith.cmpi ne, %convert_element_type3A_202, %cond3A_203 : i32
      scf.if %cond3A_204 {
        %ge3A = arith.constant 3 : i32
        %ge3A_410 = arith.cmpi sge, %add3A_167, %ge3A : i32
        %convert_element_type3A_411 = arith.extui %ge3A_410 : i1 to i32
        %cond3A_412 = arith.constant 0 : i32
        %cond3A_413 = arith.cmpi ne, %convert_element_type3A_411, %cond3A_412 : i32
        scf.if %cond3A_413 {
          %dma_wait3A_431 = arith.constant 3 : i32
          %dma_wait3A_432 = arith.constant 1 : i32
          %dma_wait3A_433 = arith.constant 3 : i32
          %dma_wait3A_434 = arith.constant 0 : i32
          %dma_wait3A_435 = arith.constant 0 : i32
          %dma_wait3A_436 = tpu.memref_slice %arg7[%dma_wait3A_431, %dma_wait3A_434, %dma_wait3A_435] : memref<6x128x16xf32, #tpu.memory_space<vmem>> -> memref<1x128x16xf32, #tpu.memory_space<vmem>>
          %dma_wait3A_437 = tpu.memref_squeeze %dma_wait3A_436 : memref<1x128x16xf32, #tpu.memory_space<vmem>> -> memref<128x16xf32, #tpu.memory_space<vmem>>
          %dma_wait3A_438 = arith.constant 0 : i32
          %dma_wait3A_439 = tpu.memref_slice %arg6[%add3A_167, %dma_wait3A_432, %dma_wait3A_438] : memref<78x2x128xi32, #tpu.memory_space<vmem>> -> memref<1x1x128xi32, #tpu.memory_space<vmem>>
          %dma_wait3A_440 = tpu.memref_squeeze %dma_wait3A_439 : memref<1x1x128xi32, #tpu.memory_space<vmem>> -> memref<128xi32, #tpu.memory_space<vmem>>
          %dma_wait3A_441 = arith.constant 0 : i32
          %dma_wait3A_442 = arith.constant 0 : i32
          %dma_wait3A_443 = tpu.memref_slice %arg10[%dma_wait3A_441, %dma_wait3A_442] : memref<10240x16xf32, #tpu.memory_space<vmem_shared>> -> memref<10240x16xf32, #tpu.memory_space<vmem_shared>>
          %dma_wait3A_444 = tpu.memref_slice %arg13[%dma_wait3A_433] : memref<6x!tpu.dma_semaphore, #tpu.memory_space<semaphore_mem>> -> memref<1x!tpu.dma_semaphore, #tpu.memory_space<semaphore_mem>>
          %dma_wait3A_445 = tpu.memref_squeeze %dma_wait3A_444 : memref<1x!tpu.dma_semaphore, #tpu.memory_space<semaphore_mem>> -> memref<!tpu.dma_semaphore, #tpu.memory_space<semaphore_mem>>
          tpu.wait_indirect_dma semaphore(%dma_wait3A_445 : memref<!tpu.dma_semaphore, #tpu.memory_space<semaphore_mem>>) src(%dma_wait3A_437 : memref<128x16xf32, #tpu.memory_space<vmem>>) dst(%dma_wait3A_443 : memref<10240x16xf32, #tpu.memory_space<vmem_shared>>)
        } else {
        }
        %add3A_414 = arith.constant 3 : i32
        %add3A_415 = arith.addi %add3A_167, %add3A_414 : i32
        %dma_start3A_416 = arith.constant 0 : i32
        %dma_start3A_417 = arith.constant 3 : i32
        %dma_start3A_418 = arith.constant 3 : i32
        %dma_start3A_419 = arith.constant 0 : i32
        %dma_start3A_420 = arith.constant 0 : i32
        %dma_start3A_421 = tpu.memref_slice %arg7[%dma_start3A_417, %dma_start3A_419, %dma_start3A_420] : memref<6x128x16xf32, #tpu.memory_space<vmem>> -> memref<1x128x16xf32, #tpu.memory_space<vmem>>
        %dma_start3A_422 = tpu.memref_squeeze %dma_start3A_421 : memref<1x128x16xf32, #tpu.memory_space<vmem>> -> memref<128x16xf32, #tpu.memory_space<vmem>>
        %dma_start3A_423 = arith.constant 0 : i32
        %dma_start3A_424 = tpu.memref_slice %arg6[%add3A_415, %dma_start3A_416, %dma_start3A_423] : memref<78x2x128xi32, #tpu.memory_space<vmem>> -> memref<1x1x128xi32, #tpu.memory_space<vmem>>
        %dma_start3A_425 = tpu.memref_squeeze %dma_start3A_424 : memref<1x1x128xi32, #tpu.memory_space<vmem>> -> memref<128xi32, #tpu.memory_space<vmem>>
        %dma_start3A_426 = arith.constant 0 : i32
        %dma_start3A_427 = arith.constant 0 : i32
        %dma_start3A_428 = tpu.memref_slice %arg11[%dma_start3A_426, %dma_start3A_427] : memref<10000x16xf32, #tpu.memory_space<vmem_shared>> -> memref<10000x16xf32, #tpu.memory_space<vmem_shared>>
        %dma_start3A_429 = tpu.memref_slice %arg12[%dma_start3A_418] : memref<6x!tpu.dma_semaphore, #tpu.memory_space<semaphore_mem>> -> memref<1x!tpu.dma_semaphore, #tpu.memory_space<semaphore_mem>>
        %dma_start3A_430 = tpu.memref_squeeze %dma_start3A_429 : memref<1x!tpu.dma_semaphore, #tpu.memory_space<semaphore_mem>> -> memref<!tpu.dma_semaphore, #tpu.memory_space<semaphore_mem>>
        tpu.enqueue_indirect_dma source(%dma_start3A_428 : memref<10000x16xf32, #tpu.memory_space<vmem_shared>>) target(%dma_start3A_422 : memref<128x16xf32, #tpu.memory_space<vmem>>) offsets(%dma_start3A_425 : memref<128xi32, #tpu.memory_space<vmem>>) semaphore(%dma_start3A_430 : memref<!tpu.dma_semaphore, #tpu.memory_space<semaphore_mem>>)
      } else {
      }
      %mul3A_205 = arith.constant 6 : i32
      %mul3A_206 = arith.muli %scan3A_163, %mul3A_205 : i32
      %add3A_207 = arith.constant 1 : i32
      %add3A_208 = arith.addi %mul3A_206, %add3A_207 : i32
      %dma_wait3A_209 = arith.constant 0 : i32
      %dma_wait3A_210 = arith.constant 1 : i32
      %dma_wait3A_211 = arith.constant 1 : i32
      %dma_wait3A_212 = arith.constant 0 : i32
      %dma_wait3A_213 = arith.constant 0 : i32
      %dma_wait3A_214 = tpu.memref_slice %arg7[%dma_wait3A_210, %dma_wait3A_212, %dma_wait3A_213] : memref<6x128x16xf32, #tpu.memory_space<vmem>> -> memref<1x128x16xf32, #tpu.memory_space<vmem>>
      %dma_wait3A_215 = tpu.memref_squeeze %dma_wait3A_214 : memref<1x128x16xf32, #tpu.memory_space<vmem>> -> memref<128x16xf32, #tpu.memory_space<vmem>>
      %dma_wait3A_216 = arith.constant 0 : i32
      %dma_wait3A_217 = tpu.memref_slice %arg6[%add3A_208, %dma_wait3A_209, %dma_wait3A_216] : memref<78x2x128xi32, #tpu.memory_space<vmem>> -> memref<1x1x128xi32, #tpu.memory_space<vmem>>
      %dma_wait3A_218 = tpu.memref_squeeze %dma_wait3A_217 : memref<1x1x128xi32, #tpu.memory_space<vmem>> -> memref<128xi32, #tpu.memory_space<vmem>>
      %dma_wait3A_219 = arith.constant 0 : i32
      %dma_wait3A_220 = arith.constant 0 : i32
      %dma_wait3A_221 = tpu.memref_slice %arg11[%dma_wait3A_219, %dma_wait3A_220] : memref<10000x16xf32, #tpu.memory_space<vmem_shared>> -> memref<10000x16xf32, #tpu.memory_space<vmem_shared>>
      %dma_wait3A_222 = tpu.memref_slice %arg12[%dma_wait3A_211] : memref<6x!tpu.dma_semaphore, #tpu.memory_space<semaphore_mem>> -> memref<1x!tpu.dma_semaphore, #tpu.memory_space<semaphore_mem>>
      %dma_wait3A_223 = tpu.memref_squeeze %dma_wait3A_222 : memref<1x!tpu.dma_semaphore, #tpu.memory_space<semaphore_mem>> -> memref<!tpu.dma_semaphore, #tpu.memory_space<semaphore_mem>>
      tpu.wait_indirect_dma semaphore(%dma_wait3A_223 : memref<!tpu.dma_semaphore, #tpu.memory_space<semaphore_mem>>) src(%dma_wait3A_221 : memref<10000x16xf32, #tpu.memory_space<vmem_shared>>) dst(%dma_wait3A_215 : memref<128x16xf32, #tpu.memory_space<vmem>>)
      %dma_start3A_224 = arith.constant 1 : i32
      %dma_start3A_225 = arith.constant 1 : i32
      %dma_start3A_226 = arith.constant 1 : i32
      %dma_start3A_227 = arith.constant 0 : i32
      %dma_start3A_228 = arith.constant 0 : i32
      %dma_start3A_229 = tpu.memref_slice %arg7[%dma_start3A_224, %dma_start3A_227, %dma_start3A_228] : memref<6x128x16xf32, #tpu.memory_space<vmem>> -> memref<1x128x16xf32, #tpu.memory_space<vmem>>
      %dma_start3A_230 = tpu.memref_squeeze %dma_start3A_229 : memref<1x128x16xf32, #tpu.memory_space<vmem>> -> memref<128x16xf32, #tpu.memory_space<vmem>>
      %dma_start3A_231 = arith.constant 0 : i32
      %dma_start3A_232 = tpu.memref_slice %arg6[%add3A_208, %dma_start3A_225, %dma_start3A_231] : memref<78x2x128xi32, #tpu.memory_space<vmem>> -> memref<1x1x128xi32, #tpu.memory_space<vmem>>
      %dma_start3A_233 = tpu.memref_squeeze %dma_start3A_232 : memref<1x1x128xi32, #tpu.memory_space<vmem>> -> memref<128xi32, #tpu.memory_space<vmem>>
      %dma_start3A_234 = arith.constant 0 : i32
      %dma_start3A_235 = arith.constant 0 : i32
      %dma_start3A_236 = tpu.memref_slice %arg10[%dma_start3A_234, %dma_start3A_235] : memref<10240x16xf32, #tpu.memory_space<vmem_shared>> -> memref<10240x16xf32, #tpu.memory_space<vmem_shared>>
      %dma_start3A_237 = tpu.memref_slice %arg13[%dma_start3A_226] : memref<6x!tpu.dma_semaphore, #tpu.memory_space<semaphore_mem>> -> memref<1x!tpu.dma_semaphore, #tpu.memory_space<semaphore_mem>>
      %dma_start3A_238 = tpu.memref_squeeze %dma_start3A_237 : memref<1x!tpu.dma_semaphore, #tpu.memory_space<semaphore_mem>> -> memref<!tpu.dma_semaphore, #tpu.memory_space<semaphore_mem>>
      tpu.enqueue_indirect_dma source(%dma_start3A_230 : memref<128x16xf32, #tpu.memory_space<vmem>>) target(%dma_start3A_236 : memref<10240x16xf32, #tpu.memory_space<vmem_shared>>) offsets(%dma_start3A_233 : memref<128xi32, #tpu.memory_space<vmem>>) semaphore(%dma_start3A_238 : memref<!tpu.dma_semaphore, #tpu.memory_space<semaphore_mem>>) {add = true}
      %add3A_239 = arith.constant 3 : i32
      %add3A_240 = arith.addi %add3A_208, %add3A_239 : i32
      %lt3A_241 = arith.constant 78 : i32
      %lt3A_242 = arith.cmpi slt, %add3A_240, %lt3A_241 : i32
      %convert_element_type3A_243 = arith.extui %lt3A_242 : i1 to i32
      %cond3A_244 = arith.constant 0 : i32
      %cond3A_245 = arith.cmpi ne, %convert_element_type3A_243, %cond3A_244 : i32
      scf.if %cond3A_245 {
        %ge3A = arith.constant 3 : i32
        %ge3A_410 = arith.cmpi sge, %add3A_208, %ge3A : i32
        %convert_element_type3A_411 = arith.extui %ge3A_410 : i1 to i32
        %cond3A_412 = arith.constant 0 : i32
        %cond3A_413 = arith.cmpi ne, %convert_element_type3A_411, %cond3A_412 : i32
        scf.if %cond3A_413 {
          %dma_wait3A_431 = arith.constant 4 : i32
          %dma_wait3A_432 = arith.constant 1 : i32
          %dma_wait3A_433 = arith.constant 4 : i32
          %dma_wait3A_434 = arith.constant 0 : i32
          %dma_wait3A_435 = arith.constant 0 : i32
          %dma_wait3A_436 = tpu.memref_slice %arg7[%dma_wait3A_431, %dma_wait3A_434, %dma_wait3A_435] : memref<6x128x16xf32, #tpu.memory_space<vmem>> -> memref<1x128x16xf32, #tpu.memory_space<vmem>>
          %dma_wait3A_437 = tpu.memref_squeeze %dma_wait3A_436 : memref<1x128x16xf32, #tpu.memory_space<vmem>> -> memref<128x16xf32, #tpu.memory_space<vmem>>
          %dma_wait3A_438 = arith.constant 0 : i32
          %dma_wait3A_439 = tpu.memref_slice %arg6[%add3A_208, %dma_wait3A_432, %dma_wait3A_438] : memref<78x2x128xi32, #tpu.memory_space<vmem>> -> memref<1x1x128xi32, #tpu.memory_space<vmem>>
          %dma_wait3A_440 = tpu.memref_squeeze %dma_wait3A_439 : memref<1x1x128xi32, #tpu.memory_space<vmem>> -> memref<128xi32, #tpu.memory_space<vmem>>
          %dma_wait3A_441 = arith.constant 0 : i32
          %dma_wait3A_442 = arith.constant 0 : i32
          %dma_wait3A_443 = tpu.memref_slice %arg10[%dma_wait3A_441, %dma_wait3A_442] : memref<10240x16xf32, #tpu.memory_space<vmem_shared>> -> memref<10240x16xf32, #tpu.memory_space<vmem_shared>>
          %dma_wait3A_444 = tpu.memref_slice %arg13[%dma_wait3A_433] : memref<6x!tpu.dma_semaphore, #tpu.memory_space<semaphore_mem>> -> memref<1x!tpu.dma_semaphore, #tpu.memory_space<semaphore_mem>>
          %dma_wait3A_445 = tpu.memref_squeeze %dma_wait3A_444 : memref<1x!tpu.dma_semaphore, #tpu.memory_space<semaphore_mem>> -> memref<!tpu.dma_semaphore, #tpu.memory_space<semaphore_mem>>
          tpu.wait_indirect_dma semaphore(%dma_wait3A_445 : memref<!tpu.dma_semaphore, #tpu.memory_space<semaphore_mem>>) src(%dma_wait3A_437 : memref<128x16xf32, #tpu.memory_space<vmem>>) dst(%dma_wait3A_443 : memref<10240x16xf32, #tpu.memory_space<vmem_shared>>)
        } else {
        }
        %add3A_414 = arith.constant 3 : i32
        %add3A_415 = arith.addi %add3A_208, %add3A_414 : i32
        %dma_start3A_416 = arith.constant 0 : i32
        %dma_start3A_417 = arith.constant 4 : i32
        %dma_start3A_418 = arith.constant 4 : i32
        %dma_start3A_419 = arith.constant 0 : i32
        %dma_start3A_420 = arith.constant 0 : i32
        %dma_start3A_421 = tpu.memref_slice %arg7[%dma_start3A_417, %dma_start3A_419, %dma_start3A_420] : memref<6x128x16xf32, #tpu.memory_space<vmem>> -> memref<1x128x16xf32, #tpu.memory_space<vmem>>
        %dma_start3A_422 = tpu.memref_squeeze %dma_start3A_421 : memref<1x128x16xf32, #tpu.memory_space<vmem>> -> memref<128x16xf32, #tpu.memory_space<vmem>>
        %dma_start3A_423 = arith.constant 0 : i32
        %dma_start3A_424 = tpu.memref_slice %arg6[%add3A_415, %dma_start3A_416, %dma_start3A_423] : memref<78x2x128xi32, #tpu.memory_space<vmem>> -> memref<1x1x128xi32, #tpu.memory_space<vmem>>
        %dma_start3A_425 = tpu.memref_squeeze %dma_start3A_424 : memref<1x1x128xi32, #tpu.memory_space<vmem>> -> memref<128xi32, #tpu.memory_space<vmem>>
        %dma_start3A_426 = arith.constant 0 : i32
        %dma_start3A_427 = arith.constant 0 : i32
        %dma_start3A_428 = tpu.memref_slice %arg11[%dma_start3A_426, %dma_start3A_427] : memref<10000x16xf32, #tpu.memory_space<vmem_shared>> -> memref<10000x16xf32, #tpu.memory_space<vmem_shared>>
        %dma_start3A_429 = tpu.memref_slice %arg12[%dma_start3A_418] : memref<6x!tpu.dma_semaphore, #tpu.memory_space<semaphore_mem>> -> memref<1x!tpu.dma_semaphore, #tpu.memory_space<semaphore_mem>>
        %dma_start3A_430 = tpu.memref_squeeze %dma_start3A_429 : memref<1x!tpu.dma_semaphore, #tpu.memory_space<semaphore_mem>> -> memref<!tpu.dma_semaphore, #tpu.memory_space<semaphore_mem>>
        tpu.enqueue_indirect_dma source(%dma_start3A_428 : memref<10000x16xf32, #tpu.memory_space<vmem_shared>>) target(%dma_start3A_422 : memref<128x16xf32, #tpu.memory_space<vmem>>) offsets(%dma_start3A_425 : memref<128xi32, #tpu.memory_space<vmem>>) semaphore(%dma_start3A_430 : memref<!tpu.dma_semaphore, #tpu.memory_space<semaphore_mem>>)
      } else {
      }
      %mul3A_246 = arith.constant 6 : i32
      %mul3A_247 = arith.muli %scan3A_163, %mul3A_246 : i32
      %add3A_248 = arith.constant 2 : i32
      %add3A_249 = arith.addi %mul3A_247, %add3A_248 : i32
      %dma_wait3A_250 = arith.constant 0 : i32
      %dma_wait3A_251 = arith.constant 2 : i32
      %dma_wait3A_252 = arith.constant 2 : i32
      %dma_wait3A_253 = arith.constant 0 : i32
      %dma_wait3A_254 = arith.constant 0 : i32
      %dma_wait3A_255 = tpu.memref_slice %arg7[%dma_wait3A_251, %dma_wait3A_253, %dma_wait3A_254] : memref<6x128x16xf32, #tpu.memory_space<vmem>> -> memref<1x128x16xf32, #tpu.memory_space<vmem>>
      %dma_wait3A_256 = tpu.memref_squeeze %dma_wait3A_255 : memref<1x128x16xf32, #tpu.memory_space<vmem>> -> memref<128x16xf32, #tpu.memory_space<vmem>>
      %dma_wait3A_257 = arith.constant 0 : i32
      %dma_wait3A_258 = tpu.memref_slice %arg6[%add3A_249, %dma_wait3A_250, %dma_wait3A_257] : memref<78x2x128xi32, #tpu.memory_space<vmem>> -> memref<1x1x128xi32, #tpu.memory_space<vmem>>
      %dma_wait3A_259 = tpu.memref_squeeze %dma_wait3A_258 : memref<1x1x128xi32, #tpu.memory_space<vmem>> -> memref<128xi32, #tpu.memory_space<vmem>>
      %dma_wait3A_260 = arith.constant 0 : i32
      %dma_wait3A_261 = arith.constant 0 : i32
      %dma_wait3A_262 = tpu.memref_slice %arg11[%dma_wait3A_260, %dma_wait3A_261] : memref<10000x16xf32, #tpu.memory_space<vmem_shared>> -> memref<10000x16xf32, #tpu.memory_space<vmem_shared>>
      %dma_wait3A_263 = tpu.memref_slice %arg12[%dma_wait3A_252] : memref<6x!tpu.dma_semaphore, #tpu.memory_space<semaphore_mem>> -> memref<1x!tpu.dma_semaphore, #tpu.memory_space<semaphore_mem>>
      %dma_wait3A_264 = tpu.memref_squeeze %dma_wait3A_263 : memref<1x!tpu.dma_semaphore, #tpu.memory_space<semaphore_mem>> -> memref<!tpu.dma_semaphore, #tpu.memory_space<semaphore_mem>>
      tpu.wait_indirect_dma semaphore(%dma_wait3A_264 : memref<!tpu.dma_semaphore, #tpu.memory_space<semaphore_mem>>) src(%dma_wait3A_262 : memref<10000x16xf32, #tpu.memory_space<vmem_shared>>) dst(%dma_wait3A_256 : memref<128x16xf32, #tpu.memory_space<vmem>>)
      %dma_start3A_265 = arith.constant 2 : i32
      %dma_start3A_266 = arith.constant 1 : i32
      %dma_start3A_267 = arith.constant 2 : i32
      %dma_start3A_268 = arith.constant 0 : i32
      %dma_start3A_269 = arith.constant 0 : i32
      %dma_start3A_270 = tpu.memref_slice %arg7[%dma_start3A_265, %dma_start3A_268, %dma_start3A_269] : memref<6x128x16xf32, #tpu.memory_space<vmem>> -> memref<1x128x16xf32, #tpu.memory_space<vmem>>
      %dma_start3A_271 = tpu.memref_squeeze %dma_start3A_270 : memref<1x128x16xf32, #tpu.memory_space<vmem>> -> memref<128x16xf32, #tpu.memory_space<vmem>>
      %dma_start3A_272 = arith.constant 0 : i32
      %dma_start3A_273 = tpu.memref_slice %arg6[%add3A_249, %dma_start3A_266, %dma_start3A_272] : memref<78x2x128xi32, #tpu.memory_space<vmem>> -> memref<1x1x128xi32, #tpu.memory_space<vmem>>
      %dma_start3A_274 = tpu.memref_squeeze %dma_start3A_273 : memref<1x1x128xi32, #tpu.memory_space<vmem>> -> memref<128xi32, #tpu.memory_space<vmem>>
      %dma_start3A_275 = arith.constant 0 : i32
      %dma_start3A_276 = arith.constant 0 : i32
      %dma_start3A_277 = tpu.memref_slice %arg10[%dma_start3A_275, %dma_start3A_276] : memref<10240x16xf32, #tpu.memory_space<vmem_shared>> -> memref<10240x16xf32, #tpu.memory_space<vmem_shared>>
      %dma_start3A_278 = tpu.memref_slice %arg13[%dma_start3A_267] : memref<6x!tpu.dma_semaphore, #tpu.memory_space<semaphore_mem>> -> memref<1x!tpu.dma_semaphore, #tpu.memory_space<semaphore_mem>>
      %dma_start3A_279 = tpu.memref_squeeze %dma_start3A_278 : memref<1x!tpu.dma_semaphore, #tpu.memory_space<semaphore_mem>> -> memref<!tpu.dma_semaphore, #tpu.memory_space<semaphore_mem>>
      tpu.enqueue_indirect_dma source(%dma_start3A_271 : memref<128x16xf32, #tpu.memory_space<vmem>>) target(%dma_start3A_277 : memref<10240x16xf32, #tpu.memory_space<vmem_shared>>) offsets(%dma_start3A_274 : memref<128xi32, #tpu.memory_space<vmem>>) semaphore(%dma_start3A_279 : memref<!tpu.dma_semaphore, #tpu.memory_space<semaphore_mem>>) {add = true}
      %add3A_280 = arith.constant 3 : i32
      %add3A_281 = arith.addi %add3A_249, %add3A_280 : i32
      %lt3A_282 = arith.constant 78 : i32
      %lt3A_283 = arith.cmpi slt, %add3A_281, %lt3A_282 : i32
      %convert_element_type3A_284 = arith.extui %lt3A_283 : i1 to i32
      %cond3A_285 = arith.constant 0 : i32
      %cond3A_286 = arith.cmpi ne, %convert_element_type3A_284, %cond3A_285 : i32
      scf.if %cond3A_286 {
        %ge3A = arith.constant 3 : i32
        %ge3A_410 = arith.cmpi sge, %add3A_249, %ge3A : i32
        %convert_element_type3A_411 = arith.extui %ge3A_410 : i1 to i32
        %cond3A_412 = arith.constant 0 : i32
        %cond3A_413 = arith.cmpi ne, %convert_element_type3A_411, %cond3A_412 : i32
        scf.if %cond3A_413 {
          %dma_wait3A_431 = arith.constant 5 : i32
          %dma_wait3A_432 = arith.constant 1 : i32
          %dma_wait3A_433 = arith.constant 5 : i32
          %dma_wait3A_434 = arith.constant 0 : i32
          %dma_wait3A_435 = arith.constant 0 : i32
          %dma_wait3A_436 = tpu.memref_slice %arg7[%dma_wait3A_431, %dma_wait3A_434, %dma_wait3A_435] : memref<6x128x16xf32, #tpu.memory_space<vmem>> -> memref<1x128x16xf32, #tpu.memory_space<vmem>>
          %dma_wait3A_437 = tpu.memref_squeeze %dma_wait3A_436 : memref<1x128x16xf32, #tpu.memory_space<vmem>> -> memref<128x16xf32, #tpu.memory_space<vmem>>
          %dma_wait3A_438 = arith.constant 0 : i32
          %dma_wait3A_439 = tpu.memref_slice %arg6[%add3A_249, %dma_wait3A_432, %dma_wait3A_438] : memref<78x2x128xi32, #tpu.memory_space<vmem>> -> memref<1x1x128xi32, #tpu.memory_space<vmem>>
          %dma_wait3A_440 = tpu.memref_squeeze %dma_wait3A_439 : memref<1x1x128xi32, #tpu.memory_space<vmem>> -> memref<128xi32, #tpu.memory_space<vmem>>
          %dma_wait3A_441 = arith.constant 0 : i32
          %dma_wait3A_442 = arith.constant 0 : i32
          %dma_wait3A_443 = tpu.memref_slice %arg10[%dma_wait3A_441, %dma_wait3A_442] : memref<10240x16xf32, #tpu.memory_space<vmem_shared>> -> memref<10240x16xf32, #tpu.memory_space<vmem_shared>>
          %dma_wait3A_444 = tpu.memref_slice %arg13[%dma_wait3A_433] : memref<6x!tpu.dma_semaphore, #tpu.memory_space<semaphore_mem>> -> memref<1x!tpu.dma_semaphore, #tpu.memory_space<semaphore_mem>>
          %dma_wait3A_445 = tpu.memref_squeeze %dma_wait3A_444 : memref<1x!tpu.dma_semaphore, #tpu.memory_space<semaphore_mem>> -> memref<!tpu.dma_semaphore, #tpu.memory_space<semaphore_mem>>
          tpu.wait_indirect_dma semaphore(%dma_wait3A_445 : memref<!tpu.dma_semaphore, #tpu.memory_space<semaphore_mem>>) src(%dma_wait3A_437 : memref<128x16xf32, #tpu.memory_space<vmem>>) dst(%dma_wait3A_443 : memref<10240x16xf32, #tpu.memory_space<vmem_shared>>)
        } else {
        }
        %add3A_414 = arith.constant 3 : i32
        %add3A_415 = arith.addi %add3A_249, %add3A_414 : i32
        %dma_start3A_416 = arith.constant 0 : i32
        %dma_start3A_417 = arith.constant 5 : i32
        %dma_start3A_418 = arith.constant 5 : i32
        %dma_start3A_419 = arith.constant 0 : i32
        %dma_start3A_420 = arith.constant 0 : i32
        %dma_start3A_421 = tpu.memref_slice %arg7[%dma_start3A_417, %dma_start3A_419, %dma_start3A_420] : memref<6x128x16xf32, #tpu.memory_space<vmem>> -> memref<1x128x16xf32, #tpu.memory_space<vmem>>
        %dma_start3A_422 = tpu.memref_squeeze %dma_start3A_421 : memref<1x128x16xf32, #tpu.memory_space<vmem>> -> memref<128x16xf32, #tpu.memory_space<vmem>>
        %dma_start3A_423 = arith.constant 0 : i32
        %dma_start3A_424 = tpu.memref_slice %arg6[%add3A_415, %dma_start3A_416, %dma_start3A_423] : memref<78x2x128xi32, #tpu.memory_space<vmem>> -> memref<1x1x128xi32, #tpu.memory_space<vmem>>
        %dma_start3A_425 = tpu.memref_squeeze %dma_start3A_424 : memref<1x1x128xi32, #tpu.memory_space<vmem>> -> memref<128xi32, #tpu.memory_space<vmem>>
        %dma_start3A_426 = arith.constant 0 : i32
        %dma_start3A_427 = arith.constant 0 : i32
        %dma_start3A_428 = tpu.memref_slice %arg11[%dma_start3A_426, %dma_start3A_427] : memref<10000x16xf32, #tpu.memory_space<vmem_shared>> -> memref<10000x16xf32, #tpu.memory_space<vmem_shared>>
        %dma_start3A_429 = tpu.memref_slice %arg12[%dma_start3A_418] : memref<6x!tpu.dma_semaphore, #tpu.memory_space<semaphore_mem>> -> memref<1x!tpu.dma_semaphore, #tpu.memory_space<semaphore_mem>>
        %dma_start3A_430 = tpu.memref_squeeze %dma_start3A_429 : memref<1x!tpu.dma_semaphore, #tpu.memory_space<semaphore_mem>> -> memref<!tpu.dma_semaphore, #tpu.memory_space<semaphore_mem>>
        tpu.enqueue_indirect_dma source(%dma_start3A_428 : memref<10000x16xf32, #tpu.memory_space<vmem_shared>>) target(%dma_start3A_422 : memref<128x16xf32, #tpu.memory_space<vmem>>) offsets(%dma_start3A_425 : memref<128xi32, #tpu.memory_space<vmem>>) semaphore(%dma_start3A_430 : memref<!tpu.dma_semaphore, #tpu.memory_space<semaphore_mem>>)
      } else {
      }
      %mul3A_287 = arith.constant 6 : i32
      %mul3A_288 = arith.muli %scan3A_163, %mul3A_287 : i32
      %add3A_289 = arith.constant 3 : i32
      %add3A_290 = arith.addi %mul3A_288, %add3A_289 : i32
      %dma_wait3A_291 = arith.constant 0 : i32
      %dma_wait3A_292 = arith.constant 3 : i32
      %dma_wait3A_293 = arith.constant 3 : i32
      %dma_wait3A_294 = arith.constant 0 : i32
      %dma_wait3A_295 = arith.constant 0 : i32
      %dma_wait3A_296 = tpu.memref_slice %arg7[%dma_wait3A_292, %dma_wait3A_294, %dma_wait3A_295] : memref<6x128x16xf32, #tpu.memory_space<vmem>> -> memref<1x128x16xf32, #tpu.memory_space<vmem>>
      %dma_wait3A_297 = tpu.memref_squeeze %dma_wait3A_296 : memref<1x128x16xf32, #tpu.memory_space<vmem>> -> memref<128x16xf32, #tpu.memory_space<vmem>>
      %dma_wait3A_298 = arith.constant 0 : i32
      %dma_wait3A_299 = tpu.memref_slice %arg6[%add3A_290, %dma_wait3A_291, %dma_wait3A_298] : memref<78x2x128xi32, #tpu.memory_space<vmem>> -> memref<1x1x128xi32, #tpu.memory_space<vmem>>
      %dma_wait3A_300 = tpu.memref_squeeze %dma_wait3A_299 : memref<1x1x128xi32, #tpu.memory_space<vmem>> -> memref<128xi32, #tpu.memory_space<vmem>>
      %dma_wait3A_301 = arith.constant 0 : i32
      %dma_wait3A_302 = arith.constant 0 : i32
      %dma_wait3A_303 = tpu.memref_slice %arg11[%dma_wait3A_301, %dma_wait3A_302] : memref<10000x16xf32, #tpu.memory_space<vmem_shared>> -> memref<10000x16xf32, #tpu.memory_space<vmem_shared>>
      %dma_wait3A_304 = tpu.memref_slice %arg12[%dma_wait3A_293] : memref<6x!tpu.dma_semaphore, #tpu.memory_space<semaphore_mem>> -> memref<1x!tpu.dma_semaphore, #tpu.memory_space<semaphore_mem>>
      %dma_wait3A_305 = tpu.memref_squeeze %dma_wait3A_304 : memref<1x!tpu.dma_semaphore, #tpu.memory_space<semaphore_mem>> -> memref<!tpu.dma_semaphore, #tpu.memory_space<semaphore_mem>>
      tpu.wait_indirect_dma semaphore(%dma_wait3A_305 : memref<!tpu.dma_semaphore, #tpu.memory_space<semaphore_mem>>) src(%dma_wait3A_303 : memref<10000x16xf32, #tpu.memory_space<vmem_shared>>) dst(%dma_wait3A_297 : memref<128x16xf32, #tpu.memory_space<vmem>>)
      %dma_start3A_306 = arith.constant 3 : i32
      %dma_start3A_307 = arith.constant 1 : i32
      %dma_start3A_308 = arith.constant 3 : i32
      %dma_start3A_309 = arith.constant 0 : i32
      %dma_start3A_310 = arith.constant 0 : i32
      %dma_start3A_311 = tpu.memref_slice %arg7[%dma_start3A_306, %dma_start3A_309, %dma_start3A_310] : memref<6x128x16xf32, #tpu.memory_space<vmem>> -> memref<1x128x16xf32, #tpu.memory_space<vmem>>
      %dma_start3A_312 = tpu.memref_squeeze %dma_start3A_311 : memref<1x128x16xf32, #tpu.memory_space<vmem>> -> memref<128x16xf32, #tpu.memory_space<vmem>>
      %dma_start3A_313 = arith.constant 0 : i32
      %dma_start3A_314 = tpu.memref_slice %arg6[%add3A_290, %dma_start3A_307, %dma_start3A_313] : memref<78x2x128xi32, #tpu.memory_space<vmem>> -> memref<1x1x128xi32, #tpu.memory_space<vmem>>
      %dma_start3A_315 = tpu.memref_squeeze %dma_start3A_314 : memref<1x1x128xi32, #tpu.memory_space<vmem>> -> memref<128xi32, #tpu.memory_space<vmem>>
      %dma_start3A_316 = arith.constant 0 : i32
      %dma_start3A_317 = arith.constant 0 : i32
      %dma_start3A_318 = tpu.memref_slice %arg10[%dma_start3A_316, %dma_start3A_317] : memref<10240x16xf32, #tpu.memory_space<vmem_shared>> -> memref<10240x16xf32, #tpu.memory_space<vmem_shared>>
      %dma_start3A_319 = tpu.memref_slice %arg13[%dma_start3A_308] : memref<6x!tpu.dma_semaphore, #tpu.memory_space<semaphore_mem>> -> memref<1x!tpu.dma_semaphore, #tpu.memory_space<semaphore_mem>>
      %dma_start3A_320 = tpu.memref_squeeze %dma_start3A_319 : memref<1x!tpu.dma_semaphore, #tpu.memory_space<semaphore_mem>> -> memref<!tpu.dma_semaphore, #tpu.memory_space<semaphore_mem>>
      tpu.enqueue_indirect_dma source(%dma_start3A_312 : memref<128x16xf32, #tpu.memory_space<vmem>>) target(%dma_start3A_318 : memref<10240x16xf32, #tpu.memory_space<vmem_shared>>) offsets(%dma_start3A_315 : memref<128xi32, #tpu.memory_space<vmem>>) semaphore(%dma_start3A_320 : memref<!tpu.dma_semaphore, #tpu.memory_space<semaphore_mem>>) {add = true}
      %add3A_321 = arith.constant 3 : i32
      %add3A_322 = arith.addi %add3A_290, %add3A_321 : i32
      %lt3A_323 = arith.constant 78 : i32
      %lt3A_324 = arith.cmpi slt, %add3A_322, %lt3A_323 : i32
      %convert_element_type3A_325 = arith.extui %lt3A_324 : i1 to i32
      %cond3A_326 = arith.constant 0 : i32
      %cond3A_327 = arith.cmpi ne, %convert_element_type3A_325, %cond3A_326 : i32
      scf.if %cond3A_327 {
        %ge3A = arith.constant 3 : i32
        %ge3A_410 = arith.cmpi sge, %add3A_290, %ge3A : i32
        %convert_element_type3A_411 = arith.extui %ge3A_410 : i1 to i32
        %cond3A_412 = arith.constant 0 : i32
        %cond3A_413 = arith.cmpi ne, %convert_element_type3A_411, %cond3A_412 : i32
        scf.if %cond3A_413 {
          %dma_wait3A_431 = arith.constant 0 : i32
          %dma_wait3A_432 = arith.constant 1 : i32
          %dma_wait3A_433 = arith.constant 0 : i32
          %dma_wait3A_434 = arith.constant 0 : i32
          %dma_wait3A_435 = arith.constant 0 : i32
          %dma_wait3A_436 = tpu.memref_slice %arg7[%dma_wait3A_431, %dma_wait3A_434, %dma_wait3A_435] : memref<6x128x16xf32, #tpu.memory_space<vmem>> -> memref<1x128x16xf32, #tpu.memory_space<vmem>>
          %dma_wait3A_437 = tpu.memref_squeeze %dma_wait3A_436 : memref<1x128x16xf32, #tpu.memory_space<vmem>> -> memref<128x16xf32, #tpu.memory_space<vmem>>
          %dma_wait3A_438 = arith.constant 0 : i32
          %dma_wait3A_439 = tpu.memref_slice %arg6[%add3A_290, %dma_wait3A_432, %dma_wait3A_438] : memref<78x2x128xi32, #tpu.memory_space<vmem>> -> memref<1x1x128xi32, #tpu.memory_space<vmem>>
          %dma_wait3A_440 = tpu.memref_squeeze %dma_wait3A_439 : memref<1x1x128xi32, #tpu.memory_space<vmem>> -> memref<128xi32, #tpu.memory_space<vmem>>
          %dma_wait3A_441 = arith.constant 0 : i32
          %dma_wait3A_442 = arith.constant 0 : i32
          %dma_wait3A_443 = tpu.memref_slice %arg10[%dma_wait3A_441, %dma_wait3A_442] : memref<10240x16xf32, #tpu.memory_space<vmem_shared>> -> memref<10240x16xf32, #tpu.memory_space<vmem_shared>>
          %dma_wait3A_444 = tpu.memref_slice %arg13[%dma_wait3A_433] : memref<6x!tpu.dma_semaphore, #tpu.memory_space<semaphore_mem>> -> memref<1x!tpu.dma_semaphore, #tpu.memory_space<semaphore_mem>>
          %dma_wait3A_445 = tpu.memref_squeeze %dma_wait3A_444 : memref<1x!tpu.dma_semaphore, #tpu.memory_space<semaphore_mem>> -> memref<!tpu.dma_semaphore, #tpu.memory_space<semaphore_mem>>
          tpu.wait_indirect_dma semaphore(%dma_wait3A_445 : memref<!tpu.dma_semaphore, #tpu.memory_space<semaphore_mem>>) src(%dma_wait3A_437 : memref<128x16xf32, #tpu.memory_space<vmem>>) dst(%dma_wait3A_443 : memref<10240x16xf32, #tpu.memory_space<vmem_shared>>)
        } else {
        }
        %add3A_414 = arith.constant 3 : i32
        %add3A_415 = arith.addi %add3A_290, %add3A_414 : i32
        %dma_start3A_416 = arith.constant 0 : i32
        %dma_start3A_417 = arith.constant 0 : i32
        %dma_start3A_418 = arith.constant 0 : i32
        %dma_start3A_419 = arith.constant 0 : i32
        %dma_start3A_420 = arith.constant 0 : i32
        %dma_start3A_421 = tpu.memref_slice %arg7[%dma_start3A_417, %dma_start3A_419, %dma_start3A_420] : memref<6x128x16xf32, #tpu.memory_space<vmem>> -> memref<1x128x16xf32, #tpu.memory_space<vmem>>
        %dma_start3A_422 = tpu.memref_squeeze %dma_start3A_421 : memref<1x128x16xf32, #tpu.memory_space<vmem>> -> memref<128x16xf32, #tpu.memory_space<vmem>>
        %dma_start3A_423 = arith.constant 0 : i32
        %dma_start3A_424 = tpu.memref_slice %arg6[%add3A_415, %dma_start3A_416, %dma_start3A_423] : memref<78x2x128xi32, #tpu.memory_space<vmem>> -> memref<1x1x128xi32, #tpu.memory_space<vmem>>
        %dma_start3A_425 = tpu.memref_squeeze %dma_start3A_424 : memref<1x1x128xi32, #tpu.memory_space<vmem>> -> memref<128xi32, #tpu.memory_space<vmem>>
        %dma_start3A_426 = arith.constant 0 : i32
        %dma_start3A_427 = arith.constant 0 : i32
        %dma_start3A_428 = tpu.memref_slice %arg11[%dma_start3A_426, %dma_start3A_427] : memref<10000x16xf32, #tpu.memory_space<vmem_shared>> -> memref<10000x16xf32, #tpu.memory_space<vmem_shared>>
        %dma_start3A_429 = tpu.memref_slice %arg12[%dma_start3A_418] : memref<6x!tpu.dma_semaphore, #tpu.memory_space<semaphore_mem>> -> memref<1x!tpu.dma_semaphore, #tpu.memory_space<semaphore_mem>>
        %dma_start3A_430 = tpu.memref_squeeze %dma_start3A_429 : memref<1x!tpu.dma_semaphore, #tpu.memory_space<semaphore_mem>> -> memref<!tpu.dma_semaphore, #tpu.memory_space<semaphore_mem>>
        tpu.enqueue_indirect_dma source(%dma_start3A_428 : memref<10000x16xf32, #tpu.memory_space<vmem_shared>>) target(%dma_start3A_422 : memref<128x16xf32, #tpu.memory_space<vmem>>) offsets(%dma_start3A_425 : memref<128xi32, #tpu.memory_space<vmem>>) semaphore(%dma_start3A_430 : memref<!tpu.dma_semaphore, #tpu.memory_space<semaphore_mem>>)
      } else {
      }
      %mul3A_328 = arith.constant 6 : i32
      %mul3A_329 = arith.muli %scan3A_163, %mul3A_328 : i32
      %add3A_330 = arith.constant 4 : i32
      %add3A_331 = arith.addi %mul3A_329, %add3A_330 : i32
      %dma_wait3A_332 = arith.constant 0 : i32
      %dma_wait3A_333 = arith.constant 4 : i32
      %dma_wait3A_334 = arith.constant 4 : i32
      %dma_wait3A_335 = arith.constant 0 : i32
      %dma_wait3A_336 = arith.constant 0 : i32
      %dma_wait3A_337 = tpu.memref_slice %arg7[%dma_wait3A_333, %dma_wait3A_335, %dma_wait3A_336] : memref<6x128x16xf32, #tpu.memory_space<vmem>> -> memref<1x128x16xf32, #tpu.memory_space<vmem>>
      %dma_wait3A_338 = tpu.memref_squeeze %dma_wait3A_337 : memref<1x128x16xf32, #tpu.memory_space<vmem>> -> memref<128x16xf32, #tpu.memory_space<vmem>>
      %dma_wait3A_339 = arith.constant 0 : i32
      %dma_wait3A_340 = tpu.memref_slice %arg6[%add3A_331, %dma_wait3A_332, %dma_wait3A_339] : memref<78x2x128xi32, #tpu.memory_space<vmem>> -> memref<1x1x128xi32, #tpu.memory_space<vmem>>
      %dma_wait3A_341 = tpu.memref_squeeze %dma_wait3A_340 : memref<1x1x128xi32, #tpu.memory_space<vmem>> -> memref<128xi32, #tpu.memory_space<vmem>>
      %dma_wait3A_342 = arith.constant 0 : i32
      %dma_wait3A_343 = arith.constant 0 : i32
      %dma_wait3A_344 = tpu.memref_slice %arg11[%dma_wait3A_342, %dma_wait3A_343] : memref<10000x16xf32, #tpu.memory_space<vmem_shared>> -> memref<10000x16xf32, #tpu.memory_space<vmem_shared>>
      %dma_wait3A_345 = tpu.memref_slice %arg12[%dma_wait3A_334] : memref<6x!tpu.dma_semaphore, #tpu.memory_space<semaphore_mem>> -> memref<1x!tpu.dma_semaphore, #tpu.memory_space<semaphore_mem>>
      %dma_wait3A_346 = tpu.memref_squeeze %dma_wait3A_345 : memref<1x!tpu.dma_semaphore, #tpu.memory_space<semaphore_mem>> -> memref<!tpu.dma_semaphore, #tpu.memory_space<semaphore_mem>>
      tpu.wait_indirect_dma semaphore(%dma_wait3A_346 : memref<!tpu.dma_semaphore, #tpu.memory_space<semaphore_mem>>) src(%dma_wait3A_344 : memref<10000x16xf32, #tpu.memory_space<vmem_shared>>) dst(%dma_wait3A_338 : memref<128x16xf32, #tpu.memory_space<vmem>>)
      %dma_start3A_347 = arith.constant 4 : i32
      %dma_start3A_348 = arith.constant 1 : i32
      %dma_start3A_349 = arith.constant 4 : i32
      %dma_start3A_350 = arith.constant 0 : i32
      %dma_start3A_351 = arith.constant 0 : i32
      %dma_start3A_352 = tpu.memref_slice %arg7[%dma_start3A_347, %dma_start3A_350, %dma_start3A_351] : memref<6x128x16xf32, #tpu.memory_space<vmem>> -> memref<1x128x16xf32, #tpu.memory_space<vmem>>
      %dma_start3A_353 = tpu.memref_squeeze %dma_start3A_352 : memref<1x128x16xf32, #tpu.memory_space<vmem>> -> memref<128x16xf32, #tpu.memory_space<vmem>>
      %dma_start3A_354 = arith.constant 0 : i32
      %dma_start3A_355 = tpu.memref_slice %arg6[%add3A_331, %dma_start3A_348, %dma_start3A_354] : memref<78x2x128xi32, #tpu.memory_space<vmem>> -> memref<1x1x128xi32, #tpu.memory_space<vmem>>
      %dma_start3A_356 = tpu.memref_squeeze %dma_start3A_355 : memref<1x1x128xi32, #tpu.memory_space<vmem>> -> memref<128xi32, #tpu.memory_space<vmem>>
      %dma_start3A_357 = arith.constant 0 : i32
      %dma_start3A_358 = arith.constant 0 : i32
      %dma_start3A_359 = tpu.memref_slice %arg10[%dma_start3A_357, %dma_start3A_358] : memref<10240x16xf32, #tpu.memory_space<vmem_shared>> -> memref<10240x16xf32, #tpu.memory_space<vmem_shared>>
      %dma_start3A_360 = tpu.memref_slice %arg13[%dma_start3A_349] : memref<6x!tpu.dma_semaphore, #tpu.memory_space<semaphore_mem>> -> memref<1x!tpu.dma_semaphore, #tpu.memory_space<semaphore_mem>>
      %dma_start3A_361 = tpu.memref_squeeze %dma_start3A_360 : memref<1x!tpu.dma_semaphore, #tpu.memory_space<semaphore_mem>> -> memref<!tpu.dma_semaphore, #tpu.memory_space<semaphore_mem>>
      tpu.enqueue_indirect_dma source(%dma_start3A_353 : memref<128x16xf32, #tpu.memory_space<vmem>>) target(%dma_start3A_359 : memref<10240x16xf32, #tpu.memory_space<vmem_shared>>) offsets(%dma_start3A_356 : memref<128xi32, #tpu.memory_space<vmem>>) semaphore(%dma_start3A_361 : memref<!tpu.dma_semaphore, #tpu.memory_space<semaphore_mem>>) {add = true}
      %add3A_362 = arith.constant 3 : i32
      %add3A_363 = arith.addi %add3A_331, %add3A_362 : i32
      %lt3A_364 = arith.constant 78 : i32
      %lt3A_365 = arith.cmpi slt, %add3A_363, %lt3A_364 : i32
      %convert_element_type3A_366 = arith.extui %lt3A_365 : i1 to i32
      %cond3A_367 = arith.constant 0 : i32
      %cond3A_368 = arith.cmpi ne, %convert_element_type3A_366, %cond3A_367 : i32
      scf.if %cond3A_368 {
        %ge3A = arith.constant 3 : i32
        %ge3A_410 = arith.cmpi sge, %add3A_331, %ge3A : i32
        %convert_element_type3A_411 = arith.extui %ge3A_410 : i1 to i32
        %cond3A_412 = arith.constant 0 : i32
        %cond3A_413 = arith.cmpi ne, %convert_element_type3A_411, %cond3A_412 : i32
        scf.if %cond3A_413 {
          %dma_wait3A_431 = arith.constant 1 : i32
          %dma_wait3A_432 = arith.constant 1 : i32
          %dma_wait3A_433 = arith.constant 1 : i32
          %dma_wait3A_434 = arith.constant 0 : i32
          %dma_wait3A_435 = arith.constant 0 : i32
          %dma_wait3A_436 = tpu.memref_slice %arg7[%dma_wait3A_431, %dma_wait3A_434, %dma_wait3A_435] : memref<6x128x16xf32, #tpu.memory_space<vmem>> -> memref<1x128x16xf32, #tpu.memory_space<vmem>>
          %dma_wait3A_437 = tpu.memref_squeeze %dma_wait3A_436 : memref<1x128x16xf32, #tpu.memory_space<vmem>> -> memref<128x16xf32, #tpu.memory_space<vmem>>
          %dma_wait3A_438 = arith.constant 0 : i32
          %dma_wait3A_439 = tpu.memref_slice %arg6[%add3A_331, %dma_wait3A_432, %dma_wait3A_438] : memref<78x2x128xi32, #tpu.memory_space<vmem>> -> memref<1x1x128xi32, #tpu.memory_space<vmem>>
          %dma_wait3A_440 = tpu.memref_squeeze %dma_wait3A_439 : memref<1x1x128xi32, #tpu.memory_space<vmem>> -> memref<128xi32, #tpu.memory_space<vmem>>
          %dma_wait3A_441 = arith.constant 0 : i32
          %dma_wait3A_442 = arith.constant 0 : i32
          %dma_wait3A_443 = tpu.memref_slice %arg10[%dma_wait3A_441, %dma_wait3A_442] : memref<10240x16xf32, #tpu.memory_space<vmem_shared>> -> memref<10240x16xf32, #tpu.memory_space<vmem_shared>>
          %dma_wait3A_444 = tpu.memref_slice %arg13[%dma_wait3A_433] : memref<6x!tpu.dma_semaphore, #tpu.memory_space<semaphore_mem>> -> memref<1x!tpu.dma_semaphore, #tpu.memory_space<semaphore_mem>>
          %dma_wait3A_445 = tpu.memref_squeeze %dma_wait3A_444 : memref<1x!tpu.dma_semaphore, #tpu.memory_space<semaphore_mem>> -> memref<!tpu.dma_semaphore, #tpu.memory_space<semaphore_mem>>
          tpu.wait_indirect_dma semaphore(%dma_wait3A_445 : memref<!tpu.dma_semaphore, #tpu.memory_space<semaphore_mem>>) src(%dma_wait3A_437 : memref<128x16xf32, #tpu.memory_space<vmem>>) dst(%dma_wait3A_443 : memref<10240x16xf32, #tpu.memory_space<vmem_shared>>)
        } else {
        }
        %add3A_414 = arith.constant 3 : i32
        %add3A_415 = arith.addi %add3A_331, %add3A_414 : i32
        %dma_start3A_416 = arith.constant 0 : i32
        %dma_start3A_417 = arith.constant 1 : i32
        %dma_start3A_418 = arith.constant 1 : i32
        %dma_start3A_419 = arith.constant 0 : i32
        %dma_start3A_420 = arith.constant 0 : i32
        %dma_start3A_421 = tpu.memref_slice %arg7[%dma_start3A_417, %dma_start3A_419, %dma_start3A_420] : memref<6x128x16xf32, #tpu.memory_space<vmem>> -> memref<1x128x16xf32, #tpu.memory_space<vmem>>
        %dma_start3A_422 = tpu.memref_squeeze %dma_start3A_421 : memref<1x128x16xf32, #tpu.memory_space<vmem>> -> memref<128x16xf32, #tpu.memory_space<vmem>>
        %dma_start3A_423 = arith.constant 0 : i32
        %dma_start3A_424 = tpu.memref_slice %arg6[%add3A_415, %dma_start3A_416, %dma_start3A_423] : memref<78x2x128xi32, #tpu.memory_space<vmem>> -> memref<1x1x128xi32, #tpu.memory_space<vmem>>
        %dma_start3A_425 = tpu.memref_squeeze %dma_start3A_424 : memref<1x1x128xi32, #tpu.memory_space<vmem>> -> memref<128xi32, #tpu.memory_space<vmem>>
        %dma_start3A_426 = arith.constant 0 : i32
        %dma_start3A_427 = arith.constant 0 : i32
        %dma_start3A_428 = tpu.memref_slice %arg11[%dma_start3A_426, %dma_start3A_427] : memref<10000x16xf32, #tpu.memory_space<vmem_shared>> -> memref<10000x16xf32, #tpu.memory_space<vmem_shared>>
        %dma_start3A_429 = tpu.memref_slice %arg12[%dma_start3A_418] : memref<6x!tpu.dma_semaphore, #tpu.memory_space<semaphore_mem>> -> memref<1x!tpu.dma_semaphore, #tpu.memory_space<semaphore_mem>>
        %dma_start3A_430 = tpu.memref_squeeze %dma_start3A_429 : memref<1x!tpu.dma_semaphore, #tpu.memory_space<semaphore_mem>> -> memref<!tpu.dma_semaphore, #tpu.memory_space<semaphore_mem>>
        tpu.enqueue_indirect_dma source(%dma_start3A_428 : memref<10000x16xf32, #tpu.memory_space<vmem_shared>>) target(%dma_start3A_422 : memref<128x16xf32, #tpu.memory_space<vmem>>) offsets(%dma_start3A_425 : memref<128xi32, #tpu.memory_space<vmem>>) semaphore(%dma_start3A_430 : memref<!tpu.dma_semaphore, #tpu.memory_space<semaphore_mem>>)
      } else {
      }
      %mul3A_369 = arith.constant 6 : i32
      %mul3A_370 = arith.muli %scan3A_163, %mul3A_369 : i32
      %add3A_371 = arith.constant 5 : i32
      %add3A_372 = arith.addi %mul3A_370, %add3A_371 : i32
      %dma_wait3A_373 = arith.constant 0 : i32
      %dma_wait3A_374 = arith.constant 5 : i32
      %dma_wait3A_375 = arith.constant 5 : i32
      %dma_wait3A_376 = arith.constant 0 : i32
      %dma_wait3A_377 = arith.constant 0 : i32
      %dma_wait3A_378 = tpu.memref_slice %arg7[%dma_wait3A_374, %dma_wait3A_376, %dma_wait3A_377] : memref<6x128x16xf32, #tpu.memory_space<vmem>> -> memref<1x128x16xf32, #tpu.memory_space<vmem>>
      %dma_wait3A_379 = tpu.memref_squeeze %dma_wait3A_378 : memref<1x128x16xf32, #tpu.memory_space<vmem>> -> memref<128x16xf32, #tpu.memory_space<vmem>>
      %dma_wait3A_380 = arith.constant 0 : i32
      %dma_wait3A_381 = tpu.memref_slice %arg6[%add3A_372, %dma_wait3A_373, %dma_wait3A_380] : memref<78x2x128xi32, #tpu.memory_space<vmem>> -> memref<1x1x128xi32, #tpu.memory_space<vmem>>
      %dma_wait3A_382 = tpu.memref_squeeze %dma_wait3A_381 : memref<1x1x128xi32, #tpu.memory_space<vmem>> -> memref<128xi32, #tpu.memory_space<vmem>>
      %dma_wait3A_383 = arith.constant 0 : i32
      %dma_wait3A_384 = arith.constant 0 : i32
      %dma_wait3A_385 = tpu.memref_slice %arg11[%dma_wait3A_383, %dma_wait3A_384] : memref<10000x16xf32, #tpu.memory_space<vmem_shared>> -> memref<10000x16xf32, #tpu.memory_space<vmem_shared>>
      %dma_wait3A_386 = tpu.memref_slice %arg12[%dma_wait3A_375] : memref<6x!tpu.dma_semaphore, #tpu.memory_space<semaphore_mem>> -> memref<1x!tpu.dma_semaphore, #tpu.memory_space<semaphore_mem>>
      %dma_wait3A_387 = tpu.memref_squeeze %dma_wait3A_386 : memref<1x!tpu.dma_semaphore, #tpu.memory_space<semaphore_mem>> -> memref<!tpu.dma_semaphore, #tpu.memory_space<semaphore_mem>>
      tpu.wait_indirect_dma semaphore(%dma_wait3A_387 : memref<!tpu.dma_semaphore, #tpu.memory_space<semaphore_mem>>) src(%dma_wait3A_385 : memref<10000x16xf32, #tpu.memory_space<vmem_shared>>) dst(%dma_wait3A_379 : memref<128x16xf32, #tpu.memory_space<vmem>>)
      %dma_start3A_388 = arith.constant 5 : i32
      %dma_start3A_389 = arith.constant 1 : i32
      %dma_start3A_390 = arith.constant 5 : i32
      %dma_start3A_391 = arith.constant 0 : i32
      %dma_start3A_392 = arith.constant 0 : i32
      %dma_start3A_393 = tpu.memref_slice %arg7[%dma_start3A_388, %dma_start3A_391, %dma_start3A_392] : memref<6x128x16xf32, #tpu.memory_space<vmem>> -> memref<1x128x16xf32, #tpu.memory_space<vmem>>
      %dma_start3A_394 = tpu.memref_squeeze %dma_start3A_393 : memref<1x128x16xf32, #tpu.memory_space<vmem>> -> memref<128x16xf32, #tpu.memory_space<vmem>>
      %dma_start3A_395 = arith.constant 0 : i32
      %dma_start3A_396 = tpu.memref_slice %arg6[%add3A_372, %dma_start3A_389, %dma_start3A_395] : memref<78x2x128xi32, #tpu.memory_space<vmem>> -> memref<1x1x128xi32, #tpu.memory_space<vmem>>
      %dma_start3A_397 = tpu.memref_squeeze %dma_start3A_396 : memref<1x1x128xi32, #tpu.memory_space<vmem>> -> memref<128xi32, #tpu.memory_space<vmem>>
      %dma_start3A_398 = arith.constant 0 : i32
      %dma_start3A_399 = arith.constant 0 : i32
      %dma_start3A_400 = tpu.memref_slice %arg10[%dma_start3A_398, %dma_start3A_399] : memref<10240x16xf32, #tpu.memory_space<vmem_shared>> -> memref<10240x16xf32, #tpu.memory_space<vmem_shared>>
      %dma_start3A_401 = tpu.memref_slice %arg13[%dma_start3A_390] : memref<6x!tpu.dma_semaphore, #tpu.memory_space<semaphore_mem>> -> memref<1x!tpu.dma_semaphore, #tpu.memory_space<semaphore_mem>>
      %dma_start3A_402 = tpu.memref_squeeze %dma_start3A_401 : memref<1x!tpu.dma_semaphore, #tpu.memory_space<semaphore_mem>> -> memref<!tpu.dma_semaphore, #tpu.memory_space<semaphore_mem>>
      tpu.enqueue_indirect_dma source(%dma_start3A_394 : memref<128x16xf32, #tpu.memory_space<vmem>>) target(%dma_start3A_400 : memref<10240x16xf32, #tpu.memory_space<vmem_shared>>) offsets(%dma_start3A_397 : memref<128xi32, #tpu.memory_space<vmem>>) semaphore(%dma_start3A_402 : memref<!tpu.dma_semaphore, #tpu.memory_space<semaphore_mem>>) {add = true}
      %add3A_403 = arith.constant 3 : i32
      %add3A_404 = arith.addi %add3A_372, %add3A_403 : i32
      %lt3A_405 = arith.constant 78 : i32
      %lt3A_406 = arith.cmpi slt, %add3A_404, %lt3A_405 : i32
      %convert_element_type3A_407 = arith.extui %lt3A_406 : i1 to i32
      %cond3A_408 = arith.constant 0 : i32
      %cond3A_409 = arith.cmpi ne, %convert_element_type3A_407, %cond3A_408 : i32
      scf.if %cond3A_409 {
        %ge3A = arith.constant 3 : i32
        %ge3A_410 = arith.cmpi sge, %add3A_372, %ge3A : i32
        %convert_element_type3A_411 = arith.extui %ge3A_410 : i1 to i32
        %cond3A_412 = arith.constant 0 : i32
        %cond3A_413 = arith.cmpi ne, %convert_element_type3A_411, %cond3A_412 : i32
        scf.if %cond3A_413 {
          %dma_wait3A_431 = arith.constant 2 : i32
          %dma_wait3A_432 = arith.constant 1 : i32
          %dma_wait3A_433 = arith.constant 2 : i32
          %dma_wait3A_434 = arith.constant 0 : i32
          %dma_wait3A_435 = arith.constant 0 : i32
          %dma_wait3A_436 = tpu.memref_slice %arg7[%dma_wait3A_431, %dma_wait3A_434, %dma_wait3A_435] : memref<6x128x16xf32, #tpu.memory_space<vmem>> -> memref<1x128x16xf32, #tpu.memory_space<vmem>>
          %dma_wait3A_437 = tpu.memref_squeeze %dma_wait3A_436 : memref<1x128x16xf32, #tpu.memory_space<vmem>> -> memref<128x16xf32, #tpu.memory_space<vmem>>
          %dma_wait3A_438 = arith.constant 0 : i32
          %dma_wait3A_439 = tpu.memref_slice %arg6[%add3A_372, %dma_wait3A_432, %dma_wait3A_438] : memref<78x2x128xi32, #tpu.memory_space<vmem>> -> memref<1x1x128xi32, #tpu.memory_space<vmem>>
          %dma_wait3A_440 = tpu.memref_squeeze %dma_wait3A_439 : memref<1x1x128xi32, #tpu.memory_space<vmem>> -> memref<128xi32, #tpu.memory_space<vmem>>
          %dma_wait3A_441 = arith.constant 0 : i32
          %dma_wait3A_442 = arith.constant 0 : i32
          %dma_wait3A_443 = tpu.memref_slice %arg10[%dma_wait3A_441, %dma_wait3A_442] : memref<10240x16xf32, #tpu.memory_space<vmem_shared>> -> memref<10240x16xf32, #tpu.memory_space<vmem_shared>>
          %dma_wait3A_444 = tpu.memref_slice %arg13[%dma_wait3A_433] : memref<6x!tpu.dma_semaphore, #tpu.memory_space<semaphore_mem>> -> memref<1x!tpu.dma_semaphore, #tpu.memory_space<semaphore_mem>>
          %dma_wait3A_445 = tpu.memref_squeeze %dma_wait3A_444 : memref<1x!tpu.dma_semaphore, #tpu.memory_space<semaphore_mem>> -> memref<!tpu.dma_semaphore, #tpu.memory_space<semaphore_mem>>
          tpu.wait_indirect_dma semaphore(%dma_wait3A_445 : memref<!tpu.dma_semaphore, #tpu.memory_space<semaphore_mem>>) src(%dma_wait3A_437 : memref<128x16xf32, #tpu.memory_space<vmem>>) dst(%dma_wait3A_443 : memref<10240x16xf32, #tpu.memory_space<vmem_shared>>)
        } else {
        }
        %add3A_414 = arith.constant 3 : i32
        %add3A_415 = arith.addi %add3A_372, %add3A_414 : i32
        %dma_start3A_416 = arith.constant 0 : i32
        %dma_start3A_417 = arith.constant 2 : i32
        %dma_start3A_418 = arith.constant 2 : i32
        %dma_start3A_419 = arith.constant 0 : i32
        %dma_start3A_420 = arith.constant 0 : i32
        %dma_start3A_421 = tpu.memref_slice %arg7[%dma_start3A_417, %dma_start3A_419, %dma_start3A_420] : memref<6x128x16xf32, #tpu.memory_space<vmem>> -> memref<1x128x16xf32, #tpu.memory_space<vmem>>
        %dma_start3A_422 = tpu.memref_squeeze %dma_start3A_421 : memref<1x128x16xf32, #tpu.memory_space<vmem>> -> memref<128x16xf32, #tpu.memory_space<vmem>>
        %dma_start3A_423 = arith.constant 0 : i32
        %dma_start3A_424 = tpu.memref_slice %arg6[%add3A_415, %dma_start3A_416, %dma_start3A_423] : memref<78x2x128xi32, #tpu.memory_space<vmem>> -> memref<1x1x128xi32, #tpu.memory_space<vmem>>
        %dma_start3A_425 = tpu.memref_squeeze %dma_start3A_424 : memref<1x1x128xi32, #tpu.memory_space<vmem>> -> memref<128xi32, #tpu.memory_space<vmem>>
        %dma_start3A_426 = arith.constant 0 : i32
        %dma_start3A_427 = arith.constant 0 : i32
        %dma_start3A_428 = tpu.memref_slice %arg11[%dma_start3A_426, %dma_start3A_427] : memref<10000x16xf32, #tpu.memory_space<vmem_shared>> -> memref<10000x16xf32, #tpu.memory_space<vmem_shared>>
        %dma_start3A_429 = tpu.memref_slice %arg12[%dma_start3A_418] : memref<6x!tpu.dma_semaphore, #tpu.memory_space<semaphore_mem>> -> memref<1x!tpu.dma_semaphore, #tpu.memory_space<semaphore_mem>>
        %dma_start3A_430 = tpu.memref_squeeze %dma_start3A_429 : memref<1x!tpu.dma_semaphore, #tpu.memory_space<semaphore_mem>> -> memref<!tpu.dma_semaphore, #tpu.memory_space<semaphore_mem>>
        tpu.enqueue_indirect_dma source(%dma_start3A_428 : memref<10000x16xf32, #tpu.memory_space<vmem_shared>>) target(%dma_start3A_422 : memref<128x16xf32, #tpu.memory_space<vmem>>) offsets(%dma_start3A_425 : memref<128xi32, #tpu.memory_space<vmem>>) semaphore(%dma_start3A_430 : memref<!tpu.dma_semaphore, #tpu.memory_space<semaphore_mem>>)
      } else {
      }
    }
    %scan3A_60 = arith.constant 13 : i32
    %dma_wait3A = arith.constant 0 : i32
    %dma_wait3A_61 = arith.constant 0 : i32
    %dma_wait3A_62 = arith.constant 1 : i32
    %dma_wait3A_63 = arith.constant 0 : i32
    %dma_wait3A_64 = arith.constant 0 : i32
    %dma_wait3A_65 = arith.constant 0 : i32
    %dma_wait3A_66 = tpu.memref_slice %arg7[%dma_wait3A, %dma_wait3A_64, %dma_wait3A_65] : memref<6x128x16xf32, #tpu.memory_space<vmem>> -> memref<1x128x16xf32, #tpu.memory_space<vmem>>
    %dma_wait3A_67 = tpu.memref_squeeze %dma_wait3A_66 : memref<1x128x16xf32, #tpu.memory_space<vmem>> -> memref<128x16xf32, #tpu.memory_space<vmem>>
    %dma_wait3A_68 = arith.constant 0 : i32
    %dma_wait3A_69 = tpu.memref_slice %arg6[%dma_wait3A_61, %dma_wait3A_62, %dma_wait3A_68] : memref<78x2x128xi32, #tpu.memory_space<vmem>> -> memref<1x1x128xi32, #tpu.memory_space<vmem>>
    %dma_wait3A_70 = tpu.memref_squeeze %dma_wait3A_69 : memref<1x1x128xi32, #tpu.memory_space<vmem>> -> memref<128xi32, #tpu.memory_space<vmem>>
    %dma_wait3A_71 = arith.constant 0 : i32
    %dma_wait3A_72 = arith.constant 0 : i32
    %dma_wait3A_73 = tpu.memref_slice %arg10[%dma_wait3A_71, %dma_wait3A_72] : memref<10240x16xf32, #tpu.memory_space<vmem_shared>> -> memref<10240x16xf32, #tpu.memory_space<vmem_shared>>
    %dma_wait3A_74 = tpu.memref_slice %arg13[%dma_wait3A_63] : memref<6x!tpu.dma_semaphore, #tpu.memory_space<semaphore_mem>> -> memref<1x!tpu.dma_semaphore, #tpu.memory_space<semaphore_mem>>
    %dma_wait3A_75 = tpu.memref_squeeze %dma_wait3A_74 : memref<1x!tpu.dma_semaphore, #tpu.memory_space<semaphore_mem>> -> memref<!tpu.dma_semaphore, #tpu.memory_space<semaphore_mem>>
    tpu.wait_indirect_dma semaphore(%dma_wait3A_75 : memref<!tpu.dma_semaphore, #tpu.memory_space<semaphore_mem>>) src(%dma_wait3A_67 : memref<128x16xf32, #tpu.memory_space<vmem>>) dst(%dma_wait3A_73 : memref<10240x16xf32, #tpu.memory_space<vmem_shared>>)
    %dma_wait3A_76 = arith.constant 1 : i32
    %dma_wait3A_77 = arith.constant 0 : i32
    %dma_wait3A_78 = arith.constant 1 : i32
    %dma_wait3A_79 = arith.constant 1 : i32
    %dma_wait3A_80 = arith.constant 0 : i32
    %dma_wait3A_81 = arith.constant 0 : i32
    %dma_wait3A_82 = tpu.memref_slice %arg7[%dma_wait3A_76, %dma_wait3A_80, %dma_wait3A_81] : memref<6x128x16xf32, #tpu.memory_space<vmem>> -> memref<1x128x16xf32, #tpu.memory_space<vmem>>
    %dma_wait3A_83 = tpu.memref_squeeze %dma_wait3A_82 : memref<1x128x16xf32, #tpu.memory_space<vmem>> -> memref<128x16xf32, #tpu.memory_space<vmem>>
    %dma_wait3A_84 = arith.constant 0 : i32
    %dma_wait3A_85 = tpu.memref_slice %arg6[%dma_wait3A_77, %dma_wait3A_78, %dma_wait3A_84] : memref<78x2x128xi32, #tpu.memory_space<vmem>> -> memref<1x1x128xi32, #tpu.memory_space<vmem>>
    %dma_wait3A_86 = tpu.memref_squeeze %dma_wait3A_85 : memref<1x1x128xi32, #tpu.memory_space<vmem>> -> memref<128xi32, #tpu.memory_space<vmem>>
    %dma_wait3A_87 = arith.constant 0 : i32
    %dma_wait3A_88 = arith.constant 0 : i32
    %dma_wait3A_89 = tpu.memref_slice %arg10[%dma_wait3A_87, %dma_wait3A_88] : memref<10240x16xf32, #tpu.memory_space<vmem_shared>> -> memref<10240x16xf32, #tpu.memory_space<vmem_shared>>
    %dma_wait3A_90 = tpu.memref_slice %arg13[%dma_wait3A_79] : memref<6x!tpu.dma_semaphore, #tpu.memory_space<semaphore_mem>> -> memref<1x!tpu.dma_semaphore, #tpu.memory_space<semaphore_mem>>
    %dma_wait3A_91 = tpu.memref_squeeze %dma_wait3A_90 : memref<1x!tpu.dma_semaphore, #tpu.memory_space<semaphore_mem>> -> memref<!tpu.dma_semaphore, #tpu.memory_space<semaphore_mem>>
    tpu.wait_indirect_dma semaphore(%dma_wait3A_91 : memref<!tpu.dma_semaphore, #tpu.memory_space<semaphore_mem>>) src(%dma_wait3A_83 : memref<128x16xf32, #tpu.memory_space<vmem>>) dst(%dma_wait3A_89 : memref<10240x16xf32, #tpu.memory_space<vmem_shared>>)
    %dma_wait3A_92 = arith.constant 2 : i32
    %dma_wait3A_93 = arith.constant 0 : i32
    %dma_wait3A_94 = arith.constant 1 : i32
    %dma_wait3A_95 = arith.constant 2 : i32
    %dma_wait3A_96 = arith.constant 0 : i32
    %dma_wait3A_97 = arith.constant 0 : i32
    %dma_wait3A_98 = tpu.memref_slice %arg7[%dma_wait3A_92, %dma_wait3A_96, %dma_wait3A_97] : memref<6x128x16xf32, #tpu.memory_space<vmem>> -> memref<1x128x16xf32, #tpu.memory_space<vmem>>
    %dma_wait3A_99 = tpu.memref_squeeze %dma_wait3A_98 : memref<1x128x16xf32, #tpu.memory_space<vmem>> -> memref<128x16xf32, #tpu.memory_space<vmem>>
    %dma_wait3A_100 = arith.constant 0 : i32
    %dma_wait3A_101 = tpu.memref_slice %arg6[%dma_wait3A_93, %dma_wait3A_94, %dma_wait3A_100] : memref<78x2x128xi32, #tpu.memory_space<vmem>> -> memref<1x1x128xi32, #tpu.memory_space<vmem>>
    %dma_wait3A_102 = tpu.memref_squeeze %dma_wait3A_101 : memref<1x1x128xi32, #tpu.memory_space<vmem>> -> memref<128xi32, #tpu.memory_space<vmem>>
    %dma_wait3A_103 = arith.constant 0 : i32
    %dma_wait3A_104 = arith.constant 0 : i32
    %dma_wait3A_105 = tpu.memref_slice %arg10[%dma_wait3A_103, %dma_wait3A_104] : memref<10240x16xf32, #tpu.memory_space<vmem_shared>> -> memref<10240x16xf32, #tpu.memory_space<vmem_shared>>
    %dma_wait3A_106 = tpu.memref_slice %arg13[%dma_wait3A_95] : memref<6x!tpu.dma_semaphore, #tpu.memory_space<semaphore_mem>> -> memref<1x!tpu.dma_semaphore, #tpu.memory_space<semaphore_mem>>
    %dma_wait3A_107 = tpu.memref_squeeze %dma_wait3A_106 : memref<1x!tpu.dma_semaphore, #tpu.memory_space<semaphore_mem>> -> memref<!tpu.dma_semaphore, #tpu.memory_space<semaphore_mem>>
    tpu.wait_indirect_dma semaphore(%dma_wait3A_107 : memref<!tpu.dma_semaphore, #tpu.memory_space<semaphore_mem>>) src(%dma_wait3A_99 : memref<128x16xf32, #tpu.memory_space<vmem>>) dst(%dma_wait3A_105 : memref<10240x16xf32, #tpu.memory_space<vmem_shared>>)
    %dma_wait3A_108 = arith.constant 3 : i32
    %dma_wait3A_109 = arith.constant 0 : i32
    %dma_wait3A_110 = arith.constant 1 : i32
    %dma_wait3A_111 = arith.constant 3 : i32
    %dma_wait3A_112 = arith.constant 0 : i32
    %dma_wait3A_113 = arith.constant 0 : i32
    %dma_wait3A_114 = tpu.memref_slice %arg7[%dma_wait3A_108, %dma_wait3A_112, %dma_wait3A_113] : memref<6x128x16xf32, #tpu.memory_space<vmem>> -> memref<1x128x16xf32, #tpu.memory_space<vmem>>
    %dma_wait3A_115 = tpu.memref_squeeze %dma_wait3A_114 : memref<1x128x16xf32, #tpu.memory_space<vmem>> -> memref<128x16xf32, #tpu.memory_space<vmem>>
    %dma_wait3A_116 = arith.constant 0 : i32
    %dma_wait3A_117 = tpu.memref_slice %arg6[%dma_wait3A_109, %dma_wait3A_110, %dma_wait3A_116] : memref<78x2x128xi32, #tpu.memory_space<vmem>> -> memref<1x1x128xi32, #tpu.memory_space<vmem>>
    %dma_wait3A_118 = tpu.memref_squeeze %dma_wait3A_117 : memref<1x1x128xi32, #tpu.memory_space<vmem>> -> memref<128xi32, #tpu.memory_space<vmem>>
    %dma_wait3A_119 = arith.constant 0 : i32
    %dma_wait3A_120 = arith.constant 0 : i32
    %dma_wait3A_121 = tpu.memref_slice %arg10[%dma_wait3A_119, %dma_wait3A_120] : memref<10240x16xf32, #tpu.memory_space<vmem_shared>> -> memref<10240x16xf32, #tpu.memory_space<vmem_shared>>
    %dma_wait3A_122 = tpu.memref_slice %arg13[%dma_wait3A_111] : memref<6x!tpu.dma_semaphore, #tpu.memory_space<semaphore_mem>> -> memref<1x!tpu.dma_semaphore, #tpu.memory_space<semaphore_mem>>
    %dma_wait3A_123 = tpu.memref_squeeze %dma_wait3A_122 : memref<1x!tpu.dma_semaphore, #tpu.memory_space<semaphore_mem>> -> memref<!tpu.dma_semaphore, #tpu.memory_space<semaphore_mem>>
    tpu.wait_indirect_dma semaphore(%dma_wait3A_123 : memref<!tpu.dma_semaphore, #tpu.memory_space<semaphore_mem>>) src(%dma_wait3A_115 : memref<128x16xf32, #tpu.memory_space<vmem>>) dst(%dma_wait3A_121 : memref<10240x16xf32, #tpu.memory_space<vmem_shared>>)
    %dma_wait3A_124 = arith.constant 4 : i32
    %dma_wait3A_125 = arith.constant 0 : i32
    %dma_wait3A_126 = arith.constant 1 : i32
    %dma_wait3A_127 = arith.constant 4 : i32
    %dma_wait3A_128 = arith.constant 0 : i32
    %dma_wait3A_129 = arith.constant 0 : i32
    %dma_wait3A_130 = tpu.memref_slice %arg7[%dma_wait3A_124, %dma_wait3A_128, %dma_wait3A_129] : memref<6x128x16xf32, #tpu.memory_space<vmem>> -> memref<1x128x16xf32, #tpu.memory_space<vmem>>
    %dma_wait3A_131 = tpu.memref_squeeze %dma_wait3A_130 : memref<1x128x16xf32, #tpu.memory_space<vmem>> -> memref<128x16xf32, #tpu.memory_space<vmem>>
    %dma_wait3A_132 = arith.constant 0 : i32
    %dma_wait3A_133 = tpu.memref_slice %arg6[%dma_wait3A_125, %dma_wait3A_126, %dma_wait3A_132] : memref<78x2x128xi32, #tpu.memory_space<vmem>> -> memref<1x1x128xi32, #tpu.memory_space<vmem>>
    %dma_wait3A_134 = tpu.memref_squeeze %dma_wait3A_133 : memref<1x1x128xi32, #tpu.memory_space<vmem>> -> memref<128xi32, #tpu.memory_space<vmem>>
    %dma_wait3A_135 = arith.constant 0 : i32
    %dma_wait3A_136 = arith.constant 0 : i32
    %dma_wait3A_137 = tpu.memref_slice %arg10[%dma_wait3A_135, %dma_wait3A_136] : memref<10240x16xf32, #tpu.memory_space<vmem_shared>> -> memref<10240x16xf32, #tpu.memory_space<vmem_shared>>
    %dma_wait3A_138 = tpu.memref_slice %arg13[%dma_wait3A_127] : memref<6x!tpu.dma_semaphore, #tpu.memory_space<semaphore_mem>> -> memref<1x!tpu.dma_semaphore, #tpu.memory_space<semaphore_mem>>
    %dma_wait3A_139 = tpu.memref_squeeze %dma_wait3A_138 : memref<1x!tpu.dma_semaphore, #tpu.memory_space<semaphore_mem>> -> memref<!tpu.dma_semaphore, #tpu.memory_space<semaphore_mem>>
    tpu.wait_indirect_dma semaphore(%dma_wait3A_139 : memref<!tpu.dma_semaphore, #tpu.memory_space<semaphore_mem>>) src(%dma_wait3A_131 : memref<128x16xf32, #tpu.memory_space<vmem>>) dst(%dma_wait3A_137 : memref<10240x16xf32, #tpu.memory_space<vmem_shared>>)
    %dma_wait3A_140 = arith.constant 5 : i32
    %dma_wait3A_141 = arith.constant 0 : i32
    %dma_wait3A_142 = arith.constant 1 : i32
    %dma_wait3A_143 = arith.constant 5 : i32
    %dma_wait3A_144 = arith.constant 0 : i32
    %dma_wait3A_145 = arith.constant 0 : i32
    %dma_wait3A_146 = tpu.memref_slice %arg7[%dma_wait3A_140, %dma_wait3A_144, %dma_wait3A_145] : memref<6x128x16xf32, #tpu.memory_space<vmem>> -> memref<1x128x16xf32, #tpu.memory_space<vmem>>
    %dma_wait3A_147 = tpu.memref_squeeze %dma_wait3A_146 : memref<1x128x16xf32, #tpu.memory_space<vmem>> -> memref<128x16xf32, #tpu.memory_space<vmem>>
    %dma_wait3A_148 = arith.constant 0 : i32
    %dma_wait3A_149 = tpu.memref_slice %arg6[%dma_wait3A_141, %dma_wait3A_142, %dma_wait3A_148] : memref<78x2x128xi32, #tpu.memory_space<vmem>> -> memref<1x1x128xi32, #tpu.memory_space<vmem>>
    %dma_wait3A_150 = tpu.memref_squeeze %dma_wait3A_149 : memref<1x1x128xi32, #tpu.memory_space<vmem>> -> memref<128xi32, #tpu.memory_space<vmem>>
    %dma_wait3A_151 = arith.constant 0 : i32
    %dma_wait3A_152 = arith.constant 0 : i32
    %dma_wait3A_153 = tpu.memref_slice %arg10[%dma_wait3A_151, %dma_wait3A_152] : memref<10240x16xf32, #tpu.memory_space<vmem_shared>> -> memref<10240x16xf32, #tpu.memory_space<vmem_shared>>
    %dma_wait3A_154 = tpu.memref_slice %arg13[%dma_wait3A_143] : memref<6x!tpu.dma_semaphore, #tpu.memory_space<semaphore_mem>> -> memref<1x!tpu.dma_semaphore, #tpu.memory_space<semaphore_mem>>
    %dma_wait3A_155 = tpu.memref_squeeze %dma_wait3A_154 : memref<1x!tpu.dma_semaphore, #tpu.memory_space<semaphore_mem>> -> memref<!tpu.dma_semaphore, #tpu.memory_space<semaphore_mem>>
    tpu.wait_indirect_dma semaphore(%dma_wait3A_155 : memref<!tpu.dma_semaphore, #tpu.memory_space<semaphore_mem>>) src(%dma_wait3A_147 : memref<128x16xf32, #tpu.memory_space<vmem>>) dst(%dma_wait3A_153 : memref<10240x16xf32, #tpu.memory_space<vmem_shared>>)
    %lt3A = arith.constant 4 : i32
    %lt3A_156 = arith.cmpi slt, %add3A, %lt3A : i32
    %convert_element_type3A = arith.extui %lt3A_156 : i1 to i32
    %cond3A = arith.constant 0 : i32
    %cond3A_157 = arith.cmpi ne, %convert_element_type3A, %cond3A : i32
    scf.if %cond3A_157 {
      %add3A_163 = arith.constant 2496 : i32
      %add3A_164 = arith.addi %add3A_163, %add3A : i32
      "tpu.region"() ({
        %run_scoped3A_199 = tpu.sem_alloc : memref<!tpu.dma_semaphore, #tpu.memory_space<semaphore_mem>>
        %dma_start3A_200 = arith.constant 0 : i32
        %dma_start3A_201 = arith.constant 0 : i32
        %dma_start3A_202 = arith.constant 0 : i32
        %dma_start3A_203 = tpu.memref_slice %arg6[%dma_start3A_200, %dma_start3A_201, %dma_start3A_202] : memref<78x2x128xi32, #tpu.memory_space<vmem>> -> memref<1x2x128xi32, #tpu.memory_space<vmem>>
        %dma_start3A_204 = arith.constant 0 : i32
        %dma_start3A_205 = arith.constant 0 : i32
        %dma_start3A_206 = tpu.memref_slice %arg2[%add3A_164, %dma_start3A_204, %dma_start3A_205] : memref<2500x2x128xi32, #tpu.memory_space<hbm>> -> memref<1x2x128xi32, #tpu.memory_space<hbm>>
        %dma_start3A_207 = arith.constant 0 : i32
        %dma_start3A_208 = arith.constant 0 : i32
        %dma_start3A_209 = arith.constant 0 : i32
        %dma_start3A_210 = tpu.memref_slice %arg6[%dma_start3A_207, %dma_start3A_208, %dma_start3A_209] : memref<78x2x128xi32, #tpu.memory_space<vmem>> -> memref<1x2x128xi32, #tpu.memory_space<vmem>>
        %dma_start3A_211 = arith.constant 0 : i32
        %dma_start3A_212 = arith.constant 0 : i32
        %dma_start3A_213 = tpu.memref_slice %arg2[%add3A_164, %dma_start3A_211, %dma_start3A_212] : memref<2500x2x128xi32, #tpu.memory_space<hbm>> -> memref<1x2x128xi32, #tpu.memory_space<hbm>>
        tpu.enqueue_dma source(%dma_start3A_213 : memref<1x2x128xi32, #tpu.memory_space<hbm>>) target(%dma_start3A_210 : memref<1x2x128xi32, #tpu.memory_space<vmem>>) target_semaphore(%run_scoped3A_199 : memref<!tpu.dma_semaphore, #tpu.memory_space<semaphore_mem>>)
        %dma_wait3A_214 = arith.constant 0 : i32
        %dma_wait3A_215 = arith.constant 0 : i32
        %dma_wait3A_216 = arith.constant 0 : i32
        %dma_wait3A_217 = tpu.memref_slice %arg6[%dma_wait3A_214, %dma_wait3A_215, %dma_wait3A_216] : memref<78x2x128xi32, #tpu.memory_space<vmem>> -> memref<1x2x128xi32, #tpu.memory_space<vmem>>
        %dma_wait3A_218 = arith.constant 0 : i32
        %dma_wait3A_219 = arith.constant 0 : i32
        %dma_wait3A_220 = tpu.memref_slice %arg2[%add3A_164, %dma_wait3A_218, %dma_wait3A_219] : memref<2500x2x128xi32, #tpu.memory_space<hbm>> -> memref<1x2x128xi32, #tpu.memory_space<hbm>>
        %dma_wait3A_221 = arith.constant 0 : i32
        %dma_wait3A_222 = arith.constant 0 : i32
        %dma_wait3A_223 = arith.constant 0 : i32
        %dma_wait3A_224 = tpu.memref_slice %arg6[%dma_wait3A_221, %dma_wait3A_222, %dma_wait3A_223] : memref<78x2x128xi32, #tpu.memory_space<vmem>> -> memref<1x2x128xi32, #tpu.memory_space<vmem>>
        %dma_wait3A_225 = arith.constant 0 : i32
        %dma_wait3A_226 = arith.constant 0 : i32
        %dma_wait3A_227 = tpu.memref_slice %arg2[%add3A_164, %dma_wait3A_225, %dma_wait3A_226] : memref<2500x2x128xi32, #tpu.memory_space<hbm>> -> memref<1x2x128xi32, #tpu.memory_space<hbm>>
        tpu.wait_dma2 semaphore(%run_scoped3A_199 : memref<!tpu.dma_semaphore, #tpu.memory_space<semaphore_mem>>) src(%dma_wait3A_227 : memref<1x2x128xi32, #tpu.memory_space<hbm>>) dst(%dma_wait3A_224 : memref<1x2x128xi32, #tpu.memory_space<vmem>>)
        tpu.yield
      }) : () -> ()
      %dma_start3A_165 = arith.constant 0 : i32
      %dma_start3A_166 = arith.constant 0 : i32
      %dma_start3A_167 = arith.constant 0 : i32
      %dma_start3A_168 = arith.constant 0 : i32
      %dma_start3A_169 = arith.constant 0 : i32
      %dma_start3A_170 = arith.constant 0 : i32
      %dma_start3A_171 = tpu.memref_slice %arg7[%dma_start3A_167, %dma_start3A_169, %dma_start3A_170] : memref<6x128x16xf32, #tpu.memory_space<vmem>> -> memref<1x128x16xf32, #tpu.memory_space<vmem>>
      %dma_start3A_172 = tpu.memref_squeeze %dma_start3A_171 : memref<1x128x16xf32, #tpu.memory_space<vmem>> -> memref<128x16xf32, #tpu.memory_space<vmem>>
      %dma_start3A_173 = arith.constant 0 : i32
      %dma_start3A_174 = tpu.memref_slice %arg6[%dma_start3A_165, %dma_start3A_166, %dma_start3A_173] : memref<78x2x128xi32, #tpu.memory_space<vmem>> -> memref<1x1x128xi32, #tpu.memory_space<vmem>>
      %dma_start3A_175 = tpu.memref_squeeze %dma_start3A_174 : memref<1x1x128xi32, #tpu.memory_space<vmem>> -> memref<128xi32, #tpu.memory_space<vmem>>
      %dma_start3A_176 = arith.constant 0 : i32
      %dma_start3A_177 = arith.constant 0 : i32
      %dma_start3A_178 = tpu.memref_slice %arg11[%dma_start3A_176, %dma_start3A_177] : memref<10000x16xf32, #tpu.memory_space<vmem_shared>> -> memref<10000x16xf32, #tpu.memory_space<vmem_shared>>
      %dma_start3A_179 = tpu.memref_slice %arg12[%dma_start3A_168] : memref<6x!tpu.dma_semaphore, #tpu.memory_space<semaphore_mem>> -> memref<1x!tpu.dma_semaphore, #tpu.memory_space<semaphore_mem>>
      %dma_start3A_180 = tpu.memref_squeeze %dma_start3A_179 : memref<1x!tpu.dma_semaphore, #tpu.memory_space<semaphore_mem>> -> memref<!tpu.dma_semaphore, #tpu.memory_space<semaphore_mem>>
      tpu.enqueue_indirect_dma source(%dma_start3A_178 : memref<10000x16xf32, #tpu.memory_space<vmem_shared>>) target(%dma_start3A_172 : memref<128x16xf32, #tpu.memory_space<vmem>>) offsets(%dma_start3A_175 : memref<128xi32, #tpu.memory_space<vmem>>) semaphore(%dma_start3A_180 : memref<!tpu.dma_semaphore, #tpu.memory_space<semaphore_mem>>)
      %dma_wait3A_181 = arith.constant 0 : i32
      %dma_wait3A_182 = arith.constant 0 : i32
      %dma_wait3A_183 = arith.constant 0 : i32
      %dma_wait3A_184 = arith.constant 0 : i32
      %dma_wait3A_185 = arith.constant 0 : i32
      %dma_wait3A_186 = arith.constant 0 : i32
      %dma_wait3A_187 = tpu.memref_slice %arg7[%dma_wait3A_183, %dma_wait3A_185, %dma_wait3A_186] : memref<6x128x16xf32, #tpu.memory_space<vmem>> -> memref<1x128x16xf32, #tpu.memory_space<vmem>>
      %dma_wait3A_188 = tpu.memref_squeeze %dma_wait3A_187 : memref<1x128x16xf32, #tpu.memory_space<vmem>> -> memref<128x16xf32, #tpu.memory_space<vmem>>
      %dma_wait3A_189 = arith.constant 0 : i32
      %dma_wait3A_190 = tpu.memref_slice %arg6[%dma_wait3A_181, %dma_wait3A_182, %dma_wait3A_189] : memref<78x2x128xi32, #tpu.memory_space<vmem>> -> memref<1x1x128xi32, #tpu.memory_space<vmem>>
      %dma_wait3A_191 = tpu.memref_squeeze %dma_wait3A_190 : memref<1x1x128xi32, #tpu.memory_space<vmem>> -> memref<128xi32, #tpu.memory_space<vmem>>
      %dma_wait3A_192 = arith.constant 0 : i32
      %dma_wait3A_193 = arith.constant 0 : i32
      %dma_wait3A_194 = tpu.memref_slice %arg11[%dma_wait3A_192, %dma_wait3A_193] : memref<10000x16xf32, #tpu.memory_space<vmem_shared>> -> memref<10000x16xf32, #tpu.memory_space<vmem_shared>>
      %dma_wait3A_195 = tpu.memref_slice %arg12[%dma_wait3A_184] : memref<6x!tpu.dma_semaphore, #tpu.memory_space<semaphore_mem>> -> memref<1x!tpu.dma_semaphore, #tpu.memory_space<semaphore_mem>>
      %dma_wait3A_196 = tpu.memref_squeeze %dma_wait3A_195 : memref<1x!tpu.dma_semaphore, #tpu.memory_space<semaphore_mem>> -> memref<!tpu.dma_semaphore, #tpu.memory_space<semaphore_mem>>
      tpu.wait_indirect_dma semaphore(%dma_wait3A_196 : memref<!tpu.dma_semaphore, #tpu.memory_space<semaphore_mem>>) src(%dma_wait3A_194 : memref<10000x16xf32, #tpu.memory_space<vmem_shared>>) dst(%dma_wait3A_188 : memref<128x16xf32, #tpu.memory_space<vmem>>)
      %run_scoped3A = arith.constant 0 : i32
      %run_scoped3A_197 = arith.constant 0 : i32
      %run_scoped3A_198 = arith.constant 1 : i32
      "tpu.region"() ({
        %run_scoped3A_199 = tpu.sem_alloc : memref<!tpu.dma_semaphore, #tpu.memory_space<semaphore_mem>>
        %dma_start3A_200 = arith.constant 0 : i32
        %dma_start3A_201 = arith.constant 0 : i32
        %dma_start3A_202 = tpu.memref_slice %arg7[%run_scoped3A, %dma_start3A_200, %dma_start3A_201] : memref<6x128x16xf32, #tpu.memory_space<vmem>> -> memref<1x128x16xf32, #tpu.memory_space<vmem>>
        %dma_start3A_203 = tpu.memref_squeeze %dma_start3A_202 : memref<1x128x16xf32, #tpu.memory_space<vmem>> -> memref<128x16xf32, #tpu.memory_space<vmem>>
        %dma_start3A_204 = arith.constant 0 : i32
        %dma_start3A_205 = tpu.memref_slice %arg6[%run_scoped3A_197, %run_scoped3A_198, %dma_start3A_204] : memref<78x2x128xi32, #tpu.memory_space<vmem>> -> memref<1x1x128xi32, #tpu.memory_space<vmem>>
        %dma_start3A_206 = tpu.memref_squeeze %dma_start3A_205 : memref<1x1x128xi32, #tpu.memory_space<vmem>> -> memref<128xi32, #tpu.memory_space<vmem>>
        %dma_start3A_207 = arith.constant 0 : i32
        %dma_start3A_208 = arith.constant 0 : i32
        %dma_start3A_209 = tpu.memref_slice %arg10[%dma_start3A_207, %dma_start3A_208] : memref<10240x16xf32, #tpu.memory_space<vmem_shared>> -> memref<10240x16xf32, #tpu.memory_space<vmem_shared>>
        tpu.enqueue_indirect_dma source(%dma_start3A_203 : memref<128x16xf32, #tpu.memory_space<vmem>>) target(%dma_start3A_209 : memref<10240x16xf32, #tpu.memory_space<vmem_shared>>) offsets(%dma_start3A_206 : memref<128xi32, #tpu.memory_space<vmem>>) semaphore(%run_scoped3A_199 : memref<!tpu.dma_semaphore, #tpu.memory_space<semaphore_mem>>) {add = true}
        %dma_wait3A_210 = arith.constant 0 : i32
        %dma_wait3A_211 = arith.constant 0 : i32
        %dma_wait3A_212 = tpu.memref_slice %arg7[%run_scoped3A, %dma_wait3A_210, %dma_wait3A_211] : memref<6x128x16xf32, #tpu.memory_space<vmem>> -> memref<1x128x16xf32, #tpu.memory_space<vmem>>
        %dma_wait3A_213 = tpu.memref_squeeze %dma_wait3A_212 : memref<1x128x16xf32, #tpu.memory_space<vmem>> -> memref<128x16xf32, #tpu.memory_space<vmem>>
        %dma_wait3A_214 = arith.constant 0 : i32
        %dma_wait3A_215 = tpu.memref_slice %arg6[%run_scoped3A_197, %run_scoped3A_198, %dma_wait3A_214] : memref<78x2x128xi32, #tpu.memory_space<vmem>> -> memref<1x1x128xi32, #tpu.memory_space<vmem>>
        %dma_wait3A_216 = tpu.memref_squeeze %dma_wait3A_215 : memref<1x1x128xi32, #tpu.memory_space<vmem>> -> memref<128xi32, #tpu.memory_space<vmem>>
        %dma_wait3A_217 = arith.constant 0 : i32
        %dma_wait3A_218 = arith.constant 0 : i32
        %dma_wait3A_219 = tpu.memref_slice %arg10[%dma_wait3A_217, %dma_wait3A_218] : memref<10240x16xf32, #tpu.memory_space<vmem_shared>> -> memref<10240x16xf32, #tpu.memory_space<vmem_shared>>
        tpu.wait_indirect_dma semaphore(%run_scoped3A_199 : memref<!tpu.dma_semaphore, #tpu.memory_space<semaphore_mem>>) src(%dma_wait3A_213 : memref<128x16xf32, #tpu.memory_space<vmem>>) dst(%dma_wait3A_219 : memref<10240x16xf32, #tpu.memory_space<vmem_shared>>)
        tpu.yield
      }) : () -> ()
    } else {
    }
    %barrier3A_158 = arith.constant 0 : index
    tpu.barrier barrier_id(%barrier3A_158)
    %mul3A_159 = arith.constant 640 : i32
    %mul3A_160 = arith.muli %arg1, %mul3A_159 : i32
    "tpu.region"() ({
      %run_scoped3A = tpu.sem_alloc : memref<!tpu.dma_semaphore, #tpu.memory_space<semaphore_mem>>
      %dma_start3A_163 = arith.constant 0 : i32
      %dma_start3A_164 = tpu.memref_slice %arg10[%mul3A_160, %dma_start3A_163] : memref<10240x16xf32, #tpu.memory_space<vmem_shared>> -> memref<640x16xf32, #tpu.memory_space<vmem_shared>>
      %dma_start3A_165 = arith.constant 0 : i32
      %dma_start3A_166 = tpu.memref_slice %arg10[%mul3A_160, %dma_start3A_165] : memref<10240x16xf32, #tpu.memory_space<vmem_shared>> -> memref<640x16xf32, #tpu.memory_space<vmem_shared>>
      tpu.enqueue_dma source(%dma_start3A_166 : memref<640x16xf32, #tpu.memory_space<vmem_shared>>) target(%arg8 : memref<640x16xf32, #tpu.memory_space<vmem>>) target_semaphore(%run_scoped3A : memref<!tpu.dma_semaphore, #tpu.memory_space<semaphore_mem>>)
      %dma_wait3A_167 = arith.constant 0 : i32
      %dma_wait3A_168 = tpu.memref_slice %arg10[%mul3A_160, %dma_wait3A_167] : memref<10240x16xf32, #tpu.memory_space<vmem_shared>> -> memref<640x16xf32, #tpu.memory_space<vmem_shared>>
      %dma_wait3A_169 = arith.constant 0 : i32
      %dma_wait3A_170 = tpu.memref_slice %arg10[%mul3A_160, %dma_wait3A_169] : memref<10240x16xf32, #tpu.memory_space<vmem_shared>> -> memref<640x16xf32, #tpu.memory_space<vmem_shared>>
      tpu.wait_dma2 semaphore(%run_scoped3A : memref<!tpu.dma_semaphore, #tpu.memory_space<semaphore_mem>>) src(%dma_wait3A_170 : memref<640x16xf32, #tpu.memory_space<vmem_shared>>) dst(%arg8 : memref<640x16xf32, #tpu.memory_space<vmem>>)
      tpu.yield
    }) : () -> ()
    %mul3A_161 = arith.constant 640 : i32
    %mul3A_162 = arith.muli %arg1, %mul3A_161 : i32
    "tpu.region"() ({
      %run_scoped3A = tpu.sem_alloc : memref<!tpu.dma_semaphore, #tpu.memory_space<semaphore_mem>>
      %dma_start3A_163 = arith.constant 0 : i32
      %dma_start3A_164 = tpu.memref_slice %arg5[%arg0, %mul3A_162, %dma_start3A_163] : memref<2x10240x16xf32, #tpu.memory_space<hbm>> -> memref<1x640x16xf32, #tpu.memory_space<hbm>>
      %dma_start3A_165 = tpu.memref_squeeze %dma_start3A_164 : memref<1x640x16xf32, #tpu.memory_space<hbm>> -> memref<640x16xf32, #tpu.memory_space<hbm>>
      %dma_start3A_166 = arith.constant 0 : i32
      %dma_start3A_167 = tpu.memref_slice %arg5[%arg0, %mul3A_162, %dma_start3A_166] : memref<2x10240x16xf32, #tpu.memory_space<hbm>> -> memref<1x640x16xf32, #tpu.memory_space<hbm>>
      %dma_start3A_168 = tpu.memref_squeeze %dma_start3A_167 : memref<1x640x16xf32, #tpu.memory_space<hbm>> -> memref<640x16xf32, #tpu.memory_space<hbm>>
      tpu.enqueue_dma source(%arg8 : memref<640x16xf32, #tpu.memory_space<vmem>>) target(%dma_start3A_168 : memref<640x16xf32, #tpu.memory_space<hbm>>) target_semaphore(%run_scoped3A : memref<!tpu.dma_semaphore, #tpu.memory_space<semaphore_mem>>)
      %dma_wait3A_169 = arith.constant 0 : i32
      %dma_wait3A_170 = tpu.memref_slice %arg5[%arg0, %mul3A_162, %dma_wait3A_169] : memref<2x10240x16xf32, #tpu.memory_space<hbm>> -> memref<1x640x16xf32, #tpu.memory_space<hbm>>
      %dma_wait3A_171 = tpu.memref_squeeze %dma_wait3A_170 : memref<1x640x16xf32, #tpu.memory_space<hbm>> -> memref<640x16xf32, #tpu.memory_space<hbm>>
      %dma_wait3A_172 = arith.constant 0 : i32
      %dma_wait3A_173 = tpu.memref_slice %arg5[%arg0, %mul3A_162, %dma_wait3A_172] : memref<2x10240x16xf32, #tpu.memory_space<hbm>> -> memref<1x640x16xf32, #tpu.memory_space<hbm>>
      %dma_wait3A_174 = tpu.memref_squeeze %dma_wait3A_173 : memref<1x640x16xf32, #tpu.memory_space<hbm>> -> memref<640x16xf32, #tpu.memory_space<hbm>>
      tpu.wait_dma2 semaphore(%run_scoped3A : memref<!tpu.dma_semaphore, #tpu.memory_space<semaphore_mem>>) src(%arg8 : memref<640x16xf32, #tpu.memory_space<vmem>>) dst(%dma_wait3A_174 : memref<640x16xf32, #tpu.memory_space<hbm>>)
      tpu.yield
    }) : () -> ()
    return
  }
}

#map = affine_map<(d0, d1) -> (0, 0, 0)>
#map1 = affine_map<(d0, d1) -> (0)>
#map2 = affine_map<(d0, d1) -> (0, 0)>
module attributes {stable_mosaic.version = 14 : i64} {
  func.func @_deg_body(%arg0: i32, %arg1: i32, %arg2: memref<2500x2x128xi32, #tpu.memory_space<hbm>>, %arg3: memref<128xf32, #tpu.memory_space<hbm>>, %arg4: memref<640xf32, #tpu.memory_space<hbm>>, %arg5: memref<2x10240xf32, #tpu.memory_space<hbm>>, %arg6: memref<78x2x128xi32, #tpu.memory_space<vmem>>, %arg7: memref<128xf32, #tpu.memory_space<vmem>>, %arg8: memref<640xf32, #tpu.memory_space<vmem>>, %arg9: memref<10240xf32, #tpu.memory_space<vmem_shared>>, %arg10: memref<!tpu.dma_semaphore, #tpu.memory_space<semaphore_mem>>) attributes {dimension_semantics = [#tpu.dimension_semantics<core_parallel>, #tpu.dimension_semantics<subcore_parallel>], iteration_bounds = array<i64: 2, 16>, scalar_prefetch = 0 : i64, scratch_operands = 5 : i64, tpu.core_type = #tpu.core_type<sc_vector_subcore>, window_params = [{transform_indices = #map}, {transform_indices = #map1}, {transform_indices = #map1}, {transform_indices = #map2}]} {
    %mul3A = arith.constant 16 : i32
    %mul3A_0 = arith.muli %arg0, %mul3A : i32
    %add3A = arith.addi %mul3A_0, %arg1 : i32
    "tpu.region"() ({
      %run_scoped3A = tpu.sem_alloc : memref<!tpu.dma_semaphore, #tpu.memory_space<semaphore_mem>>
      tpu.enqueue_dma source(%arg4 : memref<640xf32, #tpu.memory_space<hbm>>) target(%arg8 : memref<640xf32, #tpu.memory_space<vmem>>) target_semaphore(%run_scoped3A : memref<!tpu.dma_semaphore, #tpu.memory_space<semaphore_mem>>)
      tpu.wait_dma2 semaphore(%run_scoped3A : memref<!tpu.dma_semaphore, #tpu.memory_space<semaphore_mem>>) src(%arg4 : memref<640xf32, #tpu.memory_space<hbm>>) dst(%arg8 : memref<640xf32, #tpu.memory_space<vmem>>)
      tpu.yield
    }) : () -> ()
    %mul3A_1 = arith.constant 640 : i32
    %mul3A_2 = arith.muli %arg1, %mul3A_1 : i32
    "tpu.region"() ({
      %run_scoped3A = tpu.sem_alloc : memref<!tpu.dma_semaphore, #tpu.memory_space<semaphore_mem>>
      %dma_start3A = tpu.memref_slice %arg9[%mul3A_2] : memref<10240xf32, #tpu.memory_space<vmem_shared>> -> memref<640xf32, #tpu.memory_space<vmem_shared>>
      %dma_start3A_28 = tpu.memref_slice %arg9[%mul3A_2] : memref<10240xf32, #tpu.memory_space<vmem_shared>> -> memref<640xf32, #tpu.memory_space<vmem_shared>>
      tpu.enqueue_dma source(%arg8 : memref<640xf32, #tpu.memory_space<vmem>>) target(%dma_start3A_28 : memref<640xf32, #tpu.memory_space<vmem_shared>>) target_semaphore(%run_scoped3A : memref<!tpu.dma_semaphore, #tpu.memory_space<semaphore_mem>>)
      %dma_wait3A = tpu.memref_slice %arg9[%mul3A_2] : memref<10240xf32, #tpu.memory_space<vmem_shared>> -> memref<640xf32, #tpu.memory_space<vmem_shared>>
      %dma_wait3A_29 = tpu.memref_slice %arg9[%mul3A_2] : memref<10240xf32, #tpu.memory_space<vmem_shared>> -> memref<640xf32, #tpu.memory_space<vmem_shared>>
      tpu.wait_dma2 semaphore(%run_scoped3A : memref<!tpu.dma_semaphore, #tpu.memory_space<semaphore_mem>>) src(%arg8 : memref<640xf32, #tpu.memory_space<vmem>>) dst(%dma_wait3A_29 : memref<640xf32, #tpu.memory_space<vmem_shared>>)
      tpu.yield
    }) : () -> ()
    "tpu.region"() ({
      %run_scoped3A = tpu.sem_alloc : memref<!tpu.dma_semaphore, #tpu.memory_space<semaphore_mem>>
      tpu.enqueue_dma source(%arg3 : memref<128xf32, #tpu.memory_space<hbm>>) target(%arg7 : memref<128xf32, #tpu.memory_space<vmem>>) target_semaphore(%run_scoped3A : memref<!tpu.dma_semaphore, #tpu.memory_space<semaphore_mem>>)
      tpu.wait_dma2 semaphore(%run_scoped3A : memref<!tpu.dma_semaphore, #tpu.memory_space<semaphore_mem>>) src(%arg3 : memref<128xf32, #tpu.memory_space<hbm>>) dst(%arg7 : memref<128xf32, #tpu.memory_space<vmem>>)
      tpu.yield
    }) : () -> ()
    %mul3A_3 = arith.constant 78 : i32
    %mul3A_4 = arith.muli %add3A, %mul3A_3 : i32
    "tpu.region"() ({
      %run_scoped3A = tpu.sem_alloc : memref<!tpu.dma_semaphore, #tpu.memory_space<semaphore_mem>>
      %dma_start3A = arith.constant 0 : i32
      %dma_start3A_28 = arith.constant 0 : i32
      %dma_start3A_29 = tpu.memref_slice %arg2[%mul3A_4, %dma_start3A, %dma_start3A_28] : memref<2500x2x128xi32, #tpu.memory_space<hbm>> -> memref<78x2x128xi32, #tpu.memory_space<hbm>>
      %dma_start3A_30 = arith.constant 0 : i32
      %dma_start3A_31 = arith.constant 0 : i32
      %dma_start3A_32 = tpu.memref_slice %arg2[%mul3A_4, %dma_start3A_30, %dma_start3A_31] : memref<2500x2x128xi32, #tpu.memory_space<hbm>> -> memref<78x2x128xi32, #tpu.memory_space<hbm>>
      tpu.enqueue_dma source(%dma_start3A_32 : memref<78x2x128xi32, #tpu.memory_space<hbm>>) target(%arg6 : memref<78x2x128xi32, #tpu.memory_space<vmem>>) target_semaphore(%run_scoped3A : memref<!tpu.dma_semaphore, #tpu.memory_space<semaphore_mem>>)
      %dma_wait3A = arith.constant 0 : i32
      %dma_wait3A_33 = arith.constant 0 : i32
      %dma_wait3A_34 = tpu.memref_slice %arg2[%mul3A_4, %dma_wait3A, %dma_wait3A_33] : memref<2500x2x128xi32, #tpu.memory_space<hbm>> -> memref<78x2x128xi32, #tpu.memory_space<hbm>>
      %dma_wait3A_35 = arith.constant 0 : i32
      %dma_wait3A_36 = arith.constant 0 : i32
      %dma_wait3A_37 = tpu.memref_slice %arg2[%mul3A_4, %dma_wait3A_35, %dma_wait3A_36] : memref<2500x2x128xi32, #tpu.memory_space<hbm>> -> memref<78x2x128xi32, #tpu.memory_space<hbm>>
      tpu.wait_dma2 semaphore(%run_scoped3A : memref<!tpu.dma_semaphore, #tpu.memory_space<semaphore_mem>>) src(%dma_wait3A_37 : memref<78x2x128xi32, #tpu.memory_space<hbm>>) dst(%arg6 : memref<78x2x128xi32, #tpu.memory_space<vmem>>)
      tpu.yield
    }) : () -> ()
    %barrier3A = arith.constant 0 : index
    tpu.barrier barrier_id(%barrier3A)
    %scan3A = arith.constant 0 : i32
    %scan3A_5 = arith.constant 0 : i32
    %scan3A_6 = arith.constant 78 : i32
    %scan3A_7 = arith.addi %scan3A_5, %scan3A_6 : i32
    %scan3A_8 = arith.constant 1 : i32
    scf.for %scan3A_28 = %scan3A_5 to %scan3A_7 step %scan3A_8  : i32 {
      %dma_start3A = arith.constant 1 : i32
      %dma_start3A_29 = arith.constant 0 : i32
      %dma_start3A_30 = tpu.memref_slice %arg6[%scan3A_28, %dma_start3A, %dma_start3A_29] : memref<78x2x128xi32, #tpu.memory_space<vmem>> -> memref<1x1x128xi32, #tpu.memory_space<vmem>>
      %dma_start3A_31 = tpu.memref_squeeze %dma_start3A_30 : memref<1x1x128xi32, #tpu.memory_space<vmem>> -> memref<128xi32, #tpu.memory_space<vmem>>
      %dma_start3A_32 = arith.constant 0 : i32
      %dma_start3A_33 = tpu.memref_slice %arg9[%dma_start3A_32] : memref<10240xf32, #tpu.memory_space<vmem_shared>> -> memref<10240xf32, #tpu.memory_space<vmem_shared>>
      tpu.enqueue_indirect_dma source(%arg7 : memref<128xf32, #tpu.memory_space<vmem>>) target(%dma_start3A_33 : memref<10240xf32, #tpu.memory_space<vmem_shared>>) offsets(%dma_start3A_31 : memref<128xi32, #tpu.memory_space<vmem>>) semaphore(%arg10 : memref<!tpu.dma_semaphore, #tpu.memory_space<semaphore_mem>>) {add = true}
    }
    %scan3A_9 = arith.constant 78 : i32
    %lt3A = arith.constant 4 : i32
    %lt3A_10 = arith.cmpi slt, %add3A, %lt3A : i32
    %convert_element_type3A = arith.extui %lt3A_10 : i1 to i32
    %cond3A = arith.constant 0 : i32
    %cond3A_11 = arith.cmpi ne, %convert_element_type3A, %cond3A : i32
    scf.if %cond3A_11 {
      %add3A_28 = arith.constant 2496 : i32
      %add3A_29 = arith.addi %add3A_28, %add3A : i32
      "tpu.region"() ({
        %run_scoped3A = tpu.sem_alloc : memref<!tpu.dma_semaphore, #tpu.memory_space<semaphore_mem>>
        %dma_start3A_36 = arith.constant 0 : i32
        %dma_start3A_37 = arith.constant 0 : i32
        %dma_start3A_38 = arith.constant 0 : i32
        %dma_start3A_39 = tpu.memref_slice %arg6[%dma_start3A_36, %dma_start3A_37, %dma_start3A_38] : memref<78x2x128xi32, #tpu.memory_space<vmem>> -> memref<1x2x128xi32, #tpu.memory_space<vmem>>
        %dma_start3A_40 = arith.constant 0 : i32
        %dma_start3A_41 = arith.constant 0 : i32
        %dma_start3A_42 = tpu.memref_slice %arg2[%add3A_29, %dma_start3A_40, %dma_start3A_41] : memref<2500x2x128xi32, #tpu.memory_space<hbm>> -> memref<1x2x128xi32, #tpu.memory_space<hbm>>
        %dma_start3A_43 = arith.constant 0 : i32
        %dma_start3A_44 = arith.constant 0 : i32
        %dma_start3A_45 = arith.constant 0 : i32
        %dma_start3A_46 = tpu.memref_slice %arg6[%dma_start3A_43, %dma_start3A_44, %dma_start3A_45] : memref<78x2x128xi32, #tpu.memory_space<vmem>> -> memref<1x2x128xi32, #tpu.memory_space<vmem>>
        %dma_start3A_47 = arith.constant 0 : i32
        %dma_start3A_48 = arith.constant 0 : i32
        %dma_start3A_49 = tpu.memref_slice %arg2[%add3A_29, %dma_start3A_47, %dma_start3A_48] : memref<2500x2x128xi32, #tpu.memory_space<hbm>> -> memref<1x2x128xi32, #tpu.memory_space<hbm>>
        tpu.enqueue_dma source(%dma_start3A_49 : memref<1x2x128xi32, #tpu.memory_space<hbm>>) target(%dma_start3A_46 : memref<1x2x128xi32, #tpu.memory_space<vmem>>) target_semaphore(%run_scoped3A : memref<!tpu.dma_semaphore, #tpu.memory_space<semaphore_mem>>)
        %dma_wait3A = arith.constant 0 : i32
        %dma_wait3A_50 = arith.constant 0 : i32
        %dma_wait3A_51 = arith.constant 0 : i32
        %dma_wait3A_52 = tpu.memref_slice %arg6[%dma_wait3A, %dma_wait3A_50, %dma_wait3A_51] : memref<78x2x128xi32, #tpu.memory_space<vmem>> -> memref<1x2x128xi32, #tpu.memory_space<vmem>>
        %dma_wait3A_53 = arith.constant 0 : i32
        %dma_wait3A_54 = arith.constant 0 : i32
        %dma_wait3A_55 = tpu.memref_slice %arg2[%add3A_29, %dma_wait3A_53, %dma_wait3A_54] : memref<2500x2x128xi32, #tpu.memory_space<hbm>> -> memref<1x2x128xi32, #tpu.memory_space<hbm>>
        %dma_wait3A_56 = arith.constant 0 : i32
        %dma_wait3A_57 = arith.constant 0 : i32
        %dma_wait3A_58 = arith.constant 0 : i32
        %dma_wait3A_59 = tpu.memref_slice %arg6[%dma_wait3A_56, %dma_wait3A_57, %dma_wait3A_58] : memref<78x2x128xi32, #tpu.memory_space<vmem>> -> memref<1x2x128xi32, #tpu.memory_space<vmem>>
        %dma_wait3A_60 = arith.constant 0 : i32
        %dma_wait3A_61 = arith.constant 0 : i32
        %dma_wait3A_62 = tpu.memref_slice %arg2[%add3A_29, %dma_wait3A_60, %dma_wait3A_61] : memref<2500x2x128xi32, #tpu.memory_space<hbm>> -> memref<1x2x128xi32, #tpu.memory_space<hbm>>
        tpu.wait_dma2 semaphore(%run_scoped3A : memref<!tpu.dma_semaphore, #tpu.memory_space<semaphore_mem>>) src(%dma_wait3A_62 : memref<1x2x128xi32, #tpu.memory_space<hbm>>) dst(%dma_wait3A_59 : memref<1x2x128xi32, #tpu.memory_space<vmem>>)
        tpu.yield
      }) : () -> ()
      %dma_start3A = arith.constant 0 : i32
      %dma_start3A_30 = arith.constant 1 : i32
      %dma_start3A_31 = arith.constant 0 : i32
      %dma_start3A_32 = tpu.memref_slice %arg6[%dma_start3A, %dma_start3A_30, %dma_start3A_31] : memref<78x2x128xi32, #tpu.memory_space<vmem>> -> memref<1x1x128xi32, #tpu.memory_space<vmem>>
      %dma_start3A_33 = tpu.memref_squeeze %dma_start3A_32 : memref<1x1x128xi32, #tpu.memory_space<vmem>> -> memref<128xi32, #tpu.memory_space<vmem>>
      %dma_start3A_34 = arith.constant 0 : i32
      %dma_start3A_35 = tpu.memref_slice %arg9[%dma_start3A_34] : memref<10240xf32, #tpu.memory_space<vmem_shared>> -> memref<10240xf32, #tpu.memory_space<vmem_shared>>
      tpu.enqueue_indirect_dma source(%arg7 : memref<128xf32, #tpu.memory_space<vmem>>) target(%dma_start3A_35 : memref<10240xf32, #tpu.memory_space<vmem_shared>>) offsets(%dma_start3A_33 : memref<128xi32, #tpu.memory_space<vmem>>) semaphore(%arg10 : memref<!tpu.dma_semaphore, #tpu.memory_space<semaphore_mem>>) {add = true}
    } else {
    }
    %scan3A_12 = arith.constant 0 : i32
    %scan3A_13 = arith.constant 0 : i32
    %scan3A_14 = arith.constant 78 : i32
    %scan3A_15 = arith.addi %scan3A_13, %scan3A_14 : i32
    %scan3A_16 = arith.constant 1 : i32
    scf.for %scan3A_28 = %scan3A_13 to %scan3A_15 step %scan3A_16  : i32 {
      %dma_wait3A = arith.constant 0 : i32
      %dma_wait3A_29 = arith.constant 1 : i32
      %dma_wait3A_30 = arith.constant 0 : i32
      %dma_wait3A_31 = tpu.memref_slice %arg6[%dma_wait3A, %dma_wait3A_29, %dma_wait3A_30] : memref<78x2x128xi32, #tpu.memory_space<vmem>> -> memref<1x1x128xi32, #tpu.memory_space<vmem>>
      %dma_wait3A_32 = tpu.memref_squeeze %dma_wait3A_31 : memref<1x1x128xi32, #tpu.memory_space<vmem>> -> memref<128xi32, #tpu.memory_space<vmem>>
      %dma_wait3A_33 = arith.constant 0 : i32
      %dma_wait3A_34 = tpu.memref_slice %arg9[%dma_wait3A_33] : memref<10240xf32, #tpu.memory_space<vmem_shared>> -> memref<10240xf32, #tpu.memory_space<vmem_shared>>
      tpu.wait_indirect_dma semaphore(%arg10 : memref<!tpu.dma_semaphore, #tpu.memory_space<semaphore_mem>>) src(%arg7 : memref<128xf32, #tpu.memory_space<vmem>>) dst(%dma_wait3A_34 : memref<10240xf32, #tpu.memory_space<vmem_shared>>)
    }
    %scan3A_17 = arith.constant 78 : i32
    %lt3A_18 = arith.constant 4 : i32
    %lt3A_19 = arith.cmpi slt, %add3A, %lt3A_18 : i32
    %convert_element_type3A_20 = arith.extui %lt3A_19 : i1 to i32
    %cond3A_21 = arith.constant 0 : i32
    %cond3A_22 = arith.cmpi ne, %convert_element_type3A_20, %cond3A_21 : i32
    scf.if %cond3A_22 {
      %dma_wait3A = arith.constant 0 : i32
      %dma_wait3A_28 = arith.constant 1 : i32
      %dma_wait3A_29 = arith.constant 0 : i32
      %dma_wait3A_30 = tpu.memref_slice %arg6[%dma_wait3A, %dma_wait3A_28, %dma_wait3A_29] : memref<78x2x128xi32, #tpu.memory_space<vmem>> -> memref<1x1x128xi32, #tpu.memory_space<vmem>>
      %dma_wait3A_31 = tpu.memref_squeeze %dma_wait3A_30 : memref<1x1x128xi32, #tpu.memory_space<vmem>> -> memref<128xi32, #tpu.memory_space<vmem>>
      %dma_wait3A_32 = arith.constant 0 : i32
      %dma_wait3A_33 = tpu.memref_slice %arg9[%dma_wait3A_32] : memref<10240xf32, #tpu.memory_space<vmem_shared>> -> memref<10240xf32, #tpu.memory_space<vmem_shared>>
      tpu.wait_indirect_dma semaphore(%arg10 : memref<!tpu.dma_semaphore, #tpu.memory_space<semaphore_mem>>) src(%arg7 : memref<128xf32, #tpu.memory_space<vmem>>) dst(%dma_wait3A_33 : memref<10240xf32, #tpu.memory_space<vmem_shared>>)
    } else {
    }
    %barrier3A_23 = arith.constant 0 : index
    tpu.barrier barrier_id(%barrier3A_23)
    %mul3A_24 = arith.constant 640 : i32
    %mul3A_25 = arith.muli %arg1, %mul3A_24 : i32
    "tpu.region"() ({
      %run_scoped3A = tpu.sem_alloc : memref<!tpu.dma_semaphore, #tpu.memory_space<semaphore_mem>>
      %dma_start3A = tpu.memref_slice %arg9[%mul3A_25] : memref<10240xf32, #tpu.memory_space<vmem_shared>> -> memref<640xf32, #tpu.memory_space<vmem_shared>>
      %dma_start3A_28 = tpu.memref_slice %arg9[%mul3A_25] : memref<10240xf32, #tpu.memory_space<vmem_shared>> -> memref<640xf32, #tpu.memory_space<vmem_shared>>
      tpu.enqueue_dma source(%dma_start3A_28 : memref<640xf32, #tpu.memory_space<vmem_shared>>) target(%arg8 : memref<640xf32, #tpu.memory_space<vmem>>) target_semaphore(%run_scoped3A : memref<!tpu.dma_semaphore, #tpu.memory_space<semaphore_mem>>)
      %dma_wait3A = tpu.memref_slice %arg9[%mul3A_25] : memref<10240xf32, #tpu.memory_space<vmem_shared>> -> memref<640xf32, #tpu.memory_space<vmem_shared>>
      %dma_wait3A_29 = tpu.memref_slice %arg9[%mul3A_25] : memref<10240xf32, #tpu.memory_space<vmem_shared>> -> memref<640xf32, #tpu.memory_space<vmem_shared>>
      tpu.wait_dma2 semaphore(%run_scoped3A : memref<!tpu.dma_semaphore, #tpu.memory_space<semaphore_mem>>) src(%dma_wait3A_29 : memref<640xf32, #tpu.memory_space<vmem_shared>>) dst(%arg8 : memref<640xf32, #tpu.memory_space<vmem>>)
      tpu.yield
    }) : () -> ()
    %mul3A_26 = arith.constant 640 : i32
    %mul3A_27 = arith.muli %arg1, %mul3A_26 : i32
    "tpu.region"() ({
      %run_scoped3A = tpu.sem_alloc : memref<!tpu.dma_semaphore, #tpu.memory_space<semaphore_mem>>
      %dma_start3A = tpu.memref_slice %arg5[%arg0, %mul3A_27] : memref<2x10240xf32, #tpu.memory_space<hbm>> -> memref<1x640xf32, #tpu.memory_space<hbm>>
      %dma_start3A_28 = tpu.memref_squeeze %dma_start3A : memref<1x640xf32, #tpu.memory_space<hbm>> -> memref<640xf32, #tpu.memory_space<hbm>>
      %dma_start3A_29 = tpu.memref_slice %arg5[%arg0, %mul3A_27] : memref<2x10240xf32, #tpu.memory_space<hbm>> -> memref<1x640xf32, #tpu.memory_space<hbm>>
      %dma_start3A_30 = tpu.memref_squeeze %dma_start3A_29 : memref<1x640xf32, #tpu.memory_space<hbm>> -> memref<640xf32, #tpu.memory_space<hbm>>
      tpu.enqueue_dma source(%arg8 : memref<640xf32, #tpu.memory_space<vmem>>) target(%dma_start3A_30 : memref<640xf32, #tpu.memory_space<hbm>>) target_semaphore(%run_scoped3A : memref<!tpu.dma_semaphore, #tpu.memory_space<semaphore_mem>>)
      %dma_wait3A = tpu.memref_slice %arg5[%arg0, %mul3A_27] : memref<2x10240xf32, #tpu.memory_space<hbm>> -> memref<1x640xf32, #tpu.memory_space<hbm>>
      %dma_wait3A_31 = tpu.memref_squeeze %dma_wait3A : memref<1x640xf32, #tpu.memory_space<hbm>> -> memref<640xf32, #tpu.memory_space<hbm>>
      %dma_wait3A_32 = tpu.memref_slice %arg5[%arg0, %mul3A_27] : memref<2x10240xf32, #tpu.memory_space<hbm>> -> memref<1x640xf32, #tpu.memory_space<hbm>>
      %dma_wait3A_33 = tpu.memref_squeeze %dma_wait3A_32 : memref<1x640xf32, #tpu.memory_space<hbm>> -> memref<640xf32, #tpu.memory_space<hbm>>
      tpu.wait_dma2 semaphore(%run_scoped3A : memref<!tpu.dma_semaphore, #tpu.memory_space<semaphore_mem>>) src(%arg8 : memref<640xf32, #tpu.memory_space<vmem>>) dst(%dma_wait3A_33 : memref<640xf32, #tpu.memory_space<hbm>>)
      tpu.yield
    }) : () -> ()
    return
  }
}

#map = affine_map<(d0, d1) -> (0, 0, 0)>
#map1 = affine_map<(d0, d1) -> (0, 0)>
module attributes {stable_mosaic.version = 14 : i64} {
  func.func @_hop_body(%arg0: i32, %arg1: i32, %arg2: memref<2500x2x128xi32, #tpu.memory_space<hbm>>, %arg3: memref<10000x16xf32, #tpu.memory_space<hbm>>, %arg4: memref<640x16xf32, #tpu.memory_space<hbm>>, %arg5: memref<2x10240x16xf32, #tpu.memory_space<hbm>>, %arg6: memref<78x2x128xi32, #tpu.memory_space<vmem>>, %arg7: memref<6x128x16xf32, #tpu.memory_space<vmem>>, %arg8: memref<640x16xf32, #tpu.memory_space<vmem>>, %arg9: memref<625x16xf32, #tpu.memory_space<vmem>>, %arg10: memref<10240x16xf32, #tpu.memory_space<vmem_shared>>, %arg11: memref<10000x16xf32, #tpu.memory_space<vmem_shared>>, %arg12: memref<6x!tpu.dma_semaphore, #tpu.memory_space<semaphore_mem>>, %arg13: memref<6x!tpu.dma_semaphore, #tpu.memory_space<semaphore_mem>>) attributes {dimension_semantics = [#tpu.dimension_semantics<core_parallel>, #tpu.dimension_semantics<subcore_parallel>], iteration_bounds = array<i64: 2, 16>, scalar_prefetch = 0 : i64, scratch_operands = 8 : i64, tpu.core_type = #tpu.core_type<sc_vector_subcore>, window_params = [{transform_indices = #map}, {transform_indices = #map1}, {transform_indices = #map1}, {transform_indices = #map}]} {
    %mul3A = arith.constant 16 : i32
    %mul3A_0 = arith.muli %arg0, %mul3A : i32
    %add3A = arith.addi %mul3A_0, %arg1 : i32
    "tpu.region"() ({
      %run_scoped3A = tpu.sem_alloc : memref<!tpu.dma_semaphore, #tpu.memory_space<semaphore_mem>>
      tpu.enqueue_dma source(%arg4 : memref<640x16xf32, #tpu.memory_space<hbm>>) target(%arg8 : memref<640x16xf32, #tpu.memory_space<vmem>>) target_semaphore(%run_scoped3A : memref<!tpu.dma_semaphore, #tpu.memory_space<semaphore_mem>>)
      tpu.wait_dma2 semaphore(%run_scoped3A : memref<!tpu.dma_semaphore, #tpu.memory_space<semaphore_mem>>) src(%arg4 : memref<640x16xf32, #tpu.memory_space<hbm>>) dst(%arg8 : memref<640x16xf32, #tpu.memory_space<vmem>>)
      tpu.yield
    }) : () -> ()
    %mul3A_1 = arith.constant 640 : i32
    %mul3A_2 = arith.muli %arg1, %mul3A_1 : i32
    "tpu.region"() ({
      %run_scoped3A = tpu.sem_alloc : memref<!tpu.dma_semaphore, #tpu.memory_space<semaphore_mem>>
      %dma_start3A_163 = arith.constant 0 : i32
      %dma_start3A_164 = tpu.memref_slice %arg10[%mul3A_2, %dma_start3A_163] : memref<10240x16xf32, #tpu.memory_space<vmem_shared>> -> memref<640x16xf32, #tpu.memory_space<vmem_shared>>
      %dma_start3A_165 = arith.constant 0 : i32
      %dma_start3A_166 = tpu.memref_slice %arg10[%mul3A_2, %dma_start3A_165] : memref<10240x16xf32, #tpu.memory_space<vmem_shared>> -> memref<640x16xf32, #tpu.memory_space<vmem_shared>>
      tpu.enqueue_dma source(%arg8 : memref<640x16xf32, #tpu.memory_space<vmem>>) target(%dma_start3A_166 : memref<640x16xf32, #tpu.memory_space<vmem_shared>>) target_semaphore(%run_scoped3A : memref<!tpu.dma_semaphore, #tpu.memory_space<semaphore_mem>>)
      %dma_wait3A_167 = arith.constant 0 : i32
      %dma_wait3A_168 = tpu.memref_slice %arg10[%mul3A_2, %dma_wait3A_167] : memref<10240x16xf32, #tpu.memory_space<vmem_shared>> -> memref<640x16xf32, #tpu.memory_space<vmem_shared>>
      %dma_wait3A_169 = arith.constant 0 : i32
      %dma_wait3A_170 = tpu.memref_slice %arg10[%mul3A_2, %dma_wait3A_169] : memref<10240x16xf32, #tpu.memory_space<vmem_shared>> -> memref<640x16xf32, #tpu.memory_space<vmem_shared>>
      tpu.wait_dma2 semaphore(%run_scoped3A : memref<!tpu.dma_semaphore, #tpu.memory_space<semaphore_mem>>) src(%arg8 : memref<640x16xf32, #tpu.memory_space<vmem>>) dst(%dma_wait3A_170 : memref<640x16xf32, #tpu.memory_space<vmem_shared>>)
      tpu.yield
    }) : () -> ()
    %mul3A_3 = arith.constant 625 : i32
    %mul3A_4 = arith.muli %arg1, %mul3A_3 : i32
    "tpu.region"() ({
      %run_scoped3A = tpu.sem_alloc : memref<!tpu.dma_semaphore, #tpu.memory_space<semaphore_mem>>
      %dma_start3A_163 = arith.constant 0 : i32
      %dma_start3A_164 = tpu.memref_slice %arg3[%mul3A_4, %dma_start3A_163] : memref<10000x16xf32, #tpu.memory_space<hbm>> -> memref<625x16xf32, #tpu.memory_space<hbm>>
      %dma_start3A_165 = arith.constant 0 : i32
      %dma_start3A_166 = tpu.memref_slice %arg3[%mul3A_4, %dma_start3A_165] : memref<10000x16xf32, #tpu.memory_space<hbm>> -> memref<625x16xf32, #tpu.memory_space<hbm>>
      tpu.enqueue_dma source(%dma_start3A_166 : memref<625x16xf32, #tpu.memory_space<hbm>>) target(%arg9 : memref<625x16xf32, #tpu.memory_space<vmem>>) target_semaphore(%run_scoped3A : memref<!tpu.dma_semaphore, #tpu.memory_space<semaphore_mem>>)
      %dma_wait3A_167 = arith.constant 0 : i32
      %dma_wait3A_168 = tpu.memref_slice %arg3[%mul3A_4, %dma_wait3A_167] : memref<10000x16xf32, #tpu.memory_space<hbm>> -> memref<625x16xf32, #tpu.memory_space<hbm>>
      %dma_wait3A_169 = arith.constant 0 : i32
      %dma_wait3A_170 = tpu.memref_slice %arg3[%mul3A_4, %dma_wait3A_169] : memref<10000x16xf32, #tpu.memory_space<hbm>> -> memref<625x16xf32, #tpu.memory_space<hbm>>
      tpu.wait_dma2 semaphore(%run_scoped3A : memref<!tpu.dma_semaphore, #tpu.memory_space<semaphore_mem>>) src(%dma_wait3A_170 : memref<625x16xf32, #tpu.memory_space<hbm>>) dst(%arg9 : memref<625x16xf32, #tpu.memory_space<vmem>>)
      tpu.yield
    }) : () -> ()
    %mul3A_5 = arith.constant 625 : i32
    %mul3A_6 = arith.muli %arg1, %mul3A_5 : i32
    "tpu.region"() ({
      %run_scoped3A = tpu.sem_alloc : memref<!tpu.dma_semaphore, #tpu.memory_space<semaphore_mem>>
      %dma_start3A_163 = arith.constant 0 : i32
      %dma_start3A_164 = tpu.memref_slice %arg11[%mul3A_6, %dma_start3A_163] : memref<10000x16xf32, #tpu.memory_space<vmem_shared>> -> memref<625x16xf32, #tpu.memory_space<vmem_shared>>
      %dma_start3A_165 = arith.constant 0 : i32
      %dma_start3A_166 = tpu.memref_slice %arg11[%mul3A_6, %dma_start3A_165] : memref<10000x16xf32, #tpu.memory_space<vmem_shared>> -> memref<625x16xf32, #tpu.memory_space<vmem_shared>>
      tpu.enqueue_dma source(%arg9 : memref<625x16xf32, #tpu.memory_space<vmem>>) target(%dma_start3A_166 : memref<625x16xf32, #tpu.memory_space<vmem_shared>>) target_semaphore(%run_scoped3A : memref<!tpu.dma_semaphore, #tpu.memory_space<semaphore_mem>>)
      %dma_wait3A_167 = arith.constant 0 : i32
      %dma_wait3A_168 = tpu.memref_slice %arg11[%mul3A_6, %dma_wait3A_167] : memref<10000x16xf32, #tpu.memory_space<vmem_shared>> -> memref<625x16xf32, #tpu.memory_space<vmem_shared>>
      %dma_wait3A_169 = arith.constant 0 : i32
      %dma_wait3A_170 = tpu.memref_slice %arg11[%mul3A_6, %dma_wait3A_169] : memref<10000x16xf32, #tpu.memory_space<vmem_shared>> -> memref<625x16xf32, #tpu.memory_space<vmem_shared>>
      tpu.wait_dma2 semaphore(%run_scoped3A : memref<!tpu.dma_semaphore, #tpu.memory_space<semaphore_mem>>) src(%arg9 : memref<625x16xf32, #tpu.memory_space<vmem>>) dst(%dma_wait3A_170 : memref<625x16xf32, #tpu.memory_space<vmem_shared>>)
      tpu.yield
    }) : () -> ()
    %mul3A_7 = arith.constant 78 : i32
    %mul3A_8 = arith.muli %add3A, %mul3A_7 : i32
    "tpu.region"() ({
      %run_scoped3A = tpu.sem_alloc : memref<!tpu.dma_semaphore, #tpu.memory_space<semaphore_mem>>
      %dma_start3A_163 = arith.constant 0 : i32
      %dma_start3A_164 = arith.constant 0 : i32
      %dma_start3A_165 = tpu.memref_slice %arg2[%mul3A_8, %dma_start3A_163, %dma_start3A_164] : memref<2500x2x128xi32, #tpu.memory_space<hbm>> -> memref<78x2x128xi32, #tpu.memory_space<hbm>>
      %dma_start3A_166 = arith.constant 0 : i32
      %dma_start3A_167 = arith.constant 0 : i32
      %dma_start3A_168 = tpu.memref_slice %arg2[%mul3A_8, %dma_start3A_166, %dma_start3A_167] : memref<2500x2x128xi32, #tpu.memory_space<hbm>> -> memref<78x2x128xi32, #tpu.memory_space<hbm>>
      tpu.enqueue_dma source(%dma_start3A_168 : memref<78x2x128xi32, #tpu.memory_space<hbm>>) target(%arg6 : memref<78x2x128xi32, #tpu.memory_space<vmem>>) target_semaphore(%run_scoped3A : memref<!tpu.dma_semaphore, #tpu.memory_space<semaphore_mem>>)
      %dma_wait3A_169 = arith.constant 0 : i32
      %dma_wait3A_170 = arith.constant 0 : i32
      %dma_wait3A_171 = tpu.memref_slice %arg2[%mul3A_8, %dma_wait3A_169, %dma_wait3A_170] : memref<2500x2x128xi32, #tpu.memory_space<hbm>> -> memref<78x2x128xi32, #tpu.memory_space<hbm>>
      %dma_wait3A_172 = arith.constant 0 : i32
      %dma_wait3A_173 = arith.constant 0 : i32
      %dma_wait3A_174 = tpu.memref_slice %arg2[%mul3A_8, %dma_wait3A_172, %dma_wait3A_173] : memref<2500x2x128xi32, #tpu.memory_space<hbm>> -> memref<78x2x128xi32, #tpu.memory_space<hbm>>
      tpu.wait_dma2 semaphore(%run_scoped3A : memref<!tpu.dma_semaphore, #tpu.memory_space<semaphore_mem>>) src(%dma_wait3A_174 : memref<78x2x128xi32, #tpu.memory_space<hbm>>) dst(%arg6 : memref<78x2x128xi32, #tpu.memory_space<vmem>>)
      tpu.yield
    }) : () -> ()
    %barrier3A = arith.constant 0 : index
    tpu.barrier barrier_id(%barrier3A)
    %dma_start3A = arith.constant 0 : i32
    %dma_start3A_9 = arith.constant 0 : i32
    %dma_start3A_10 = arith.constant 0 : i32
    %dma_start3A_11 = arith.constant 0 : i32
    %dma_start3A_12 = arith.constant 0 : i32
    %dma_start3A_13 = arith.constant 0 : i32
    %dma_start3A_14 = tpu.memref_slice %arg7[%dma_start3A_10, %dma_start3A_12, %dma_start3A_13] : memref<6x128x16xf32, #tpu.memory_space<vmem>> -> memref<1x128x16xf32, #tpu.memory_space<vmem>>
    %dma_start3A_15 = tpu.memref_squeeze %dma_start3A_14 : memref<1x128x16xf32, #tpu.memory_space<vmem>> -> memref<128x16xf32, #tpu.memory_space<vmem>>
    %dma_start3A_16 = arith.constant 0 : i32
    %dma_start3A_17 = tpu.memref_slice %arg6[%dma_start3A, %dma_start3A_9, %dma_start3A_16] : memref<78x2x128xi32, #tpu.memory_space<vmem>> -> memref<1x1x128xi32, #tpu.memory_space<vmem>>
    %dma_start3A_18 = tpu.memref_squeeze %dma_start3A_17 : memref<1x1x128xi32, #tpu.memory_space<vmem>> -> memref<128xi32, #tpu.memory_space<vmem>>
    %dma_start3A_19 = arith.constant 0 : i32
    %dma_start3A_20 = arith.constant 0 : i32
    %dma_start3A_21 = tpu.memref_slice %arg11[%dma_start3A_19, %dma_start3A_20] : memref<10000x16xf32, #tpu.memory_space<vmem_shared>> -> memref<10000x16xf32, #tpu.memory_space<vmem_shared>>
    %dma_start3A_22 = tpu.memref_slice %arg12[%dma_start3A_11] : memref<6x!tpu.dma_semaphore, #tpu.memory_space<semaphore_mem>> -> memref<1x!tpu.dma_semaphore, #tpu.memory_space<semaphore_mem>>
    %dma_start3A_23 = tpu.memref_squeeze %dma_start3A_22 : memref<1x!tpu.dma_semaphore, #tpu.memory_space<semaphore_mem>> -> memref<!tpu.dma_semaphore, #tpu.memory_space<semaphore_mem>>
    tpu.enqueue_indirect_dma source(%dma_start3A_21 : memref<10000x16xf32, #tpu.memory_space<vmem_shared>>) target(%dma_start3A_15 : memref<128x16xf32, #tpu.memory_space<vmem>>) offsets(%dma_start3A_18 : memref<128xi32, #tpu.memory_space<vmem>>) semaphore(%dma_start3A_23 : memref<!tpu.dma_semaphore, #tpu.memory_space<semaphore_mem>>)
    %dma_start3A_24 = arith.constant 1 : i32
    %dma_start3A_25 = arith.constant 0 : i32
    %dma_start3A_26 = arith.constant 1 : i32
    %dma_start3A_27 = arith.constant 1 : i32
    %dma_start3A_28 = arith.constant 0 : i32
    %dma_start3A_29 = arith.constant 0 : i32
    %dma_start3A_30 = tpu.memref_slice %arg7[%dma_start3A_26, %dma_start3A_28, %dma_start3A_29] : memref<6x128x16xf32, #tpu.memory_space<vmem>> -> memref<1x128x16xf32, #tpu.memory_space<vmem>>
    %dma_start3A_31 = tpu.memref_squeeze %dma_start3A_30 : memref<1x128x16xf32, #tpu.memory_space<vmem>> -> memref<128x16xf32, #tpu.memory_space<vmem>>
    %dma_start3A_32 = arith.constant 0 : i32
    %dma_start3A_33 = tpu.memref_slice %arg6[%dma_start3A_24, %dma_start3A_25, %dma_start3A_32] : memref<78x2x128xi32, #tpu.memory_space<vmem>> -> memref<1x1x128xi32, #tpu.memory_space<vmem>>
    %dma_start3A_34 = tpu.memref_squeeze %dma_start3A_33 : memref<1x1x128xi32, #tpu.memory_space<vmem>> -> memref<128xi32, #tpu.memory_space<vmem>>
    %dma_start3A_35 = arith.constant 0 : i32
    %dma_start3A_36 = arith.constant 0 : i32
    %dma_start3A_37 = tpu.memref_slice %arg11[%dma_start3A_35, %dma_start3A_36] : memref<10000x16xf32, #tpu.memory_space<vmem_shared>> -> memref<10000x16xf32, #tpu.memory_space<vmem_shared>>
    %dma_start3A_38 = tpu.memref_slice %arg12[%dma_start3A_27] : memref<6x!tpu.dma_semaphore, #tpu.memory_space<semaphore_mem>> -> memref<1x!tpu.dma_semaphore, #tpu.memory_space<semaphore_mem>>
    %dma_start3A_39 = tpu.memref_squeeze %dma_start3A_38 : memref<1x!tpu.dma_semaphore, #tpu.memory_space<semaphore_mem>> -> memref<!tpu.dma_semaphore, #tpu.memory_space<semaphore_mem>>
    tpu.enqueue_indirect_dma source(%dma_start3A_37 : memref<10000x16xf32, #tpu.memory_space<vmem_shared>>) target(%dma_start3A_31 : memref<128x16xf32, #tpu.memory_space<vmem>>) offsets(%dma_start3A_34 : memref<128xi32, #tpu.memory_space<vmem>>) semaphore(%dma_start3A_39 : memref<!tpu.dma_semaphore, #tpu.memory_space<semaphore_mem>>)
    %dma_start3A_40 = arith.constant 2 : i32
    %dma_start3A_41 = arith.constant 0 : i32
    %dma_start3A_42 = arith.constant 2 : i32
    %dma_start3A_43 = arith.constant 2 : i32
    %dma_start3A_44 = arith.constant 0 : i32
    %dma_start3A_45 = arith.constant 0 : i32
    %dma_start3A_46 = tpu.memref_slice %arg7[%dma_start3A_42, %dma_start3A_44, %dma_start3A_45] : memref<6x128x16xf32, #tpu.memory_space<vmem>> -> memref<1x128x16xf32, #tpu.memory_space<vmem>>
    %dma_start3A_47 = tpu.memref_squeeze %dma_start3A_46 : memref<1x128x16xf32, #tpu.memory_space<vmem>> -> memref<128x16xf32, #tpu.memory_space<vmem>>
    %dma_start3A_48 = arith.constant 0 : i32
    %dma_start3A_49 = tpu.memref_slice %arg6[%dma_start3A_40, %dma_start3A_41, %dma_start3A_48] : memref<78x2x128xi32, #tpu.memory_space<vmem>> -> memref<1x1x128xi32, #tpu.memory_space<vmem>>
    %dma_start3A_50 = tpu.memref_squeeze %dma_start3A_49 : memref<1x1x128xi32, #tpu.memory_space<vmem>> -> memref<128xi32, #tpu.memory_space<vmem>>
    %dma_start3A_51 = arith.constant 0 : i32
    %dma_start3A_52 = arith.constant 0 : i32
    %dma_start3A_53 = tpu.memref_slice %arg11[%dma_start3A_51, %dma_start3A_52] : memref<10000x16xf32, #tpu.memory_space<vmem_shared>> -> memref<10000x16xf32, #tpu.memory_space<vmem_shared>>
    %dma_start3A_54 = tpu.memref_slice %arg12[%dma_start3A_43] : memref<6x!tpu.dma_semaphore, #tpu.memory_space<semaphore_mem>> -> memref<1x!tpu.dma_semaphore, #tpu.memory_space<semaphore_mem>>
    %dma_start3A_55 = tpu.memref_squeeze %dma_start3A_54 : memref<1x!tpu.dma_semaphore, #tpu.memory_space<semaphore_mem>> -> memref<!tpu.dma_semaphore, #tpu.memory_space<semaphore_mem>>
    tpu.enqueue_indirect_dma source(%dma_start3A_53 : memref<10000x16xf32, #tpu.memory_space<vmem_shared>>) target(%dma_start3A_47 : memref<128x16xf32, #tpu.memory_space<vmem>>) offsets(%dma_start3A_50 : memref<128xi32, #tpu.memory_space<vmem>>) semaphore(%dma_start3A_55 : memref<!tpu.dma_semaphore, #tpu.memory_space<semaphore_mem>>)
    %scan3A = arith.constant 0 : i32
    %scan3A_56 = arith.constant 0 : i32
    %scan3A_57 = arith.constant 13 : i32
    %scan3A_58 = arith.addi %scan3A_56, %scan3A_57 : i32
    %scan3A_59 = arith.constant 1 : i32
    scf.for %scan3A_163 = %scan3A_56 to %scan3A_58 step %scan3A_59  : i32 {
      %mul3A_164 = arith.constant 6 : i32
      %mul3A_165 = arith.muli %scan3A_163, %mul3A_164 : i32
      %add3A_166 = arith.constant 0 : i32
      %add3A_167 = arith.addi %mul3A_165, %add3A_166 : i32
      %dma_wait3A_168 = arith.constant 0 : i32
      %dma_wait3A_169 = arith.constant 0 : i32
      %dma_wait3A_170 = arith.constant 0 : i32
      %dma_wait3A_171 = arith.constant 0 : i32
      %dma_wait3A_172 = arith.constant 0 : i32
      %dma_wait3A_173 = tpu.memref_slice %arg7[%dma_wait3A_169, %dma_wait3A_171, %dma_wait3A_172] : memref<6x128x16xf32, #tpu.memory_space<vmem>> -> memref<1x128x16xf32, #tpu.memory_space<vmem>>
      %dma_wait3A_174 = tpu.memref_squeeze %dma_wait3A_173 : memref<1x128x16xf32, #tpu.memory_space<vmem>> -> memref<128x16xf32, #tpu.memory_space<vmem>>
      %dma_wait3A_175 = arith.constant 0 : i32
      %dma_wait3A_176 = tpu.memref_slice %arg6[%add3A_167, %dma_wait3A_168, %dma_wait3A_175] : memref<78x2x128xi32, #tpu.memory_space<vmem>> -> memref<1x1x128xi32, #tpu.memory_space<vmem>>
      %dma_wait3A_177 = tpu.memref_squeeze %dma_wait3A_176 : memref<1x1x128xi32, #tpu.memory_space<vmem>> -> memref<128xi32, #tpu.memory_space<vmem>>
      %dma_wait3A_178 = arith.constant 0 : i32
      %dma_wait3A_179 = arith.constant 0 : i32
      %dma_wait3A_180 = tpu.memref_slice %arg11[%dma_wait3A_178, %dma_wait3A_179] : memref<10000x16xf32, #tpu.memory_space<vmem_shared>> -> memref<10000x16xf32, #tpu.memory_space<vmem_shared>>
      %dma_wait3A_181 = tpu.memref_slice %arg12[%dma_wait3A_170] : memref<6x!tpu.dma_semaphore, #tpu.memory_space<semaphore_mem>> -> memref<1x!tpu.dma_semaphore, #tpu.memory_space<semaphore_mem>>
      %dma_wait3A_182 = tpu.memref_squeeze %dma_wait3A_181 : memref<1x!tpu.dma_semaphore, #tpu.memory_space<semaphore_mem>> -> memref<!tpu.dma_semaphore, #tpu.memory_space<semaphore_mem>>
      tpu.wait_indirect_dma semaphore(%dma_wait3A_182 : memref<!tpu.dma_semaphore, #tpu.memory_space<semaphore_mem>>) src(%dma_wait3A_180 : memref<10000x16xf32, #tpu.memory_space<vmem_shared>>) dst(%dma_wait3A_174 : memref<128x16xf32, #tpu.memory_space<vmem>>)
      %dma_start3A_183 = arith.constant 0 : i32
      %dma_start3A_184 = arith.constant 1 : i32
      %dma_start3A_185 = arith.constant 0 : i32
      %dma_start3A_186 = arith.constant 0 : i32
      %dma_start3A_187 = arith.constant 0 : i32
      %dma_start3A_188 = tpu.memref_slice %arg7[%dma_start3A_183, %dma_start3A_186, %dma_start3A_187] : memref<6x128x16xf32, #tpu.memory_space<vmem>> -> memref<1x128x16xf32, #tpu.memory_space<vmem>>
      %dma_start3A_189 = tpu.memref_squeeze %dma_start3A_188 : memref<1x128x16xf32, #tpu.memory_space<vmem>> -> memref<128x16xf32, #tpu.memory_space<vmem>>
      %dma_start3A_190 = arith.constant 0 : i32
      %dma_start3A_191 = tpu.memref_slice %arg6[%add3A_167, %dma_start3A_184, %dma_start3A_190] : memref<78x2x128xi32, #tpu.memory_space<vmem>> -> memref<1x1x128xi32, #tpu.memory_space<vmem>>
      %dma_start3A_192 = tpu.memref_squeeze %dma_start3A_191 : memref<1x1x128xi32, #tpu.memory_space<vmem>> -> memref<128xi32, #tpu.memory_space<vmem>>
      %dma_start3A_193 = arith.constant 0 : i32
      %dma_start3A_194 = arith.constant 0 : i32
      %dma_start3A_195 = tpu.memref_slice %arg10[%dma_start3A_193, %dma_start3A_194] : memref<10240x16xf32, #tpu.memory_space<vmem_shared>> -> memref<10240x16xf32, #tpu.memory_space<vmem_shared>>
      %dma_start3A_196 = tpu.memref_slice %arg13[%dma_start3A_185] : memref<6x!tpu.dma_semaphore, #tpu.memory_space<semaphore_mem>> -> memref<1x!tpu.dma_semaphore, #tpu.memory_space<semaphore_mem>>
      %dma_start3A_197 = tpu.memref_squeeze %dma_start3A_196 : memref<1x!tpu.dma_semaphore, #tpu.memory_space<semaphore_mem>> -> memref<!tpu.dma_semaphore, #tpu.memory_space<semaphore_mem>>
      tpu.enqueue_indirect_dma source(%dma_start3A_189 : memref<128x16xf32, #tpu.memory_space<vmem>>) target(%dma_start3A_195 : memref<10240x16xf32, #tpu.memory_space<vmem_shared>>) offsets(%dma_start3A_192 : memref<128xi32, #tpu.memory_space<vmem>>) semaphore(%dma_start3A_197 : memref<!tpu.dma_semaphore, #tpu.memory_space<semaphore_mem>>) {add = true}
      %add3A_198 = arith.constant 3 : i32
      %add3A_199 = arith.addi %add3A_167, %add3A_198 : i32
      %lt3A_200 = arith.constant 78 : i32
      %lt3A_201 = arith.cmpi slt, %add3A_199, %lt3A_200 : i32
      %convert_element_type3A_202 = arith.extui %lt3A_201 : i1 to i32
      %cond3A_203 = arith.constant 0 : i32
      %cond3A_204 = arith.cmpi ne, %convert_element_type3A_202, %cond3A_203 : i32
      scf.if %cond3A_204 {
        %ge3A = arith.constant 3 : i32
        %ge3A_410 = arith.cmpi sge, %add3A_167, %ge3A : i32
        %convert_element_type3A_411 = arith.extui %ge3A_410 : i1 to i32
        %cond3A_412 = arith.constant 0 : i32
        %cond3A_413 = arith.cmpi ne, %convert_element_type3A_411, %cond3A_412 : i32
        scf.if %cond3A_413 {
          %dma_wait3A_431 = arith.constant 3 : i32
          %dma_wait3A_432 = arith.constant 1 : i32
          %dma_wait3A_433 = arith.constant 3 : i32
          %dma_wait3A_434 = arith.constant 0 : i32
          %dma_wait3A_435 = arith.constant 0 : i32
          %dma_wait3A_436 = tpu.memref_slice %arg7[%dma_wait3A_431, %dma_wait3A_434, %dma_wait3A_435] : memref<6x128x16xf32, #tpu.memory_space<vmem>> -> memref<1x128x16xf32, #tpu.memory_space<vmem>>
          %dma_wait3A_437 = tpu.memref_squeeze %dma_wait3A_436 : memref<1x128x16xf32, #tpu.memory_space<vmem>> -> memref<128x16xf32, #tpu.memory_space<vmem>>
          %dma_wait3A_438 = arith.constant 0 : i32
          %dma_wait3A_439 = tpu.memref_slice %arg6[%add3A_167, %dma_wait3A_432, %dma_wait3A_438] : memref<78x2x128xi32, #tpu.memory_space<vmem>> -> memref<1x1x128xi32, #tpu.memory_space<vmem>>
          %dma_wait3A_440 = tpu.memref_squeeze %dma_wait3A_439 : memref<1x1x128xi32, #tpu.memory_space<vmem>> -> memref<128xi32, #tpu.memory_space<vmem>>
          %dma_wait3A_441 = arith.constant 0 : i32
          %dma_wait3A_442 = arith.constant 0 : i32
          %dma_wait3A_443 = tpu.memref_slice %arg10[%dma_wait3A_441, %dma_wait3A_442] : memref<10240x16xf32, #tpu.memory_space<vmem_shared>> -> memref<10240x16xf32, #tpu.memory_space<vmem_shared>>
          %dma_wait3A_444 = tpu.memref_slice %arg13[%dma_wait3A_433] : memref<6x!tpu.dma_semaphore, #tpu.memory_space<semaphore_mem>> -> memref<1x!tpu.dma_semaphore, #tpu.memory_space<semaphore_mem>>
          %dma_wait3A_445 = tpu.memref_squeeze %dma_wait3A_444 : memref<1x!tpu.dma_semaphore, #tpu.memory_space<semaphore_mem>> -> memref<!tpu.dma_semaphore, #tpu.memory_space<semaphore_mem>>
          tpu.wait_indirect_dma semaphore(%dma_wait3A_445 : memref<!tpu.dma_semaphore, #tpu.memory_space<semaphore_mem>>) src(%dma_wait3A_437 : memref<128x16xf32, #tpu.memory_space<vmem>>) dst(%dma_wait3A_443 : memref<10240x16xf32, #tpu.memory_space<vmem_shared>>)
        } else {
        }
        %add3A_414 = arith.constant 3 : i32
        %add3A_415 = arith.addi %add3A_167, %add3A_414 : i32
        %dma_start3A_416 = arith.constant 0 : i32
        %dma_start3A_417 = arith.constant 3 : i32
        %dma_start3A_418 = arith.constant 3 : i32
        %dma_start3A_419 = arith.constant 0 : i32
        %dma_start3A_420 = arith.constant 0 : i32
        %dma_start3A_421 = tpu.memref_slice %arg7[%dma_start3A_417, %dma_start3A_419, %dma_start3A_420] : memref<6x128x16xf32, #tpu.memory_space<vmem>> -> memref<1x128x16xf32, #tpu.memory_space<vmem>>
        %dma_start3A_422 = tpu.memref_squeeze %dma_start3A_421 : memref<1x128x16xf32, #tpu.memory_space<vmem>> -> memref<128x16xf32, #tpu.memory_space<vmem>>
        %dma_start3A_423 = arith.constant 0 : i32
        %dma_start3A_424 = tpu.memref_slice %arg6[%add3A_415, %dma_start3A_416, %dma_start3A_423] : memref<78x2x128xi32, #tpu.memory_space<vmem>> -> memref<1x1x128xi32, #tpu.memory_space<vmem>>
        %dma_start3A_425 = tpu.memref_squeeze %dma_start3A_424 : memref<1x1x128xi32, #tpu.memory_space<vmem>> -> memref<128xi32, #tpu.memory_space<vmem>>
        %dma_start3A_426 = arith.constant 0 : i32
        %dma_start3A_427 = arith.constant 0 : i32
        %dma_start3A_428 = tpu.memref_slice %arg11[%dma_start3A_426, %dma_start3A_427] : memref<10000x16xf32, #tpu.memory_space<vmem_shared>> -> memref<10000x16xf32, #tpu.memory_space<vmem_shared>>
        %dma_start3A_429 = tpu.memref_slice %arg12[%dma_start3A_418] : memref<6x!tpu.dma_semaphore, #tpu.memory_space<semaphore_mem>> -> memref<1x!tpu.dma_semaphore, #tpu.memory_space<semaphore_mem>>
        %dma_start3A_430 = tpu.memref_squeeze %dma_start3A_429 : memref<1x!tpu.dma_semaphore, #tpu.memory_space<semaphore_mem>> -> memref<!tpu.dma_semaphore, #tpu.memory_space<semaphore_mem>>
        tpu.enqueue_indirect_dma source(%dma_start3A_428 : memref<10000x16xf32, #tpu.memory_space<vmem_shared>>) target(%dma_start3A_422 : memref<128x16xf32, #tpu.memory_space<vmem>>) offsets(%dma_start3A_425 : memref<128xi32, #tpu.memory_space<vmem>>) semaphore(%dma_start3A_430 : memref<!tpu.dma_semaphore, #tpu.memory_space<semaphore_mem>>)
      } else {
      }
      %mul3A_205 = arith.constant 6 : i32
      %mul3A_206 = arith.muli %scan3A_163, %mul3A_205 : i32
      %add3A_207 = arith.constant 1 : i32
      %add3A_208 = arith.addi %mul3A_206, %add3A_207 : i32
      %dma_wait3A_209 = arith.constant 0 : i32
      %dma_wait3A_210 = arith.constant 1 : i32
      %dma_wait3A_211 = arith.constant 1 : i32
      %dma_wait3A_212 = arith.constant 0 : i32
      %dma_wait3A_213 = arith.constant 0 : i32
      %dma_wait3A_214 = tpu.memref_slice %arg7[%dma_wait3A_210, %dma_wait3A_212, %dma_wait3A_213] : memref<6x128x16xf32, #tpu.memory_space<vmem>> -> memref<1x128x16xf32, #tpu.memory_space<vmem>>
      %dma_wait3A_215 = tpu.memref_squeeze %dma_wait3A_214 : memref<1x128x16xf32, #tpu.memory_space<vmem>> -> memref<128x16xf32, #tpu.memory_space<vmem>>
      %dma_wait3A_216 = arith.constant 0 : i32
      %dma_wait3A_217 = tpu.memref_slice %arg6[%add3A_208, %dma_wait3A_209, %dma_wait3A_216] : memref<78x2x128xi32, #tpu.memory_space<vmem>> -> memref<1x1x128xi32, #tpu.memory_space<vmem>>
      %dma_wait3A_218 = tpu.memref_squeeze %dma_wait3A_217 : memref<1x1x128xi32, #tpu.memory_space<vmem>> -> memref<128xi32, #tpu.memory_space<vmem>>
      %dma_wait3A_219 = arith.constant 0 : i32
      %dma_wait3A_220 = arith.constant 0 : i32
      %dma_wait3A_221 = tpu.memref_slice %arg11[%dma_wait3A_219, %dma_wait3A_220] : memref<10000x16xf32, #tpu.memory_space<vmem_shared>> -> memref<10000x16xf32, #tpu.memory_space<vmem_shared>>
      %dma_wait3A_222 = tpu.memref_slice %arg12[%dma_wait3A_211] : memref<6x!tpu.dma_semaphore, #tpu.memory_space<semaphore_mem>> -> memref<1x!tpu.dma_semaphore, #tpu.memory_space<semaphore_mem>>
      %dma_wait3A_223 = tpu.memref_squeeze %dma_wait3A_222 : memref<1x!tpu.dma_semaphore, #tpu.memory_space<semaphore_mem>> -> memref<!tpu.dma_semaphore, #tpu.memory_space<semaphore_mem>>
      tpu.wait_indirect_dma semaphore(%dma_wait3A_223 : memref<!tpu.dma_semaphore, #tpu.memory_space<semaphore_mem>>) src(%dma_wait3A_221 : memref<10000x16xf32, #tpu.memory_space<vmem_shared>>) dst(%dma_wait3A_215 : memref<128x16xf32, #tpu.memory_space<vmem>>)
      %dma_start3A_224 = arith.constant 1 : i32
      %dma_start3A_225 = arith.constant 1 : i32
      %dma_start3A_226 = arith.constant 1 : i32
      %dma_start3A_227 = arith.constant 0 : i32
      %dma_start3A_228 = arith.constant 0 : i32
      %dma_start3A_229 = tpu.memref_slice %arg7[%dma_start3A_224, %dma_start3A_227, %dma_start3A_228] : memref<6x128x16xf32, #tpu.memory_space<vmem>> -> memref<1x128x16xf32, #tpu.memory_space<vmem>>
      %dma_start3A_230 = tpu.memref_squeeze %dma_start3A_229 : memref<1x128x16xf32, #tpu.memory_space<vmem>> -> memref<128x16xf32, #tpu.memory_space<vmem>>
      %dma_start3A_231 = arith.constant 0 : i32
      %dma_start3A_232 = tpu.memref_slice %arg6[%add3A_208, %dma_start3A_225, %dma_start3A_231] : memref<78x2x128xi32, #tpu.memory_space<vmem>> -> memref<1x1x128xi32, #tpu.memory_space<vmem>>
      %dma_start3A_233 = tpu.memref_squeeze %dma_start3A_232 : memref<1x1x128xi32, #tpu.memory_space<vmem>> -> memref<128xi32, #tpu.memory_space<vmem>>
      %dma_start3A_234 = arith.constant 0 : i32
      %dma_start3A_235 = arith.constant 0 : i32
      %dma_start3A_236 = tpu.memref_slice %arg10[%dma_start3A_234, %dma_start3A_235] : memref<10240x16xf32, #tpu.memory_space<vmem_shared>> -> memref<10240x16xf32, #tpu.memory_space<vmem_shared>>
      %dma_start3A_237 = tpu.memref_slice %arg13[%dma_start3A_226] : memref<6x!tpu.dma_semaphore, #tpu.memory_space<semaphore_mem>> -> memref<1x!tpu.dma_semaphore, #tpu.memory_space<semaphore_mem>>
      %dma_start3A_238 = tpu.memref_squeeze %dma_start3A_237 : memref<1x!tpu.dma_semaphore, #tpu.memory_space<semaphore_mem>> -> memref<!tpu.dma_semaphore, #tpu.memory_space<semaphore_mem>>
      tpu.enqueue_indirect_dma source(%dma_start3A_230 : memref<128x16xf32, #tpu.memory_space<vmem>>) target(%dma_start3A_236 : memref<10240x16xf32, #tpu.memory_space<vmem_shared>>) offsets(%dma_start3A_233 : memref<128xi32, #tpu.memory_space<vmem>>) semaphore(%dma_start3A_238 : memref<!tpu.dma_semaphore, #tpu.memory_space<semaphore_mem>>) {add = true}
      %add3A_239 = arith.constant 3 : i32
      %add3A_240 = arith.addi %add3A_208, %add3A_239 : i32
      %lt3A_241 = arith.constant 78 : i32
      %lt3A_242 = arith.cmpi slt, %add3A_240, %lt3A_241 : i32
      %convert_element_type3A_243 = arith.extui %lt3A_242 : i1 to i32
      %cond3A_244 = arith.constant 0 : i32
      %cond3A_245 = arith.cmpi ne, %convert_element_type3A_243, %cond3A_244 : i32
      scf.if %cond3A_245 {
        %ge3A = arith.constant 3 : i32
        %ge3A_410 = arith.cmpi sge, %add3A_208, %ge3A : i32
        %convert_element_type3A_411 = arith.extui %ge3A_410 : i1 to i32
        %cond3A_412 = arith.constant 0 : i32
        %cond3A_413 = arith.cmpi ne, %convert_element_type3A_411, %cond3A_412 : i32
        scf.if %cond3A_413 {
          %dma_wait3A_431 = arith.constant 4 : i32
          %dma_wait3A_432 = arith.constant 1 : i32
          %dma_wait3A_433 = arith.constant 4 : i32
          %dma_wait3A_434 = arith.constant 0 : i32
          %dma_wait3A_435 = arith.constant 0 : i32
          %dma_wait3A_436 = tpu.memref_slice %arg7[%dma_wait3A_431, %dma_wait3A_434, %dma_wait3A_435] : memref<6x128x16xf32, #tpu.memory_space<vmem>> -> memref<1x128x16xf32, #tpu.memory_space<vmem>>
          %dma_wait3A_437 = tpu.memref_squeeze %dma_wait3A_436 : memref<1x128x16xf32, #tpu.memory_space<vmem>> -> memref<128x16xf32, #tpu.memory_space<vmem>>
          %dma_wait3A_438 = arith.constant 0 : i32
          %dma_wait3A_439 = tpu.memref_slice %arg6[%add3A_208, %dma_wait3A_432, %dma_wait3A_438] : memref<78x2x128xi32, #tpu.memory_space<vmem>> -> memref<1x1x128xi32, #tpu.memory_space<vmem>>
          %dma_wait3A_440 = tpu.memref_squeeze %dma_wait3A_439 : memref<1x1x128xi32, #tpu.memory_space<vmem>> -> memref<128xi32, #tpu.memory_space<vmem>>
          %dma_wait3A_441 = arith.constant 0 : i32
          %dma_wait3A_442 = arith.constant 0 : i32
          %dma_wait3A_443 = tpu.memref_slice %arg10[%dma_wait3A_441, %dma_wait3A_442] : memref<10240x16xf32, #tpu.memory_space<vmem_shared>> -> memref<10240x16xf32, #tpu.memory_space<vmem_shared>>
          %dma_wait3A_444 = tpu.memref_slice %arg13[%dma_wait3A_433] : memref<6x!tpu.dma_semaphore, #tpu.memory_space<semaphore_mem>> -> memref<1x!tpu.dma_semaphore, #tpu.memory_space<semaphore_mem>>
          %dma_wait3A_445 = tpu.memref_squeeze %dma_wait3A_444 : memref<1x!tpu.dma_semaphore, #tpu.memory_space<semaphore_mem>> -> memref<!tpu.dma_semaphore, #tpu.memory_space<semaphore_mem>>
          tpu.wait_indirect_dma semaphore(%dma_wait3A_445 : memref<!tpu.dma_semaphore, #tpu.memory_space<semaphore_mem>>) src(%dma_wait3A_437 : memref<128x16xf32, #tpu.memory_space<vmem>>) dst(%dma_wait3A_443 : memref<10240x16xf32, #tpu.memory_space<vmem_shared>>)
        } else {
        }
        %add3A_414 = arith.constant 3 : i32
        %add3A_415 = arith.addi %add3A_208, %add3A_414 : i32
        %dma_start3A_416 = arith.constant 0 : i32
        %dma_start3A_417 = arith.constant 4 : i32
        %dma_start3A_418 = arith.constant 4 : i32
        %dma_start3A_419 = arith.constant 0 : i32
        %dma_start3A_420 = arith.constant 0 : i32
        %dma_start3A_421 = tpu.memref_slice %arg7[%dma_start3A_417, %dma_start3A_419, %dma_start3A_420] : memref<6x128x16xf32, #tpu.memory_space<vmem>> -> memref<1x128x16xf32, #tpu.memory_space<vmem>>
        %dma_start3A_422 = tpu.memref_squeeze %dma_start3A_421 : memref<1x128x16xf32, #tpu.memory_space<vmem>> -> memref<128x16xf32, #tpu.memory_space<vmem>>
        %dma_start3A_423 = arith.constant 0 : i32
        %dma_start3A_424 = tpu.memref_slice %arg6[%add3A_415, %dma_start3A_416, %dma_start3A_423] : memref<78x2x128xi32, #tpu.memory_space<vmem>> -> memref<1x1x128xi32, #tpu.memory_space<vmem>>
        %dma_start3A_425 = tpu.memref_squeeze %dma_start3A_424 : memref<1x1x128xi32, #tpu.memory_space<vmem>> -> memref<128xi32, #tpu.memory_space<vmem>>
        %dma_start3A_426 = arith.constant 0 : i32
        %dma_start3A_427 = arith.constant 0 : i32
        %dma_start3A_428 = tpu.memref_slice %arg11[%dma_start3A_426, %dma_start3A_427] : memref<10000x16xf32, #tpu.memory_space<vmem_shared>> -> memref<10000x16xf32, #tpu.memory_space<vmem_shared>>
        %dma_start3A_429 = tpu.memref_slice %arg12[%dma_start3A_418] : memref<6x!tpu.dma_semaphore, #tpu.memory_space<semaphore_mem>> -> memref<1x!tpu.dma_semaphore, #tpu.memory_space<semaphore_mem>>
        %dma_start3A_430 = tpu.memref_squeeze %dma_start3A_429 : memref<1x!tpu.dma_semaphore, #tpu.memory_space<semaphore_mem>> -> memref<!tpu.dma_semaphore, #tpu.memory_space<semaphore_mem>>
        tpu.enqueue_indirect_dma source(%dma_start3A_428 : memref<10000x16xf32, #tpu.memory_space<vmem_shared>>) target(%dma_start3A_422 : memref<128x16xf32, #tpu.memory_space<vmem>>) offsets(%dma_start3A_425 : memref<128xi32, #tpu.memory_space<vmem>>) semaphore(%dma_start3A_430 : memref<!tpu.dma_semaphore, #tpu.memory_space<semaphore_mem>>)
      } else {
      }
      %mul3A_246 = arith.constant 6 : i32
      %mul3A_247 = arith.muli %scan3A_163, %mul3A_246 : i32
      %add3A_248 = arith.constant 2 : i32
      %add3A_249 = arith.addi %mul3A_247, %add3A_248 : i32
      %dma_wait3A_250 = arith.constant 0 : i32
      %dma_wait3A_251 = arith.constant 2 : i32
      %dma_wait3A_252 = arith.constant 2 : i32
      %dma_wait3A_253 = arith.constant 0 : i32
      %dma_wait3A_254 = arith.constant 0 : i32
      %dma_wait3A_255 = tpu.memref_slice %arg7[%dma_wait3A_251, %dma_wait3A_253, %dma_wait3A_254] : memref<6x128x16xf32, #tpu.memory_space<vmem>> -> memref<1x128x16xf32, #tpu.memory_space<vmem>>
      %dma_wait3A_256 = tpu.memref_squeeze %dma_wait3A_255 : memref<1x128x16xf32, #tpu.memory_space<vmem>> -> memref<128x16xf32, #tpu.memory_space<vmem>>
      %dma_wait3A_257 = arith.constant 0 : i32
      %dma_wait3A_258 = tpu.memref_slice %arg6[%add3A_249, %dma_wait3A_250, %dma_wait3A_257] : memref<78x2x128xi32, #tpu.memory_space<vmem>> -> memref<1x1x128xi32, #tpu.memory_space<vmem>>
      %dma_wait3A_259 = tpu.memref_squeeze %dma_wait3A_258 : memref<1x1x128xi32, #tpu.memory_space<vmem>> -> memref<128xi32, #tpu.memory_space<vmem>>
      %dma_wait3A_260 = arith.constant 0 : i32
      %dma_wait3A_261 = arith.constant 0 : i32
      %dma_wait3A_262 = tpu.memref_slice %arg11[%dma_wait3A_260, %dma_wait3A_261] : memref<10000x16xf32, #tpu.memory_space<vmem_shared>> -> memref<10000x16xf32, #tpu.memory_space<vmem_shared>>
      %dma_wait3A_263 = tpu.memref_slice %arg12[%dma_wait3A_252] : memref<6x!tpu.dma_semaphore, #tpu.memory_space<semaphore_mem>> -> memref<1x!tpu.dma_semaphore, #tpu.memory_space<semaphore_mem>>
      %dma_wait3A_264 = tpu.memref_squeeze %dma_wait3A_263 : memref<1x!tpu.dma_semaphore, #tpu.memory_space<semaphore_mem>> -> memref<!tpu.dma_semaphore, #tpu.memory_space<semaphore_mem>>
      tpu.wait_indirect_dma semaphore(%dma_wait3A_264 : memref<!tpu.dma_semaphore, #tpu.memory_space<semaphore_mem>>) src(%dma_wait3A_262 : memref<10000x16xf32, #tpu.memory_space<vmem_shared>>) dst(%dma_wait3A_256 : memref<128x16xf32, #tpu.memory_space<vmem>>)
      %dma_start3A_265 = arith.constant 2 : i32
      %dma_start3A_266 = arith.constant 1 : i32
      %dma_start3A_267 = arith.constant 2 : i32
      %dma_start3A_268 = arith.constant 0 : i32
      %dma_start3A_269 = arith.constant 0 : i32
      %dma_start3A_270 = tpu.memref_slice %arg7[%dma_start3A_265, %dma_start3A_268, %dma_start3A_269] : memref<6x128x16xf32, #tpu.memory_space<vmem>> -> memref<1x128x16xf32, #tpu.memory_space<vmem>>
      %dma_start3A_271 = tpu.memref_squeeze %dma_start3A_270 : memref<1x128x16xf32, #tpu.memory_space<vmem>> -> memref<128x16xf32, #tpu.memory_space<vmem>>
      %dma_start3A_272 = arith.constant 0 : i32
      %dma_start3A_273 = tpu.memref_slice %arg6[%add3A_249, %dma_start3A_266, %dma_start3A_272] : memref<78x2x128xi32, #tpu.memory_space<vmem>> -> memref<1x1x128xi32, #tpu.memory_space<vmem>>
      %dma_start3A_274 = tpu.memref_squeeze %dma_start3A_273 : memref<1x1x128xi32, #tpu.memory_space<vmem>> -> memref<128xi32, #tpu.memory_space<vmem>>
      %dma_start3A_275 = arith.constant 0 : i32
      %dma_start3A_276 = arith.constant 0 : i32
      %dma_start3A_277 = tpu.memref_slice %arg10[%dma_start3A_275, %dma_start3A_276] : memref<10240x16xf32, #tpu.memory_space<vmem_shared>> -> memref<10240x16xf32, #tpu.memory_space<vmem_shared>>
      %dma_start3A_278 = tpu.memref_slice %arg13[%dma_start3A_267] : memref<6x!tpu.dma_semaphore, #tpu.memory_space<semaphore_mem>> -> memref<1x!tpu.dma_semaphore, #tpu.memory_space<semaphore_mem>>
      %dma_start3A_279 = tpu.memref_squeeze %dma_start3A_278 : memref<1x!tpu.dma_semaphore, #tpu.memory_space<semaphore_mem>> -> memref<!tpu.dma_semaphore, #tpu.memory_space<semaphore_mem>>
      tpu.enqueue_indirect_dma source(%dma_start3A_271 : memref<128x16xf32, #tpu.memory_space<vmem>>) target(%dma_start3A_277 : memref<10240x16xf32, #tpu.memory_space<vmem_shared>>) offsets(%dma_start3A_274 : memref<128xi32, #tpu.memory_space<vmem>>) semaphore(%dma_start3A_279 : memref<!tpu.dma_semaphore, #tpu.memory_space<semaphore_mem>>) {add = true}
      %add3A_280 = arith.constant 3 : i32
      %add3A_281 = arith.addi %add3A_249, %add3A_280 : i32
      %lt3A_282 = arith.constant 78 : i32
      %lt3A_283 = arith.cmpi slt, %add3A_281, %lt3A_282 : i32
      %convert_element_type3A_284 = arith.extui %lt3A_283 : i1 to i32
      %cond3A_285 = arith.constant 0 : i32
      %cond3A_286 = arith.cmpi ne, %convert_element_type3A_284, %cond3A_285 : i32
      scf.if %cond3A_286 {
        %ge3A = arith.constant 3 : i32
        %ge3A_410 = arith.cmpi sge, %add3A_249, %ge3A : i32
        %convert_element_type3A_411 = arith.extui %ge3A_410 : i1 to i32
        %cond3A_412 = arith.constant 0 : i32
        %cond3A_413 = arith.cmpi ne, %convert_element_type3A_411, %cond3A_412 : i32
        scf.if %cond3A_413 {
          %dma_wait3A_431 = arith.constant 5 : i32
          %dma_wait3A_432 = arith.constant 1 : i32
          %dma_wait3A_433 = arith.constant 5 : i32
          %dma_wait3A_434 = arith.constant 0 : i32
          %dma_wait3A_435 = arith.constant 0 : i32
          %dma_wait3A_436 = tpu.memref_slice %arg7[%dma_wait3A_431, %dma_wait3A_434, %dma_wait3A_435] : memref<6x128x16xf32, #tpu.memory_space<vmem>> -> memref<1x128x16xf32, #tpu.memory_space<vmem>>
          %dma_wait3A_437 = tpu.memref_squeeze %dma_wait3A_436 : memref<1x128x16xf32, #tpu.memory_space<vmem>> -> memref<128x16xf32, #tpu.memory_space<vmem>>
          %dma_wait3A_438 = arith.constant 0 : i32
          %dma_wait3A_439 = tpu.memref_slice %arg6[%add3A_249, %dma_wait3A_432, %dma_wait3A_438] : memref<78x2x128xi32, #tpu.memory_space<vmem>> -> memref<1x1x128xi32, #tpu.memory_space<vmem>>
          %dma_wait3A_440 = tpu.memref_squeeze %dma_wait3A_439 : memref<1x1x128xi32, #tpu.memory_space<vmem>> -> memref<128xi32, #tpu.memory_space<vmem>>
          %dma_wait3A_441 = arith.constant 0 : i32
          %dma_wait3A_442 = arith.constant 0 : i32
          %dma_wait3A_443 = tpu.memref_slice %arg10[%dma_wait3A_441, %dma_wait3A_442] : memref<10240x16xf32, #tpu.memory_space<vmem_shared>> -> memref<10240x16xf32, #tpu.memory_space<vmem_shared>>
          %dma_wait3A_444 = tpu.memref_slice %arg13[%dma_wait3A_433] : memref<6x!tpu.dma_semaphore, #tpu.memory_space<semaphore_mem>> -> memref<1x!tpu.dma_semaphore, #tpu.memory_space<semaphore_mem>>
          %dma_wait3A_445 = tpu.memref_squeeze %dma_wait3A_444 : memref<1x!tpu.dma_semaphore, #tpu.memory_space<semaphore_mem>> -> memref<!tpu.dma_semaphore, #tpu.memory_space<semaphore_mem>>
          tpu.wait_indirect_dma semaphore(%dma_wait3A_445 : memref<!tpu.dma_semaphore, #tpu.memory_space<semaphore_mem>>) src(%dma_wait3A_437 : memref<128x16xf32, #tpu.memory_space<vmem>>) dst(%dma_wait3A_443 : memref<10240x16xf32, #tpu.memory_space<vmem_shared>>)
        } else {
        }
        %add3A_414 = arith.constant 3 : i32
        %add3A_415 = arith.addi %add3A_249, %add3A_414 : i32
        %dma_start3A_416 = arith.constant 0 : i32
        %dma_start3A_417 = arith.constant 5 : i32
        %dma_start3A_418 = arith.constant 5 : i32
        %dma_start3A_419 = arith.constant 0 : i32
        %dma_start3A_420 = arith.constant 0 : i32
        %dma_start3A_421 = tpu.memref_slice %arg7[%dma_start3A_417, %dma_start3A_419, %dma_start3A_420] : memref<6x128x16xf32, #tpu.memory_space<vmem>> -> memref<1x128x16xf32, #tpu.memory_space<vmem>>
        %dma_start3A_422 = tpu.memref_squeeze %dma_start3A_421 : memref<1x128x16xf32, #tpu.memory_space<vmem>> -> memref<128x16xf32, #tpu.memory_space<vmem>>
        %dma_start3A_423 = arith.constant 0 : i32
        %dma_start3A_424 = tpu.memref_slice %arg6[%add3A_415, %dma_start3A_416, %dma_start3A_423] : memref<78x2x128xi32, #tpu.memory_space<vmem>> -> memref<1x1x128xi32, #tpu.memory_space<vmem>>
        %dma_start3A_425 = tpu.memref_squeeze %dma_start3A_424 : memref<1x1x128xi32, #tpu.memory_space<vmem>> -> memref<128xi32, #tpu.memory_space<vmem>>
        %dma_start3A_426 = arith.constant 0 : i32
        %dma_start3A_427 = arith.constant 0 : i32
        %dma_start3A_428 = tpu.memref_slice %arg11[%dma_start3A_426, %dma_start3A_427] : memref<10000x16xf32, #tpu.memory_space<vmem_shared>> -> memref<10000x16xf32, #tpu.memory_space<vmem_shared>>
        %dma_start3A_429 = tpu.memref_slice %arg12[%dma_start3A_418] : memref<6x!tpu.dma_semaphore, #tpu.memory_space<semaphore_mem>> -> memref<1x!tpu.dma_semaphore, #tpu.memory_space<semaphore_mem>>
        %dma_start3A_430 = tpu.memref_squeeze %dma_start3A_429 : memref<1x!tpu.dma_semaphore, #tpu.memory_space<semaphore_mem>> -> memref<!tpu.dma_semaphore, #tpu.memory_space<semaphore_mem>>
        tpu.enqueue_indirect_dma source(%dma_start3A_428 : memref<10000x16xf32, #tpu.memory_space<vmem_shared>>) target(%dma_start3A_422 : memref<128x16xf32, #tpu.memory_space<vmem>>) offsets(%dma_start3A_425 : memref<128xi32, #tpu.memory_space<vmem>>) semaphore(%dma_start3A_430 : memref<!tpu.dma_semaphore, #tpu.memory_space<semaphore_mem>>)
      } else {
      }
      %mul3A_287 = arith.constant 6 : i32
      %mul3A_288 = arith.muli %scan3A_163, %mul3A_287 : i32
      %add3A_289 = arith.constant 3 : i32
      %add3A_290 = arith.addi %mul3A_288, %add3A_289 : i32
      %dma_wait3A_291 = arith.constant 0 : i32
      %dma_wait3A_292 = arith.constant 3 : i32
      %dma_wait3A_293 = arith.constant 3 : i32
      %dma_wait3A_294 = arith.constant 0 : i32
      %dma_wait3A_295 = arith.constant 0 : i32
      %dma_wait3A_296 = tpu.memref_slice %arg7[%dma_wait3A_292, %dma_wait3A_294, %dma_wait3A_295] : memref<6x128x16xf32, #tpu.memory_space<vmem>> -> memref<1x128x16xf32, #tpu.memory_space<vmem>>
      %dma_wait3A_297 = tpu.memref_squeeze %dma_wait3A_296 : memref<1x128x16xf32, #tpu.memory_space<vmem>> -> memref<128x16xf32, #tpu.memory_space<vmem>>
      %dma_wait3A_298 = arith.constant 0 : i32
      %dma_wait3A_299 = tpu.memref_slice %arg6[%add3A_290, %dma_wait3A_291, %dma_wait3A_298] : memref<78x2x128xi32, #tpu.memory_space<vmem>> -> memref<1x1x128xi32, #tpu.memory_space<vmem>>
      %dma_wait3A_300 = tpu.memref_squeeze %dma_wait3A_299 : memref<1x1x128xi32, #tpu.memory_space<vmem>> -> memref<128xi32, #tpu.memory_space<vmem>>
      %dma_wait3A_301 = arith.constant 0 : i32
      %dma_wait3A_302 = arith.constant 0 : i32
      %dma_wait3A_303 = tpu.memref_slice %arg11[%dma_wait3A_301, %dma_wait3A_302] : memref<10000x16xf32, #tpu.memory_space<vmem_shared>> -> memref<10000x16xf32, #tpu.memory_space<vmem_shared>>
      %dma_wait3A_304 = tpu.memref_slice %arg12[%dma_wait3A_293] : memref<6x!tpu.dma_semaphore, #tpu.memory_space<semaphore_mem>> -> memref<1x!tpu.dma_semaphore, #tpu.memory_space<semaphore_mem>>
      %dma_wait3A_305 = tpu.memref_squeeze %dma_wait3A_304 : memref<1x!tpu.dma_semaphore, #tpu.memory_space<semaphore_mem>> -> memref<!tpu.dma_semaphore, #tpu.memory_space<semaphore_mem>>
      tpu.wait_indirect_dma semaphore(%dma_wait3A_305 : memref<!tpu.dma_semaphore, #tpu.memory_space<semaphore_mem>>) src(%dma_wait3A_303 : memref<10000x16xf32, #tpu.memory_space<vmem_shared>>) dst(%dma_wait3A_297 : memref<128x16xf32, #tpu.memory_space<vmem>>)
      %dma_start3A_306 = arith.constant 3 : i32
      %dma_start3A_307 = arith.constant 1 : i32
      %dma_start3A_308 = arith.constant 3 : i32
      %dma_start3A_309 = arith.constant 0 : i32
      %dma_start3A_310 = arith.constant 0 : i32
      %dma_start3A_311 = tpu.memref_slice %arg7[%dma_start3A_306, %dma_start3A_309, %dma_start3A_310] : memref<6x128x16xf32, #tpu.memory_space<vmem>> -> memref<1x128x16xf32, #tpu.memory_space<vmem>>
      %dma_start3A_312 = tpu.memref_squeeze %dma_start3A_311 : memref<1x128x16xf32, #tpu.memory_space<vmem>> -> memref<128x16xf32, #tpu.memory_space<vmem>>
      %dma_start3A_313 = arith.constant 0 : i32
      %dma_start3A_314 = tpu.memref_slice %arg6[%add3A_290, %dma_start3A_307, %dma_start3A_313] : memref<78x2x128xi32, #tpu.memory_space<vmem>> -> memref<1x1x128xi32, #tpu.memory_space<vmem>>
      %dma_start3A_315 = tpu.memref_squeeze %dma_start3A_314 : memref<1x1x128xi32, #tpu.memory_space<vmem>> -> memref<128xi32, #tpu.memory_space<vmem>>
      %dma_start3A_316 = arith.constant 0 : i32
      %dma_start3A_317 = arith.constant 0 : i32
      %dma_start3A_318 = tpu.memref_slice %arg10[%dma_start3A_316, %dma_start3A_317] : memref<10240x16xf32, #tpu.memory_space<vmem_shared>> -> memref<10240x16xf32, #tpu.memory_space<vmem_shared>>
      %dma_start3A_319 = tpu.memref_slice %arg13[%dma_start3A_308] : memref<6x!tpu.dma_semaphore, #tpu.memory_space<semaphore_mem>> -> memref<1x!tpu.dma_semaphore, #tpu.memory_space<semaphore_mem>>
      %dma_start3A_320 = tpu.memref_squeeze %dma_start3A_319 : memref<1x!tpu.dma_semaphore, #tpu.memory_space<semaphore_mem>> -> memref<!tpu.dma_semaphore, #tpu.memory_space<semaphore_mem>>
      tpu.enqueue_indirect_dma source(%dma_start3A_312 : memref<128x16xf32, #tpu.memory_space<vmem>>) target(%dma_start3A_318 : memref<10240x16xf32, #tpu.memory_space<vmem_shared>>) offsets(%dma_start3A_315 : memref<128xi32, #tpu.memory_space<vmem>>) semaphore(%dma_start3A_320 : memref<!tpu.dma_semaphore, #tpu.memory_space<semaphore_mem>>) {add = true}
      %add3A_321 = arith.constant 3 : i32
      %add3A_322 = arith.addi %add3A_290, %add3A_321 : i32
      %lt3A_323 = arith.constant 78 : i32
      %lt3A_324 = arith.cmpi slt, %add3A_322, %lt3A_323 : i32
      %convert_element_type3A_325 = arith.extui %lt3A_324 : i1 to i32
      %cond3A_326 = arith.constant 0 : i32
      %cond3A_327 = arith.cmpi ne, %convert_element_type3A_325, %cond3A_326 : i32
      scf.if %cond3A_327 {
        %ge3A = arith.constant 3 : i32
        %ge3A_410 = arith.cmpi sge, %add3A_290, %ge3A : i32
        %convert_element_type3A_411 = arith.extui %ge3A_410 : i1 to i32
        %cond3A_412 = arith.constant 0 : i32
        %cond3A_413 = arith.cmpi ne, %convert_element_type3A_411, %cond3A_412 : i32
        scf.if %cond3A_413 {
          %dma_wait3A_431 = arith.constant 0 : i32
          %dma_wait3A_432 = arith.constant 1 : i32
          %dma_wait3A_433 = arith.constant 0 : i32
          %dma_wait3A_434 = arith.constant 0 : i32
          %dma_wait3A_435 = arith.constant 0 : i32
          %dma_wait3A_436 = tpu.memref_slice %arg7[%dma_wait3A_431, %dma_wait3A_434, %dma_wait3A_435] : memref<6x128x16xf32, #tpu.memory_space<vmem>> -> memref<1x128x16xf32, #tpu.memory_space<vmem>>
          %dma_wait3A_437 = tpu.memref_squeeze %dma_wait3A_436 : memref<1x128x16xf32, #tpu.memory_space<vmem>> -> memref<128x16xf32, #tpu.memory_space<vmem>>
          %dma_wait3A_438 = arith.constant 0 : i32
          %dma_wait3A_439 = tpu.memref_slice %arg6[%add3A_290, %dma_wait3A_432, %dma_wait3A_438] : memref<78x2x128xi32, #tpu.memory_space<vmem>> -> memref<1x1x128xi32, #tpu.memory_space<vmem>>
          %dma_wait3A_440 = tpu.memref_squeeze %dma_wait3A_439 : memref<1x1x128xi32, #tpu.memory_space<vmem>> -> memref<128xi32, #tpu.memory_space<vmem>>
          %dma_wait3A_441 = arith.constant 0 : i32
          %dma_wait3A_442 = arith.constant 0 : i32
          %dma_wait3A_443 = tpu.memref_slice %arg10[%dma_wait3A_441, %dma_wait3A_442] : memref<10240x16xf32, #tpu.memory_space<vmem_shared>> -> memref<10240x16xf32, #tpu.memory_space<vmem_shared>>
          %dma_wait3A_444 = tpu.memref_slice %arg13[%dma_wait3A_433] : memref<6x!tpu.dma_semaphore, #tpu.memory_space<semaphore_mem>> -> memref<1x!tpu.dma_semaphore, #tpu.memory_space<semaphore_mem>>
          %dma_wait3A_445 = tpu.memref_squeeze %dma_wait3A_444 : memref<1x!tpu.dma_semaphore, #tpu.memory_space<semaphore_mem>> -> memref<!tpu.dma_semaphore, #tpu.memory_space<semaphore_mem>>
          tpu.wait_indirect_dma semaphore(%dma_wait3A_445 : memref<!tpu.dma_semaphore, #tpu.memory_space<semaphore_mem>>) src(%dma_wait3A_437 : memref<128x16xf32, #tpu.memory_space<vmem>>) dst(%dma_wait3A_443 : memref<10240x16xf32, #tpu.memory_space<vmem_shared>>)
        } else {
        }
        %add3A_414 = arith.constant 3 : i32
        %add3A_415 = arith.addi %add3A_290, %add3A_414 : i32
        %dma_start3A_416 = arith.constant 0 : i32
        %dma_start3A_417 = arith.constant 0 : i32
        %dma_start3A_418 = arith.constant 0 : i32
        %dma_start3A_419 = arith.constant 0 : i32
        %dma_start3A_420 = arith.constant 0 : i32
        %dma_start3A_421 = tpu.memref_slice %arg7[%dma_start3A_417, %dma_start3A_419, %dma_start3A_420] : memref<6x128x16xf32, #tpu.memory_space<vmem>> -> memref<1x128x16xf32, #tpu.memory_space<vmem>>
        %dma_start3A_422 = tpu.memref_squeeze %dma_start3A_421 : memref<1x128x16xf32, #tpu.memory_space<vmem>> -> memref<128x16xf32, #tpu.memory_space<vmem>>
        %dma_start3A_423 = arith.constant 0 : i32
        %dma_start3A_424 = tpu.memref_slice %arg6[%add3A_415, %dma_start3A_416, %dma_start3A_423] : memref<78x2x128xi32, #tpu.memory_space<vmem>> -> memref<1x1x128xi32, #tpu.memory_space<vmem>>
        %dma_start3A_425 = tpu.memref_squeeze %dma_start3A_424 : memref<1x1x128xi32, #tpu.memory_space<vmem>> -> memref<128xi32, #tpu.memory_space<vmem>>
        %dma_start3A_426 = arith.constant 0 : i32
        %dma_start3A_427 = arith.constant 0 : i32
        %dma_start3A_428 = tpu.memref_slice %arg11[%dma_start3A_426, %dma_start3A_427] : memref<10000x16xf32, #tpu.memory_space<vmem_shared>> -> memref<10000x16xf32, #tpu.memory_space<vmem_shared>>
        %dma_start3A_429 = tpu.memref_slice %arg12[%dma_start3A_418] : memref<6x!tpu.dma_semaphore, #tpu.memory_space<semaphore_mem>> -> memref<1x!tpu.dma_semaphore, #tpu.memory_space<semaphore_mem>>
        %dma_start3A_430 = tpu.memref_squeeze %dma_start3A_429 : memref<1x!tpu.dma_semaphore, #tpu.memory_space<semaphore_mem>> -> memref<!tpu.dma_semaphore, #tpu.memory_space<semaphore_mem>>
        tpu.enqueue_indirect_dma source(%dma_start3A_428 : memref<10000x16xf32, #tpu.memory_space<vmem_shared>>) target(%dma_start3A_422 : memref<128x16xf32, #tpu.memory_space<vmem>>) offsets(%dma_start3A_425 : memref<128xi32, #tpu.memory_space<vmem>>) semaphore(%dma_start3A_430 : memref<!tpu.dma_semaphore, #tpu.memory_space<semaphore_mem>>)
      } else {
      }
      %mul3A_328 = arith.constant 6 : i32
      %mul3A_329 = arith.muli %scan3A_163, %mul3A_328 : i32
      %add3A_330 = arith.constant 4 : i32
      %add3A_331 = arith.addi %mul3A_329, %add3A_330 : i32
      %dma_wait3A_332 = arith.constant 0 : i32
      %dma_wait3A_333 = arith.constant 4 : i32
      %dma_wait3A_334 = arith.constant 4 : i32
      %dma_wait3A_335 = arith.constant 0 : i32
      %dma_wait3A_336 = arith.constant 0 : i32
      %dma_wait3A_337 = tpu.memref_slice %arg7[%dma_wait3A_333, %dma_wait3A_335, %dma_wait3A_336] : memref<6x128x16xf32, #tpu.memory_space<vmem>> -> memref<1x128x16xf32, #tpu.memory_space<vmem>>
      %dma_wait3A_338 = tpu.memref_squeeze %dma_wait3A_337 : memref<1x128x16xf32, #tpu.memory_space<vmem>> -> memref<128x16xf32, #tpu.memory_space<vmem>>
      %dma_wait3A_339 = arith.constant 0 : i32
      %dma_wait3A_340 = tpu.memref_slice %arg6[%add3A_331, %dma_wait3A_332, %dma_wait3A_339] : memref<78x2x128xi32, #tpu.memory_space<vmem>> -> memref<1x1x128xi32, #tpu.memory_space<vmem>>
      %dma_wait3A_341 = tpu.memref_squeeze %dma_wait3A_340 : memref<1x1x128xi32, #tpu.memory_space<vmem>> -> memref<128xi32, #tpu.memory_space<vmem>>
      %dma_wait3A_342 = arith.constant 0 : i32
      %dma_wait3A_343 = arith.constant 0 : i32
      %dma_wait3A_344 = tpu.memref_slice %arg11[%dma_wait3A_342, %dma_wait3A_343] : memref<10000x16xf32, #tpu.memory_space<vmem_shared>> -> memref<10000x16xf32, #tpu.memory_space<vmem_shared>>
      %dma_wait3A_345 = tpu.memref_slice %arg12[%dma_wait3A_334] : memref<6x!tpu.dma_semaphore, #tpu.memory_space<semaphore_mem>> -> memref<1x!tpu.dma_semaphore, #tpu.memory_space<semaphore_mem>>
      %dma_wait3A_346 = tpu.memref_squeeze %dma_wait3A_345 : memref<1x!tpu.dma_semaphore, #tpu.memory_space<semaphore_mem>> -> memref<!tpu.dma_semaphore, #tpu.memory_space<semaphore_mem>>
      tpu.wait_indirect_dma semaphore(%dma_wait3A_346 : memref<!tpu.dma_semaphore, #tpu.memory_space<semaphore_mem>>) src(%dma_wait3A_344 : memref<10000x16xf32, #tpu.memory_space<vmem_shared>>) dst(%dma_wait3A_338 : memref<128x16xf32, #tpu.memory_space<vmem>>)
      %dma_start3A_347 = arith.constant 4 : i32
      %dma_start3A_348 = arith.constant 1 : i32
      %dma_start3A_349 = arith.constant 4 : i32
      %dma_start3A_350 = arith.constant 0 : i32
      %dma_start3A_351 = arith.constant 0 : i32
      %dma_start3A_352 = tpu.memref_slice %arg7[%dma_start3A_347, %dma_start3A_350, %dma_start3A_351] : memref<6x128x16xf32, #tpu.memory_space<vmem>> -> memref<1x128x16xf32, #tpu.memory_space<vmem>>
      %dma_start3A_353 = tpu.memref_squeeze %dma_start3A_352 : memref<1x128x16xf32, #tpu.memory_space<vmem>> -> memref<128x16xf32, #tpu.memory_space<vmem>>
      %dma_start3A_354 = arith.constant 0 : i32
      %dma_start3A_355 = tpu.memref_slice %arg6[%add3A_331, %dma_start3A_348, %dma_start3A_354] : memref<78x2x128xi32, #tpu.memory_space<vmem>> -> memref<1x1x128xi32, #tpu.memory_space<vmem>>
      %dma_start3A_356 = tpu.memref_squeeze %dma_start3A_355 : memref<1x1x128xi32, #tpu.memory_space<vmem>> -> memref<128xi32, #tpu.memory_space<vmem>>
      %dma_start3A_357 = arith.constant 0 : i32
      %dma_start3A_358 = arith.constant 0 : i32
      %dma_start3A_359 = tpu.memref_slice %arg10[%dma_start3A_357, %dma_start3A_358] : memref<10240x16xf32, #tpu.memory_space<vmem_shared>> -> memref<10240x16xf32, #tpu.memory_space<vmem_shared>>
      %dma_start3A_360 = tpu.memref_slice %arg13[%dma_start3A_349] : memref<6x!tpu.dma_semaphore, #tpu.memory_space<semaphore_mem>> -> memref<1x!tpu.dma_semaphore, #tpu.memory_space<semaphore_mem>>
      %dma_start3A_361 = tpu.memref_squeeze %dma_start3A_360 : memref<1x!tpu.dma_semaphore, #tpu.memory_space<semaphore_mem>> -> memref<!tpu.dma_semaphore, #tpu.memory_space<semaphore_mem>>
      tpu.enqueue_indirect_dma source(%dma_start3A_353 : memref<128x16xf32, #tpu.memory_space<vmem>>) target(%dma_start3A_359 : memref<10240x16xf32, #tpu.memory_space<vmem_shared>>) offsets(%dma_start3A_356 : memref<128xi32, #tpu.memory_space<vmem>>) semaphore(%dma_start3A_361 : memref<!tpu.dma_semaphore, #tpu.memory_space<semaphore_mem>>) {add = true}
      %add3A_362 = arith.constant 3 : i32
      %add3A_363 = arith.addi %add3A_331, %add3A_362 : i32
      %lt3A_364 = arith.constant 78 : i32
      %lt3A_365 = arith.cmpi slt, %add3A_363, %lt3A_364 : i32
      %convert_element_type3A_366 = arith.extui %lt3A_365 : i1 to i32
      %cond3A_367 = arith.constant 0 : i32
      %cond3A_368 = arith.cmpi ne, %convert_element_type3A_366, %cond3A_367 : i32
      scf.if %cond3A_368 {
        %ge3A = arith.constant 3 : i32
        %ge3A_410 = arith.cmpi sge, %add3A_331, %ge3A : i32
        %convert_element_type3A_411 = arith.extui %ge3A_410 : i1 to i32
        %cond3A_412 = arith.constant 0 : i32
        %cond3A_413 = arith.cmpi ne, %convert_element_type3A_411, %cond3A_412 : i32
        scf.if %cond3A_413 {
          %dma_wait3A_431 = arith.constant 1 : i32
          %dma_wait3A_432 = arith.constant 1 : i32
          %dma_wait3A_433 = arith.constant 1 : i32
          %dma_wait3A_434 = arith.constant 0 : i32
          %dma_wait3A_435 = arith.constant 0 : i32
          %dma_wait3A_436 = tpu.memref_slice %arg7[%dma_wait3A_431, %dma_wait3A_434, %dma_wait3A_435] : memref<6x128x16xf32, #tpu.memory_space<vmem>> -> memref<1x128x16xf32, #tpu.memory_space<vmem>>
          %dma_wait3A_437 = tpu.memref_squeeze %dma_wait3A_436 : memref<1x128x16xf32, #tpu.memory_space<vmem>> -> memref<128x16xf32, #tpu.memory_space<vmem>>
          %dma_wait3A_438 = arith.constant 0 : i32
          %dma_wait3A_439 = tpu.memref_slice %arg6[%add3A_331, %dma_wait3A_432, %dma_wait3A_438] : memref<78x2x128xi32, #tpu.memory_space<vmem>> -> memref<1x1x128xi32, #tpu.memory_space<vmem>>
          %dma_wait3A_440 = tpu.memref_squeeze %dma_wait3A_439 : memref<1x1x128xi32, #tpu.memory_space<vmem>> -> memref<128xi32, #tpu.memory_space<vmem>>
          %dma_wait3A_441 = arith.constant 0 : i32
          %dma_wait3A_442 = arith.constant 0 : i32
          %dma_wait3A_443 = tpu.memref_slice %arg10[%dma_wait3A_441, %dma_wait3A_442] : memref<10240x16xf32, #tpu.memory_space<vmem_shared>> -> memref<10240x16xf32, #tpu.memory_space<vmem_shared>>
          %dma_wait3A_444 = tpu.memref_slice %arg13[%dma_wait3A_433] : memref<6x!tpu.dma_semaphore, #tpu.memory_space<semaphore_mem>> -> memref<1x!tpu.dma_semaphore, #tpu.memory_space<semaphore_mem>>
          %dma_wait3A_445 = tpu.memref_squeeze %dma_wait3A_444 : memref<1x!tpu.dma_semaphore, #tpu.memory_space<semaphore_mem>> -> memref<!tpu.dma_semaphore, #tpu.memory_space<semaphore_mem>>
          tpu.wait_indirect_dma semaphore(%dma_wait3A_445 : memref<!tpu.dma_semaphore, #tpu.memory_space<semaphore_mem>>) src(%dma_wait3A_437 : memref<128x16xf32, #tpu.memory_space<vmem>>) dst(%dma_wait3A_443 : memref<10240x16xf32, #tpu.memory_space<vmem_shared>>)
        } else {
        }
        %add3A_414 = arith.constant 3 : i32
        %add3A_415 = arith.addi %add3A_331, %add3A_414 : i32
        %dma_start3A_416 = arith.constant 0 : i32
        %dma_start3A_417 = arith.constant 1 : i32
        %dma_start3A_418 = arith.constant 1 : i32
        %dma_start3A_419 = arith.constant 0 : i32
        %dma_start3A_420 = arith.constant 0 : i32
        %dma_start3A_421 = tpu.memref_slice %arg7[%dma_start3A_417, %dma_start3A_419, %dma_start3A_420] : memref<6x128x16xf32, #tpu.memory_space<vmem>> -> memref<1x128x16xf32, #tpu.memory_space<vmem>>
        %dma_start3A_422 = tpu.memref_squeeze %dma_start3A_421 : memref<1x128x16xf32, #tpu.memory_space<vmem>> -> memref<128x16xf32, #tpu.memory_space<vmem>>
        %dma_start3A_423 = arith.constant 0 : i32
        %dma_start3A_424 = tpu.memref_slice %arg6[%add3A_415, %dma_start3A_416, %dma_start3A_423] : memref<78x2x128xi32, #tpu.memory_space<vmem>> -> memref<1x1x128xi32, #tpu.memory_space<vmem>>
        %dma_start3A_425 = tpu.memref_squeeze %dma_start3A_424 : memref<1x1x128xi32, #tpu.memory_space<vmem>> -> memref<128xi32, #tpu.memory_space<vmem>>
        %dma_start3A_426 = arith.constant 0 : i32
        %dma_start3A_427 = arith.constant 0 : i32
        %dma_start3A_428 = tpu.memref_slice %arg11[%dma_start3A_426, %dma_start3A_427] : memref<10000x16xf32, #tpu.memory_space<vmem_shared>> -> memref<10000x16xf32, #tpu.memory_space<vmem_shared>>
        %dma_start3A_429 = tpu.memref_slice %arg12[%dma_start3A_418] : memref<6x!tpu.dma_semaphore, #tpu.memory_space<semaphore_mem>> -> memref<1x!tpu.dma_semaphore, #tpu.memory_space<semaphore_mem>>
        %dma_start3A_430 = tpu.memref_squeeze %dma_start3A_429 : memref<1x!tpu.dma_semaphore, #tpu.memory_space<semaphore_mem>> -> memref<!tpu.dma_semaphore, #tpu.memory_space<semaphore_mem>>
        tpu.enqueue_indirect_dma source(%dma_start3A_428 : memref<10000x16xf32, #tpu.memory_space<vmem_shared>>) target(%dma_start3A_422 : memref<128x16xf32, #tpu.memory_space<vmem>>) offsets(%dma_start3A_425 : memref<128xi32, #tpu.memory_space<vmem>>) semaphore(%dma_start3A_430 : memref<!tpu.dma_semaphore, #tpu.memory_space<semaphore_mem>>)
      } else {
      }
      %mul3A_369 = arith.constant 6 : i32
      %mul3A_370 = arith.muli %scan3A_163, %mul3A_369 : i32
      %add3A_371 = arith.constant 5 : i32
      %add3A_372 = arith.addi %mul3A_370, %add3A_371 : i32
      %dma_wait3A_373 = arith.constant 0 : i32
      %dma_wait3A_374 = arith.constant 5 : i32
      %dma_wait3A_375 = arith.constant 5 : i32
      %dma_wait3A_376 = arith.constant 0 : i32
      %dma_wait3A_377 = arith.constant 0 : i32
      %dma_wait3A_378 = tpu.memref_slice %arg7[%dma_wait3A_374, %dma_wait3A_376, %dma_wait3A_377] : memref<6x128x16xf32, #tpu.memory_space<vmem>> -> memref<1x128x16xf32, #tpu.memory_space<vmem>>
      %dma_wait3A_379 = tpu.memref_squeeze %dma_wait3A_378 : memref<1x128x16xf32, #tpu.memory_space<vmem>> -> memref<128x16xf32, #tpu.memory_space<vmem>>
      %dma_wait3A_380 = arith.constant 0 : i32
      %dma_wait3A_381 = tpu.memref_slice %arg6[%add3A_372, %dma_wait3A_373, %dma_wait3A_380] : memref<78x2x128xi32, #tpu.memory_space<vmem>> -> memref<1x1x128xi32, #tpu.memory_space<vmem>>
      %dma_wait3A_382 = tpu.memref_squeeze %dma_wait3A_381 : memref<1x1x128xi32, #tpu.memory_space<vmem>> -> memref<128xi32, #tpu.memory_space<vmem>>
      %dma_wait3A_383 = arith.constant 0 : i32
      %dma_wait3A_384 = arith.constant 0 : i32
      %dma_wait3A_385 = tpu.memref_slice %arg11[%dma_wait3A_383, %dma_wait3A_384] : memref<10000x16xf32, #tpu.memory_space<vmem_shared>> -> memref<10000x16xf32, #tpu.memory_space<vmem_shared>>
      %dma_wait3A_386 = tpu.memref_slice %arg12[%dma_wait3A_375] : memref<6x!tpu.dma_semaphore, #tpu.memory_space<semaphore_mem>> -> memref<1x!tpu.dma_semaphore, #tpu.memory_space<semaphore_mem>>
      %dma_wait3A_387 = tpu.memref_squeeze %dma_wait3A_386 : memref<1x!tpu.dma_semaphore, #tpu.memory_space<semaphore_mem>> -> memref<!tpu.dma_semaphore, #tpu.memory_space<semaphore_mem>>
      tpu.wait_indirect_dma semaphore(%dma_wait3A_387 : memref<!tpu.dma_semaphore, #tpu.memory_space<semaphore_mem>>) src(%dma_wait3A_385 : memref<10000x16xf32, #tpu.memory_space<vmem_shared>>) dst(%dma_wait3A_379 : memref<128x16xf32, #tpu.memory_space<vmem>>)
      %dma_start3A_388 = arith.constant 5 : i32
      %dma_start3A_389 = arith.constant 1 : i32
      %dma_start3A_390 = arith.constant 5 : i32
      %dma_start3A_391 = arith.constant 0 : i32
      %dma_start3A_392 = arith.constant 0 : i32
      %dma_start3A_393 = tpu.memref_slice %arg7[%dma_start3A_388, %dma_start3A_391, %dma_start3A_392] : memref<6x128x16xf32, #tpu.memory_space<vmem>> -> memref<1x128x16xf32, #tpu.memory_space<vmem>>
      %dma_start3A_394 = tpu.memref_squeeze %dma_start3A_393 : memref<1x128x16xf32, #tpu.memory_space<vmem>> -> memref<128x16xf32, #tpu.memory_space<vmem>>
      %dma_start3A_395 = arith.constant 0 : i32
      %dma_start3A_396 = tpu.memref_slice %arg6[%add3A_372, %dma_start3A_389, %dma_start3A_395] : memref<78x2x128xi32, #tpu.memory_space<vmem>> -> memref<1x1x128xi32, #tpu.memory_space<vmem>>
      %dma_start3A_397 = tpu.memref_squeeze %dma_start3A_396 : memref<1x1x128xi32, #tpu.memory_space<vmem>> -> memref<128xi32, #tpu.memory_space<vmem>>
      %dma_start3A_398 = arith.constant 0 : i32
      %dma_start3A_399 = arith.constant 0 : i32
      %dma_start3A_400 = tpu.memref_slice %arg10[%dma_start3A_398, %dma_start3A_399] : memref<10240x16xf32, #tpu.memory_space<vmem_shared>> -> memref<10240x16xf32, #tpu.memory_space<vmem_shared>>
      %dma_start3A_401 = tpu.memref_slice %arg13[%dma_start3A_390] : memref<6x!tpu.dma_semaphore, #tpu.memory_space<semaphore_mem>> -> memref<1x!tpu.dma_semaphore, #tpu.memory_space<semaphore_mem>>
      %dma_start3A_402 = tpu.memref_squeeze %dma_start3A_401 : memref<1x!tpu.dma_semaphore, #tpu.memory_space<semaphore_mem>> -> memref<!tpu.dma_semaphore, #tpu.memory_space<semaphore_mem>>
      tpu.enqueue_indirect_dma source(%dma_start3A_394 : memref<128x16xf32, #tpu.memory_space<vmem>>) target(%dma_start3A_400 : memref<10240x16xf32, #tpu.memory_space<vmem_shared>>) offsets(%dma_start3A_397 : memref<128xi32, #tpu.memory_space<vmem>>) semaphore(%dma_start3A_402 : memref<!tpu.dma_semaphore, #tpu.memory_space<semaphore_mem>>) {add = true}
      %add3A_403 = arith.constant 3 : i32
      %add3A_404 = arith.addi %add3A_372, %add3A_403 : i32
      %lt3A_405 = arith.constant 78 : i32
      %lt3A_406 = arith.cmpi slt, %add3A_404, %lt3A_405 : i32
      %convert_element_type3A_407 = arith.extui %lt3A_406 : i1 to i32
      %cond3A_408 = arith.constant 0 : i32
      %cond3A_409 = arith.cmpi ne, %convert_element_type3A_407, %cond3A_408 : i32
      scf.if %cond3A_409 {
        %ge3A = arith.constant 3 : i32
        %ge3A_410 = arith.cmpi sge, %add3A_372, %ge3A : i32
        %convert_element_type3A_411 = arith.extui %ge3A_410 : i1 to i32
        %cond3A_412 = arith.constant 0 : i32
        %cond3A_413 = arith.cmpi ne, %convert_element_type3A_411, %cond3A_412 : i32
        scf.if %cond3A_413 {
          %dma_wait3A_431 = arith.constant 2 : i32
          %dma_wait3A_432 = arith.constant 1 : i32
          %dma_wait3A_433 = arith.constant 2 : i32
          %dma_wait3A_434 = arith.constant 0 : i32
          %dma_wait3A_435 = arith.constant 0 : i32
          %dma_wait3A_436 = tpu.memref_slice %arg7[%dma_wait3A_431, %dma_wait3A_434, %dma_wait3A_435] : memref<6x128x16xf32, #tpu.memory_space<vmem>> -> memref<1x128x16xf32, #tpu.memory_space<vmem>>
          %dma_wait3A_437 = tpu.memref_squeeze %dma_wait3A_436 : memref<1x128x16xf32, #tpu.memory_space<vmem>> -> memref<128x16xf32, #tpu.memory_space<vmem>>
          %dma_wait3A_438 = arith.constant 0 : i32
          %dma_wait3A_439 = tpu.memref_slice %arg6[%add3A_372, %dma_wait3A_432, %dma_wait3A_438] : memref<78x2x128xi32, #tpu.memory_space<vmem>> -> memref<1x1x128xi32, #tpu.memory_space<vmem>>
          %dma_wait3A_440 = tpu.memref_squeeze %dma_wait3A_439 : memref<1x1x128xi32, #tpu.memory_space<vmem>> -> memref<128xi32, #tpu.memory_space<vmem>>
          %dma_wait3A_441 = arith.constant 0 : i32
          %dma_wait3A_442 = arith.constant 0 : i32
          %dma_wait3A_443 = tpu.memref_slice %arg10[%dma_wait3A_441, %dma_wait3A_442] : memref<10240x16xf32, #tpu.memory_space<vmem_shared>> -> memref<10240x16xf32, #tpu.memory_space<vmem_shared>>
          %dma_wait3A_444 = tpu.memref_slice %arg13[%dma_wait3A_433] : memref<6x!tpu.dma_semaphore, #tpu.memory_space<semaphore_mem>> -> memref<1x!tpu.dma_semaphore, #tpu.memory_space<semaphore_mem>>
          %dma_wait3A_445 = tpu.memref_squeeze %dma_wait3A_444 : memref<1x!tpu.dma_semaphore, #tpu.memory_space<semaphore_mem>> -> memref<!tpu.dma_semaphore, #tpu.memory_space<semaphore_mem>>
          tpu.wait_indirect_dma semaphore(%dma_wait3A_445 : memref<!tpu.dma_semaphore, #tpu.memory_space<semaphore_mem>>) src(%dma_wait3A_437 : memref<128x16xf32, #tpu.memory_space<vmem>>) dst(%dma_wait3A_443 : memref<10240x16xf32, #tpu.memory_space<vmem_shared>>)
        } else {
        }
        %add3A_414 = arith.constant 3 : i32
        %add3A_415 = arith.addi %add3A_372, %add3A_414 : i32
        %dma_start3A_416 = arith.constant 0 : i32
        %dma_start3A_417 = arith.constant 2 : i32
        %dma_start3A_418 = arith.constant 2 : i32
        %dma_start3A_419 = arith.constant 0 : i32
        %dma_start3A_420 = arith.constant 0 : i32
        %dma_start3A_421 = tpu.memref_slice %arg7[%dma_start3A_417, %dma_start3A_419, %dma_start3A_420] : memref<6x128x16xf32, #tpu.memory_space<vmem>> -> memref<1x128x16xf32, #tpu.memory_space<vmem>>
        %dma_start3A_422 = tpu.memref_squeeze %dma_start3A_421 : memref<1x128x16xf32, #tpu.memory_space<vmem>> -> memref<128x16xf32, #tpu.memory_space<vmem>>
        %dma_start3A_423 = arith.constant 0 : i32
        %dma_start3A_424 = tpu.memref_slice %arg6[%add3A_415, %dma_start3A_416, %dma_start3A_423] : memref<78x2x128xi32, #tpu.memory_space<vmem>> -> memref<1x1x128xi32, #tpu.memory_space<vmem>>
        %dma_start3A_425 = tpu.memref_squeeze %dma_start3A_424 : memref<1x1x128xi32, #tpu.memory_space<vmem>> -> memref<128xi32, #tpu.memory_space<vmem>>
        %dma_start3A_426 = arith.constant 0 : i32
        %dma_start3A_427 = arith.constant 0 : i32
        %dma_start3A_428 = tpu.memref_slice %arg11[%dma_start3A_426, %dma_start3A_427] : memref<10000x16xf32, #tpu.memory_space<vmem_shared>> -> memref<10000x16xf32, #tpu.memory_space<vmem_shared>>
        %dma_start3A_429 = tpu.memref_slice %arg12[%dma_start3A_418] : memref<6x!tpu.dma_semaphore, #tpu.memory_space<semaphore_mem>> -> memref<1x!tpu.dma_semaphore, #tpu.memory_space<semaphore_mem>>
        %dma_start3A_430 = tpu.memref_squeeze %dma_start3A_429 : memref<1x!tpu.dma_semaphore, #tpu.memory_space<semaphore_mem>> -> memref<!tpu.dma_semaphore, #tpu.memory_space<semaphore_mem>>
        tpu.enqueue_indirect_dma source(%dma_start3A_428 : memref<10000x16xf32, #tpu.memory_space<vmem_shared>>) target(%dma_start3A_422 : memref<128x16xf32, #tpu.memory_space<vmem>>) offsets(%dma_start3A_425 : memref<128xi32, #tpu.memory_space<vmem>>) semaphore(%dma_start3A_430 : memref<!tpu.dma_semaphore, #tpu.memory_space<semaphore_mem>>)
      } else {
      }
    }
    %scan3A_60 = arith.constant 13 : i32
    %dma_wait3A = arith.constant 0 : i32
    %dma_wait3A_61 = arith.constant 0 : i32
    %dma_wait3A_62 = arith.constant 1 : i32
    %dma_wait3A_63 = arith.constant 0 : i32
    %dma_wait3A_64 = arith.constant 0 : i32
    %dma_wait3A_65 = arith.constant 0 : i32
    %dma_wait3A_66 = tpu.memref_slice %arg7[%dma_wait3A, %dma_wait3A_64, %dma_wait3A_65] : memref<6x128x16xf32, #tpu.memory_space<vmem>> -> memref<1x128x16xf32, #tpu.memory_space<vmem>>
    %dma_wait3A_67 = tpu.memref_squeeze %dma_wait3A_66 : memref<1x128x16xf32, #tpu.memory_space<vmem>> -> memref<128x16xf32, #tpu.memory_space<vmem>>
    %dma_wait3A_68 = arith.constant 0 : i32
    %dma_wait3A_69 = tpu.memref_slice %arg6[%dma_wait3A_61, %dma_wait3A_62, %dma_wait3A_68] : memref<78x2x128xi32, #tpu.memory_space<vmem>> -> memref<1x1x128xi32, #tpu.memory_space<vmem>>
    %dma_wait3A_70 = tpu.memref_squeeze %dma_wait3A_69 : memref<1x1x128xi32, #tpu.memory_space<vmem>> -> memref<128xi32, #tpu.memory_space<vmem>>
    %dma_wait3A_71 = arith.constant 0 : i32
    %dma_wait3A_72 = arith.constant 0 : i32
    %dma_wait3A_73 = tpu.memref_slice %arg10[%dma_wait3A_71, %dma_wait3A_72] : memref<10240x16xf32, #tpu.memory_space<vmem_shared>> -> memref<10240x16xf32, #tpu.memory_space<vmem_shared>>
    %dma_wait3A_74 = tpu.memref_slice %arg13[%dma_wait3A_63] : memref<6x!tpu.dma_semaphore, #tpu.memory_space<semaphore_mem>> -> memref<1x!tpu.dma_semaphore, #tpu.memory_space<semaphore_mem>>
    %dma_wait3A_75 = tpu.memref_squeeze %dma_wait3A_74 : memref<1x!tpu.dma_semaphore, #tpu.memory_space<semaphore_mem>> -> memref<!tpu.dma_semaphore, #tpu.memory_space<semaphore_mem>>
    tpu.wait_indirect_dma semaphore(%dma_wait3A_75 : memref<!tpu.dma_semaphore, #tpu.memory_space<semaphore_mem>>) src(%dma_wait3A_67 : memref<128x16xf32, #tpu.memory_space<vmem>>) dst(%dma_wait3A_73 : memref<10240x16xf32, #tpu.memory_space<vmem_shared>>)
    %dma_wait3A_76 = arith.constant 1 : i32
    %dma_wait3A_77 = arith.constant 0 : i32
    %dma_wait3A_78 = arith.constant 1 : i32
    %dma_wait3A_79 = arith.constant 1 : i32
    %dma_wait3A_80 = arith.constant 0 : i32
    %dma_wait3A_81 = arith.constant 0 : i32
    %dma_wait3A_82 = tpu.memref_slice %arg7[%dma_wait3A_76, %dma_wait3A_80, %dma_wait3A_81] : memref<6x128x16xf32, #tpu.memory_space<vmem>> -> memref<1x128x16xf32, #tpu.memory_space<vmem>>
    %dma_wait3A_83 = tpu.memref_squeeze %dma_wait3A_82 : memref<1x128x16xf32, #tpu.memory_space<vmem>> -> memref<128x16xf32, #tpu.memory_space<vmem>>
    %dma_wait3A_84 = arith.constant 0 : i32
    %dma_wait3A_85 = tpu.memref_slice %arg6[%dma_wait3A_77, %dma_wait3A_78, %dma_wait3A_84] : memref<78x2x128xi32, #tpu.memory_space<vmem>> -> memref<1x1x128xi32, #tpu.memory_space<vmem>>
    %dma_wait3A_86 = tpu.memref_squeeze %dma_wait3A_85 : memref<1x1x128xi32, #tpu.memory_space<vmem>> -> memref<128xi32, #tpu.memory_space<vmem>>
    %dma_wait3A_87 = arith.constant 0 : i32
    %dma_wait3A_88 = arith.constant 0 : i32
    %dma_wait3A_89 = tpu.memref_slice %arg10[%dma_wait3A_87, %dma_wait3A_88] : memref<10240x16xf32, #tpu.memory_space<vmem_shared>> -> memref<10240x16xf32, #tpu.memory_space<vmem_shared>>
    %dma_wait3A_90 = tpu.memref_slice %arg13[%dma_wait3A_79] : memref<6x!tpu.dma_semaphore, #tpu.memory_space<semaphore_mem>> -> memref<1x!tpu.dma_semaphore, #tpu.memory_space<semaphore_mem>>
    %dma_wait3A_91 = tpu.memref_squeeze %dma_wait3A_90 : memref<1x!tpu.dma_semaphore, #tpu.memory_space<semaphore_mem>> -> memref<!tpu.dma_semaphore, #tpu.memory_space<semaphore_mem>>
    tpu.wait_indirect_dma semaphore(%dma_wait3A_91 : memref<!tpu.dma_semaphore, #tpu.memory_space<semaphore_mem>>) src(%dma_wait3A_83 : memref<128x16xf32, #tpu.memory_space<vmem>>) dst(%dma_wait3A_89 : memref<10240x16xf32, #tpu.memory_space<vmem_shared>>)
    %dma_wait3A_92 = arith.constant 2 : i32
    %dma_wait3A_93 = arith.constant 0 : i32
    %dma_wait3A_94 = arith.constant 1 : i32
    %dma_wait3A_95 = arith.constant 2 : i32
    %dma_wait3A_96 = arith.constant 0 : i32
    %dma_wait3A_97 = arith.constant 0 : i32
    %dma_wait3A_98 = tpu.memref_slice %arg7[%dma_wait3A_92, %dma_wait3A_96, %dma_wait3A_97] : memref<6x128x16xf32, #tpu.memory_space<vmem>> -> memref<1x128x16xf32, #tpu.memory_space<vmem>>
    %dma_wait3A_99 = tpu.memref_squeeze %dma_wait3A_98 : memref<1x128x16xf32, #tpu.memory_space<vmem>> -> memref<128x16xf32, #tpu.memory_space<vmem>>
    %dma_wait3A_100 = arith.constant 0 : i32
    %dma_wait3A_101 = tpu.memref_slice %arg6[%dma_wait3A_93, %dma_wait3A_94, %dma_wait3A_100] : memref<78x2x128xi32, #tpu.memory_space<vmem>> -> memref<1x1x128xi32, #tpu.memory_space<vmem>>
    %dma_wait3A_102 = tpu.memref_squeeze %dma_wait3A_101 : memref<1x1x128xi32, #tpu.memory_space<vmem>> -> memref<128xi32, #tpu.memory_space<vmem>>
    %dma_wait3A_103 = arith.constant 0 : i32
    %dma_wait3A_104 = arith.constant 0 : i32
    %dma_wait3A_105 = tpu.memref_slice %arg10[%dma_wait3A_103, %dma_wait3A_104] : memref<10240x16xf32, #tpu.memory_space<vmem_shared>> -> memref<10240x16xf32, #tpu.memory_space<vmem_shared>>
    %dma_wait3A_106 = tpu.memref_slice %arg13[%dma_wait3A_95] : memref<6x!tpu.dma_semaphore, #tpu.memory_space<semaphore_mem>> -> memref<1x!tpu.dma_semaphore, #tpu.memory_space<semaphore_mem>>
    %dma_wait3A_107 = tpu.memref_squeeze %dma_wait3A_106 : memref<1x!tpu.dma_semaphore, #tpu.memory_space<semaphore_mem>> -> memref<!tpu.dma_semaphore, #tpu.memory_space<semaphore_mem>>
    tpu.wait_indirect_dma semaphore(%dma_wait3A_107 : memref<!tpu.dma_semaphore, #tpu.memory_space<semaphore_mem>>) src(%dma_wait3A_99 : memref<128x16xf32, #tpu.memory_space<vmem>>) dst(%dma_wait3A_105 : memref<10240x16xf32, #tpu.memory_space<vmem_shared>>)
    %dma_wait3A_108 = arith.constant 3 : i32
    %dma_wait3A_109 = arith.constant 0 : i32
    %dma_wait3A_110 = arith.constant 1 : i32
    %dma_wait3A_111 = arith.constant 3 : i32
    %dma_wait3A_112 = arith.constant 0 : i32
    %dma_wait3A_113 = arith.constant 0 : i32
    %dma_wait3A_114 = tpu.memref_slice %arg7[%dma_wait3A_108, %dma_wait3A_112, %dma_wait3A_113] : memref<6x128x16xf32, #tpu.memory_space<vmem>> -> memref<1x128x16xf32, #tpu.memory_space<vmem>>
    %dma_wait3A_115 = tpu.memref_squeeze %dma_wait3A_114 : memref<1x128x16xf32, #tpu.memory_space<vmem>> -> memref<128x16xf32, #tpu.memory_space<vmem>>
    %dma_wait3A_116 = arith.constant 0 : i32
    %dma_wait3A_117 = tpu.memref_slice %arg6[%dma_wait3A_109, %dma_wait3A_110, %dma_wait3A_116] : memref<78x2x128xi32, #tpu.memory_space<vmem>> -> memref<1x1x128xi32, #tpu.memory_space<vmem>>
    %dma_wait3A_118 = tpu.memref_squeeze %dma_wait3A_117 : memref<1x1x128xi32, #tpu.memory_space<vmem>> -> memref<128xi32, #tpu.memory_space<vmem>>
    %dma_wait3A_119 = arith.constant 0 : i32
    %dma_wait3A_120 = arith.constant 0 : i32
    %dma_wait3A_121 = tpu.memref_slice %arg10[%dma_wait3A_119, %dma_wait3A_120] : memref<10240x16xf32, #tpu.memory_space<vmem_shared>> -> memref<10240x16xf32, #tpu.memory_space<vmem_shared>>
    %dma_wait3A_122 = tpu.memref_slice %arg13[%dma_wait3A_111] : memref<6x!tpu.dma_semaphore, #tpu.memory_space<semaphore_mem>> -> memref<1x!tpu.dma_semaphore, #tpu.memory_space<semaphore_mem>>
    %dma_wait3A_123 = tpu.memref_squeeze %dma_wait3A_122 : memref<1x!tpu.dma_semaphore, #tpu.memory_space<semaphore_mem>> -> memref<!tpu.dma_semaphore, #tpu.memory_space<semaphore_mem>>
    tpu.wait_indirect_dma semaphore(%dma_wait3A_123 : memref<!tpu.dma_semaphore, #tpu.memory_space<semaphore_mem>>) src(%dma_wait3A_115 : memref<128x16xf32, #tpu.memory_space<vmem>>) dst(%dma_wait3A_121 : memref<10240x16xf32, #tpu.memory_space<vmem_shared>>)
    %dma_wait3A_124 = arith.constant 4 : i32
    %dma_wait3A_125 = arith.constant 0 : i32
    %dma_wait3A_126 = arith.constant 1 : i32
    %dma_wait3A_127 = arith.constant 4 : i32
    %dma_wait3A_128 = arith.constant 0 : i32
    %dma_wait3A_129 = arith.constant 0 : i32
    %dma_wait3A_130 = tpu.memref_slice %arg7[%dma_wait3A_124, %dma_wait3A_128, %dma_wait3A_129] : memref<6x128x16xf32, #tpu.memory_space<vmem>> -> memref<1x128x16xf32, #tpu.memory_space<vmem>>
    %dma_wait3A_131 = tpu.memref_squeeze %dma_wait3A_130 : memref<1x128x16xf32, #tpu.memory_space<vmem>> -> memref<128x16xf32, #tpu.memory_space<vmem>>
    %dma_wait3A_132 = arith.constant 0 : i32
    %dma_wait3A_133 = tpu.memref_slice %arg6[%dma_wait3A_125, %dma_wait3A_126, %dma_wait3A_132] : memref<78x2x128xi32, #tpu.memory_space<vmem>> -> memref<1x1x128xi32, #tpu.memory_space<vmem>>
    %dma_wait3A_134 = tpu.memref_squeeze %dma_wait3A_133 : memref<1x1x128xi32, #tpu.memory_space<vmem>> -> memref<128xi32, #tpu.memory_space<vmem>>
    %dma_wait3A_135 = arith.constant 0 : i32
    %dma_wait3A_136 = arith.constant 0 : i32
    %dma_wait3A_137 = tpu.memref_slice %arg10[%dma_wait3A_135, %dma_wait3A_136] : memref<10240x16xf32, #tpu.memory_space<vmem_shared>> -> memref<10240x16xf32, #tpu.memory_space<vmem_shared>>
    %dma_wait3A_138 = tpu.memref_slice %arg13[%dma_wait3A_127] : memref<6x!tpu.dma_semaphore, #tpu.memory_space<semaphore_mem>> -> memref<1x!tpu.dma_semaphore, #tpu.memory_space<semaphore_mem>>
    %dma_wait3A_139 = tpu.memref_squeeze %dma_wait3A_138 : memref<1x!tpu.dma_semaphore, #tpu.memory_space<semaphore_mem>> -> memref<!tpu.dma_semaphore, #tpu.memory_space<semaphore_mem>>
    tpu.wait_indirect_dma semaphore(%dma_wait3A_139 : memref<!tpu.dma_semaphore, #tpu.memory_space<semaphore_mem>>) src(%dma_wait3A_131 : memref<128x16xf32, #tpu.memory_space<vmem>>) dst(%dma_wait3A_137 : memref<10240x16xf32, #tpu.memory_space<vmem_shared>>)
    %dma_wait3A_140 = arith.constant 5 : i32
    %dma_wait3A_141 = arith.constant 0 : i32
    %dma_wait3A_142 = arith.constant 1 : i32
    %dma_wait3A_143 = arith.constant 5 : i32
    %dma_wait3A_144 = arith.constant 0 : i32
    %dma_wait3A_145 = arith.constant 0 : i32
    %dma_wait3A_146 = tpu.memref_slice %arg7[%dma_wait3A_140, %dma_wait3A_144, %dma_wait3A_145] : memref<6x128x16xf32, #tpu.memory_space<vmem>> -> memref<1x128x16xf32, #tpu.memory_space<vmem>>
    %dma_wait3A_147 = tpu.memref_squeeze %dma_wait3A_146 : memref<1x128x16xf32, #tpu.memory_space<vmem>> -> memref<128x16xf32, #tpu.memory_space<vmem>>
    %dma_wait3A_148 = arith.constant 0 : i32
    %dma_wait3A_149 = tpu.memref_slice %arg6[%dma_wait3A_141, %dma_wait3A_142, %dma_wait3A_148] : memref<78x2x128xi32, #tpu.memory_space<vmem>> -> memref<1x1x128xi32, #tpu.memory_space<vmem>>
    %dma_wait3A_150 = tpu.memref_squeeze %dma_wait3A_149 : memref<1x1x128xi32, #tpu.memory_space<vmem>> -> memref<128xi32, #tpu.memory_space<vmem>>
    %dma_wait3A_151 = arith.constant 0 : i32
    %dma_wait3A_152 = arith.constant 0 : i32
    %dma_wait3A_153 = tpu.memref_slice %arg10[%dma_wait3A_151, %dma_wait3A_152] : memref<10240x16xf32, #tpu.memory_space<vmem_shared>> -> memref<10240x16xf32, #tpu.memory_space<vmem_shared>>
    %dma_wait3A_154 = tpu.memref_slice %arg13[%dma_wait3A_143] : memref<6x!tpu.dma_semaphore, #tpu.memory_space<semaphore_mem>> -> memref<1x!tpu.dma_semaphore, #tpu.memory_space<semaphore_mem>>
    %dma_wait3A_155 = tpu.memref_squeeze %dma_wait3A_154 : memref<1x!tpu.dma_semaphore, #tpu.memory_space<semaphore_mem>> -> memref<!tpu.dma_semaphore, #tpu.memory_space<semaphore_mem>>
    tpu.wait_indirect_dma semaphore(%dma_wait3A_155 : memref<!tpu.dma_semaphore, #tpu.memory_space<semaphore_mem>>) src(%dma_wait3A_147 : memref<128x16xf32, #tpu.memory_space<vmem>>) dst(%dma_wait3A_153 : memref<10240x16xf32, #tpu.memory_space<vmem_shared>>)
    %lt3A = arith.constant 4 : i32
    %lt3A_156 = arith.cmpi slt, %add3A, %lt3A : i32
    %convert_element_type3A = arith.extui %lt3A_156 : i1 to i32
    %cond3A = arith.constant 0 : i32
    %cond3A_157 = arith.cmpi ne, %convert_element_type3A, %cond3A : i32
    scf.if %cond3A_157 {
      %add3A_163 = arith.constant 2496 : i32
      %add3A_164 = arith.addi %add3A_163, %add3A : i32
      "tpu.region"() ({
        %run_scoped3A_199 = tpu.sem_alloc : memref<!tpu.dma_semaphore, #tpu.memory_space<semaphore_mem>>
        %dma_start3A_200 = arith.constant 0 : i32
        %dma_start3A_201 = arith.constant 0 : i32
        %dma_start3A_202 = arith.constant 0 : i32
        %dma_start3A_203 = tpu.memref_slice %arg6[%dma_start3A_200, %dma_start3A_201, %dma_start3A_202] : memref<78x2x128xi32, #tpu.memory_space<vmem>> -> memref<1x2x128xi32, #tpu.memory_space<vmem>>
        %dma_start3A_204 = arith.constant 0 : i32
        %dma_start3A_205 = arith.constant 0 : i32
        %dma_start3A_206 = tpu.memref_slice %arg2[%add3A_164, %dma_start3A_204, %dma_start3A_205] : memref<2500x2x128xi32, #tpu.memory_space<hbm>> -> memref<1x2x128xi32, #tpu.memory_space<hbm>>
        %dma_start3A_207 = arith.constant 0 : i32
        %dma_start3A_208 = arith.constant 0 : i32
        %dma_start3A_209 = arith.constant 0 : i32
        %dma_start3A_210 = tpu.memref_slice %arg6[%dma_start3A_207, %dma_start3A_208, %dma_start3A_209] : memref<78x2x128xi32, #tpu.memory_space<vmem>> -> memref<1x2x128xi32, #tpu.memory_space<vmem>>
        %dma_start3A_211 = arith.constant 0 : i32
        %dma_start3A_212 = arith.constant 0 : i32
        %dma_start3A_213 = tpu.memref_slice %arg2[%add3A_164, %dma_start3A_211, %dma_start3A_212] : memref<2500x2x128xi32, #tpu.memory_space<hbm>> -> memref<1x2x128xi32, #tpu.memory_space<hbm>>
        tpu.enqueue_dma source(%dma_start3A_213 : memref<1x2x128xi32, #tpu.memory_space<hbm>>) target(%dma_start3A_210 : memref<1x2x128xi32, #tpu.memory_space<vmem>>) target_semaphore(%run_scoped3A_199 : memref<!tpu.dma_semaphore, #tpu.memory_space<semaphore_mem>>)
        %dma_wait3A_214 = arith.constant 0 : i32
        %dma_wait3A_215 = arith.constant 0 : i32
        %dma_wait3A_216 = arith.constant 0 : i32
        %dma_wait3A_217 = tpu.memref_slice %arg6[%dma_wait3A_214, %dma_wait3A_215, %dma_wait3A_216] : memref<78x2x128xi32, #tpu.memory_space<vmem>> -> memref<1x2x128xi32, #tpu.memory_space<vmem>>
        %dma_wait3A_218 = arith.constant 0 : i32
        %dma_wait3A_219 = arith.constant 0 : i32
        %dma_wait3A_220 = tpu.memref_slice %arg2[%add3A_164, %dma_wait3A_218, %dma_wait3A_219] : memref<2500x2x128xi32, #tpu.memory_space<hbm>> -> memref<1x2x128xi32, #tpu.memory_space<hbm>>
        %dma_wait3A_221 = arith.constant 0 : i32
        %dma_wait3A_222 = arith.constant 0 : i32
        %dma_wait3A_223 = arith.constant 0 : i32
        %dma_wait3A_224 = tpu.memref_slice %arg6[%dma_wait3A_221, %dma_wait3A_222, %dma_wait3A_223] : memref<78x2x128xi32, #tpu.memory_space<vmem>> -> memref<1x2x128xi32, #tpu.memory_space<vmem>>
        %dma_wait3A_225 = arith.constant 0 : i32
        %dma_wait3A_226 = arith.constant 0 : i32
        %dma_wait3A_227 = tpu.memref_slice %arg2[%add3A_164, %dma_wait3A_225, %dma_wait3A_226] : memref<2500x2x128xi32, #tpu.memory_space<hbm>> -> memref<1x2x128xi32, #tpu.memory_space<hbm>>
        tpu.wait_dma2 semaphore(%run_scoped3A_199 : memref<!tpu.dma_semaphore, #tpu.memory_space<semaphore_mem>>) src(%dma_wait3A_227 : memref<1x2x128xi32, #tpu.memory_space<hbm>>) dst(%dma_wait3A_224 : memref<1x2x128xi32, #tpu.memory_space<vmem>>)
        tpu.yield
      }) : () -> ()
      %dma_start3A_165 = arith.constant 0 : i32
      %dma_start3A_166 = arith.constant 0 : i32
      %dma_start3A_167 = arith.constant 0 : i32
      %dma_start3A_168 = arith.constant 0 : i32
      %dma_start3A_169 = arith.constant 0 : i32
      %dma_start3A_170 = arith.constant 0 : i32
      %dma_start3A_171 = tpu.memref_slice %arg7[%dma_start3A_167, %dma_start3A_169, %dma_start3A_170] : memref<6x128x16xf32, #tpu.memory_space<vmem>> -> memref<1x128x16xf32, #tpu.memory_space<vmem>>
      %dma_start3A_172 = tpu.memref_squeeze %dma_start3A_171 : memref<1x128x16xf32, #tpu.memory_space<vmem>> -> memref<128x16xf32, #tpu.memory_space<vmem>>
      %dma_start3A_173 = arith.constant 0 : i32
      %dma_start3A_174 = tpu.memref_slice %arg6[%dma_start3A_165, %dma_start3A_166, %dma_start3A_173] : memref<78x2x128xi32, #tpu.memory_space<vmem>> -> memref<1x1x128xi32, #tpu.memory_space<vmem>>
      %dma_start3A_175 = tpu.memref_squeeze %dma_start3A_174 : memref<1x1x128xi32, #tpu.memory_space<vmem>> -> memref<128xi32, #tpu.memory_space<vmem>>
      %dma_start3A_176 = arith.constant 0 : i32
      %dma_start3A_177 = arith.constant 0 : i32
      %dma_start3A_178 = tpu.memref_slice %arg11[%dma_start3A_176, %dma_start3A_177] : memref<10000x16xf32, #tpu.memory_space<vmem_shared>> -> memref<10000x16xf32, #tpu.memory_space<vmem_shared>>
      %dma_start3A_179 = tpu.memref_slice %arg12[%dma_start3A_168] : memref<6x!tpu.dma_semaphore, #tpu.memory_space<semaphore_mem>> -> memref<1x!tpu.dma_semaphore, #tpu.memory_space<semaphore_mem>>
      %dma_start3A_180 = tpu.memref_squeeze %dma_start3A_179 : memref<1x!tpu.dma_semaphore, #tpu.memory_space<semaphore_mem>> -> memref<!tpu.dma_semaphore, #tpu.memory_space<semaphore_mem>>
      tpu.enqueue_indirect_dma source(%dma_start3A_178 : memref<10000x16xf32, #tpu.memory_space<vmem_shared>>) target(%dma_start3A_172 : memref<128x16xf32, #tpu.memory_space<vmem>>) offsets(%dma_start3A_175 : memref<128xi32, #tpu.memory_space<vmem>>) semaphore(%dma_start3A_180 : memref<!tpu.dma_semaphore, #tpu.memory_space<semaphore_mem>>)
      %dma_wait3A_181 = arith.constant 0 : i32
      %dma_wait3A_182 = arith.constant 0 : i32
      %dma_wait3A_183 = arith.constant 0 : i32
      %dma_wait3A_184 = arith.constant 0 : i32
      %dma_wait3A_185 = arith.constant 0 : i32
      %dma_wait3A_186 = arith.constant 0 : i32
      %dma_wait3A_187 = tpu.memref_slice %arg7[%dma_wait3A_183, %dma_wait3A_185, %dma_wait3A_186] : memref<6x128x16xf32, #tpu.memory_space<vmem>> -> memref<1x128x16xf32, #tpu.memory_space<vmem>>
      %dma_wait3A_188 = tpu.memref_squeeze %dma_wait3A_187 : memref<1x128x16xf32, #tpu.memory_space<vmem>> -> memref<128x16xf32, #tpu.memory_space<vmem>>
      %dma_wait3A_189 = arith.constant 0 : i32
      %dma_wait3A_190 = tpu.memref_slice %arg6[%dma_wait3A_181, %dma_wait3A_182, %dma_wait3A_189] : memref<78x2x128xi32, #tpu.memory_space<vmem>> -> memref<1x1x128xi32, #tpu.memory_space<vmem>>
      %dma_wait3A_191 = tpu.memref_squeeze %dma_wait3A_190 : memref<1x1x128xi32, #tpu.memory_space<vmem>> -> memref<128xi32, #tpu.memory_space<vmem>>
      %dma_wait3A_192 = arith.constant 0 : i32
      %dma_wait3A_193 = arith.constant 0 : i32
      %dma_wait3A_194 = tpu.memref_slice %arg11[%dma_wait3A_192, %dma_wait3A_193] : memref<10000x16xf32, #tpu.memory_space<vmem_shared>> -> memref<10000x16xf32, #tpu.memory_space<vmem_shared>>
      %dma_wait3A_195 = tpu.memref_slice %arg12[%dma_wait3A_184] : memref<6x!tpu.dma_semaphore, #tpu.memory_space<semaphore_mem>> -> memref<1x!tpu.dma_semaphore, #tpu.memory_space<semaphore_mem>>
      %dma_wait3A_196 = tpu.memref_squeeze %dma_wait3A_195 : memref<1x!tpu.dma_semaphore, #tpu.memory_space<semaphore_mem>> -> memref<!tpu.dma_semaphore, #tpu.memory_space<semaphore_mem>>
      tpu.wait_indirect_dma semaphore(%dma_wait3A_196 : memref<!tpu.dma_semaphore, #tpu.memory_space<semaphore_mem>>) src(%dma_wait3A_194 : memref<10000x16xf32, #tpu.memory_space<vmem_shared>>) dst(%dma_wait3A_188 : memref<128x16xf32, #tpu.memory_space<vmem>>)
      %run_scoped3A = arith.constant 0 : i32
      %run_scoped3A_197 = arith.constant 0 : i32
      %run_scoped3A_198 = arith.constant 1 : i32
      "tpu.region"() ({
        %run_scoped3A_199 = tpu.sem_alloc : memref<!tpu.dma_semaphore, #tpu.memory_space<semaphore_mem>>
        %dma_start3A_200 = arith.constant 0 : i32
        %dma_start3A_201 = arith.constant 0 : i32
        %dma_start3A_202 = tpu.memref_slice %arg7[%run_scoped3A, %dma_start3A_200, %dma_start3A_201] : memref<6x128x16xf32, #tpu.memory_space<vmem>> -> memref<1x128x16xf32, #tpu.memory_space<vmem>>
        %dma_start3A_203 = tpu.memref_squeeze %dma_start3A_202 : memref<1x128x16xf32, #tpu.memory_space<vmem>> -> memref<128x16xf32, #tpu.memory_space<vmem>>
        %dma_start3A_204 = arith.constant 0 : i32
        %dma_start3A_205 = tpu.memref_slice %arg6[%run_scoped3A_197, %run_scoped3A_198, %dma_start3A_204] : memref<78x2x128xi32, #tpu.memory_space<vmem>> -> memref<1x1x128xi32, #tpu.memory_space<vmem>>
        %dma_start3A_206 = tpu.memref_squeeze %dma_start3A_205 : memref<1x1x128xi32, #tpu.memory_space<vmem>> -> memref<128xi32, #tpu.memory_space<vmem>>
        %dma_start3A_207 = arith.constant 0 : i32
        %dma_start3A_208 = arith.constant 0 : i32
        %dma_start3A_209 = tpu.memref_slice %arg10[%dma_start3A_207, %dma_start3A_208] : memref<10240x16xf32, #tpu.memory_space<vmem_shared>> -> memref<10240x16xf32, #tpu.memory_space<vmem_shared>>
        tpu.enqueue_indirect_dma source(%dma_start3A_203 : memref<128x16xf32, #tpu.memory_space<vmem>>) target(%dma_start3A_209 : memref<10240x16xf32, #tpu.memory_space<vmem_shared>>) offsets(%dma_start3A_206 : memref<128xi32, #tpu.memory_space<vmem>>) semaphore(%run_scoped3A_199 : memref<!tpu.dma_semaphore, #tpu.memory_space<semaphore_mem>>) {add = true}
        %dma_wait3A_210 = arith.constant 0 : i32
        %dma_wait3A_211 = arith.constant 0 : i32
        %dma_wait3A_212 = tpu.memref_slice %arg7[%run_scoped3A, %dma_wait3A_210, %dma_wait3A_211] : memref<6x128x16xf32, #tpu.memory_space<vmem>> -> memref<1x128x16xf32, #tpu.memory_space<vmem>>
        %dma_wait3A_213 = tpu.memref_squeeze %dma_wait3A_212 : memref<1x128x16xf32, #tpu.memory_space<vmem>> -> memref<128x16xf32, #tpu.memory_space<vmem>>
        %dma_wait3A_214 = arith.constant 0 : i32
        %dma_wait3A_215 = tpu.memref_slice %arg6[%run_scoped3A_197, %run_scoped3A_198, %dma_wait3A_214] : memref<78x2x128xi32, #tpu.memory_space<vmem>> -> memref<1x1x128xi32, #tpu.memory_space<vmem>>
        %dma_wait3A_216 = tpu.memref_squeeze %dma_wait3A_215 : memref<1x1x128xi32, #tpu.memory_space<vmem>> -> memref<128xi32, #tpu.memory_space<vmem>>
        %dma_wait3A_217 = arith.constant 0 : i32
        %dma_wait3A_218 = arith.constant 0 : i32
        %dma_wait3A_219 = tpu.memref_slice %arg10[%dma_wait3A_217, %dma_wait3A_218] : memref<10240x16xf32, #tpu.memory_space<vmem_shared>> -> memref<10240x16xf32, #tpu.memory_space<vmem_shared>>
        tpu.wait_indirect_dma semaphore(%run_scoped3A_199 : memref<!tpu.dma_semaphore, #tpu.memory_space<semaphore_mem>>) src(%dma_wait3A_213 : memref<128x16xf32, #tpu.memory_space<vmem>>) dst(%dma_wait3A_219 : memref<10240x16xf32, #tpu.memory_space<vmem_shared>>)
        tpu.yield
      }) : () -> ()
    } else {
    }
    %barrier3A_158 = arith.constant 0 : index
    tpu.barrier barrier_id(%barrier3A_158)
    %mul3A_159 = arith.constant 640 : i32
    %mul3A_160 = arith.muli %arg1, %mul3A_159 : i32
    "tpu.region"() ({
      %run_scoped3A = tpu.sem_alloc : memref<!tpu.dma_semaphore, #tpu.memory_space<semaphore_mem>>
      %dma_start3A_163 = arith.constant 0 : i32
      %dma_start3A_164 = tpu.memref_slice %arg10[%mul3A_160, %dma_start3A_163] : memref<10240x16xf32, #tpu.memory_space<vmem_shared>> -> memref<640x16xf32, #tpu.memory_space<vmem_shared>>
      %dma_start3A_165 = arith.constant 0 : i32
      %dma_start3A_166 = tpu.memref_slice %arg10[%mul3A_160, %dma_start3A_165] : memref<10240x16xf32, #tpu.memory_space<vmem_shared>> -> memref<640x16xf32, #tpu.memory_space<vmem_shared>>
      tpu.enqueue_dma source(%dma_start3A_166 : memref<640x16xf32, #tpu.memory_space<vmem_shared>>) target(%arg8 : memref<640x16xf32, #tpu.memory_space<vmem>>) target_semaphore(%run_scoped3A : memref<!tpu.dma_semaphore, #tpu.memory_space<semaphore_mem>>)
      %dma_wait3A_167 = arith.constant 0 : i32
      %dma_wait3A_168 = tpu.memref_slice %arg10[%mul3A_160, %dma_wait3A_167] : memref<10240x16xf32, #tpu.memory_space<vmem_shared>> -> memref<640x16xf32, #tpu.memory_space<vmem_shared>>
      %dma_wait3A_169 = arith.constant 0 : i32
      %dma_wait3A_170 = tpu.memref_slice %arg10[%mul3A_160, %dma_wait3A_169] : memref<10240x16xf32, #tpu.memory_space<vmem_shared>> -> memref<640x16xf32, #tpu.memory_space<vmem_shared>>
      tpu.wait_dma2 semaphore(%run_scoped3A : memref<!tpu.dma_semaphore, #tpu.memory_space<semaphore_mem>>) src(%dma_wait3A_170 : memref<640x16xf32, #tpu.memory_space<vmem_shared>>) dst(%arg8 : memref<640x16xf32, #tpu.memory_space<vmem>>)
      tpu.yield
    }) : () -> ()
    %mul3A_161 = arith.constant 640 : i32
    %mul3A_162 = arith.muli %arg1, %mul3A_161 : i32
    "tpu.region"() ({
      %run_scoped3A = tpu.sem_alloc : memref<!tpu.dma_semaphore, #tpu.memory_space<semaphore_mem>>
      %dma_start3A_163 = arith.constant 0 : i32
      %dma_start3A_164 = tpu.memref_slice %arg5[%arg0, %mul3A_162, %dma_start3A_163] : memref<2x10240x16xf32, #tpu.memory_space<hbm>> -> memref<1x640x16xf32, #tpu.memory_space<hbm>>
      %dma_start3A_165 = tpu.memref_squeeze %dma_start3A_164 : memref<1x640x16xf32, #tpu.memory_space<hbm>> -> memref<640x16xf32, #tpu.memory_space<hbm>>
      %dma_start3A_166 = arith.constant 0 : i32
      %dma_start3A_167 = tpu.memref_slice %arg5[%arg0, %mul3A_162, %dma_start3A_166] : memref<2x10240x16xf32, #tpu.memory_space<hbm>> -> memref<1x640x16xf32, #tpu.memory_space<hbm>>
      %dma_start3A_168 = tpu.memref_squeeze %dma_start3A_167 : memref<1x640x16xf32, #tpu.memory_space<hbm>> -> memref<640x16xf32, #tpu.memory_space<hbm>>
      tpu.enqueue_dma source(%arg8 : memref<640x16xf32, #tpu.memory_space<vmem>>) target(%dma_start3A_168 : memref<640x16xf32, #tpu.memory_space<hbm>>) target_semaphore(%run_scoped3A : memref<!tpu.dma_semaphore, #tpu.memory_space<semaphore_mem>>)
      %dma_wait3A_169 = arith.constant 0 : i32
      %dma_wait3A_170 = tpu.memref_slice %arg5[%arg0, %mul3A_162, %dma_wait3A_169] : memref<2x10240x16xf32, #tpu.memory_space<hbm>> -> memref<1x640x16xf32, #tpu.memory_space<hbm>>
      %dma_wait3A_171 = tpu.memref_squeeze %dma_wait3A_170 : memref<1x640x16xf32, #tpu.memory_space<hbm>> -> memref<640x16xf32, #tpu.memory_space<hbm>>
      %dma_wait3A_172 = arith.constant 0 : i32
      %dma_wait3A_173 = tpu.memref_slice %arg5[%arg0, %mul3A_162, %dma_wait3A_172] : memref<2x10240x16xf32, #tpu.memory_space<hbm>> -> memref<1x640x16xf32, #tpu.memory_space<hbm>>
      %dma_wait3A_174 = tpu.memref_squeeze %dma_wait3A_173 : memref<1x640x16xf32, #tpu.memory_space<hbm>> -> memref<640x16xf32, #tpu.memory_space<hbm>>
      tpu.wait_dma2 semaphore(%run_scoped3A : memref<!tpu.dma_semaphore, #tpu.memory_space<semaphore_mem>>) src(%arg8 : memref<640x16xf32, #tpu.memory_space<vmem>>) dst(%dma_wait3A_174 : memref<640x16xf32, #tpu.memory_space<hbm>>)
      tpu.yield
    }) : () -> ()
    return
  }
}

module attributes {stable_mosaic.version = 14 : i64} {
  func.func @_matmul_body(%arg0: memref<1250x1024xf32, #tpu.memory_space<vmem>>, %arg1: memref<1024x128xf32, #tpu.memory_space<vmem>>, %arg2: memref<1250x128xf32, #tpu.memory_space<vmem>>) attributes {dimension_semantics = [], scalar_prefetch = 0 : i64, scratch_operands = 0 : i64, tpu.core_type = #tpu.core_type<tc>} {
    %get3A = arith.constant 0 : index
    %get3A_0 = arith.constant 0 : index
    %get3A_1 = vector.load %arg0[%get3A, %get3A_0] : memref<1250x1024xf32, #tpu.memory_space<vmem>>, vector<1250x1024xf32>
    %get3A_2 = arith.constant 0 : index
    %get3A_3 = arith.constant 0 : index
    %get3A_4 = vector.load %arg1[%get3A_2, %get3A_3] : memref<1024x128xf32, #tpu.memory_space<vmem>>, vector<1024x128xf32>
    %dot_general3A = arith.constant dense<0.000000e+00> : vector<1250x128xf32>
    %dot_general3A_5 = tpu.matmul %get3A_1, %get3A_4, %dot_general3A {dimension_numbers = #tpu.dot_dimension_numbers<[1], [0], [0], [1], [0, 0, 1, 1], [], []>, transpose_lhs_hint = false} : vector<1250x1024xf32>, vector<1024x128xf32>, vector<1250x128xf32> -> vector<1250x128xf32>
    %swap3A = arith.constant 0 : index
    %swap3A_6 = arith.constant 0 : index
    %swap3A_7 = vector.load %arg2[%swap3A, %swap3A_6] : memref<1250x128xf32, #tpu.memory_space<vmem>>, vector<1250x128xf32>
    tpu.vector_store %arg2[%swap3A, %swap3A_6], %dot_general3A_5 {strides = array<i32>} : memref<1250x128xf32, #tpu.memory_space<vmem>>, vector<1250x128xf32>,
    return
  }
}

module attributes {stable_mosaic.version = 14 : i64} {
  func.func @_mid_body(%arg0: memref<2x1280x128xf32, #tpu.memory_space<vmem>>, %arg1: memref<1250x128xf32, #tpu.memory_space<vmem>>, %arg2: memref<1250x128xf32, #tpu.memory_space<vmem>>, %arg3: memref<1250x128xf32, #tpu.memory_space<vmem>>) attributes {dimension_semantics = [], scalar_prefetch = 0 : i64, scratch_operands = 0 : i64, tpu.core_type = #tpu.core_type<tc>} {
    %get3A = arith.constant 0 : index
    %get3A_0 = arith.constant 0 : index
    %get3A_1 = arith.constant 0 : index
    %get3A_2 = vector.load %arg0[%get3A, %get3A_0, %get3A_1] : memref<2x1280x128xf32, #tpu.memory_space<vmem>>, vector<1x1250x128xf32>
    %get3A_3 = vector.shape_cast %get3A_2 : vector<1x1250x128xf32> to vector<1250x128xf32>
    %get3A_4 = arith.constant 1 : index
    %get3A_5 = arith.constant 0 : index
    %get3A_6 = arith.constant 0 : index
    %get3A_7 = vector.load %arg0[%get3A_4, %get3A_5, %get3A_6] : memref<2x1280x128xf32, #tpu.memory_space<vmem>>, vector<1x1250x128xf32>
    %get3A_8 = vector.shape_cast %get3A_7 : vector<1x1250x128xf32> to vector<1250x128xf32>
    %add3A = arith.addf %get3A_3, %get3A_8 : vector<1250x128xf32>
    %get3A_9 = arith.constant 0 : index
    %get3A_10 = arith.constant 0 : index
    %get3A_11 = vector.load %arg1[%get3A_9, %get3A_10] : memref<1250x128xf32, #tpu.memory_space<vmem>>, vector<1250x128xf32>
    %add3A_12 = arith.addf %add3A, %get3A_11 : vector<1250x128xf32>
    %get3A_13 = arith.constant 0 : index
    %get3A_14 = arith.constant 0 : index
    %get3A_15 = vector.load %arg2[%get3A_13, %get3A_14] : memref<1250x128xf32, #tpu.memory_space<vmem>>, vector<1250x128xf32>
    %mul3A = arith.mulf %add3A_12, %get3A_15 : vector<1250x128xf32>
    %swap3A = arith.constant 0 : index
    %swap3A_16 = arith.constant 0 : index
    %swap3A_17 = vector.load %arg3[%swap3A, %swap3A_16] : memref<1250x128xf32, #tpu.memory_space<vmem>>, vector<1250x128xf32>
    tpu.vector_store %arg3[%swap3A, %swap3A_16], %mul3A {strides = array<i32>} : memref<1250x128xf32, #tpu.memory_space<vmem>>, vector<1250x128xf32>,
    return
  }
}

module attributes {stable_mosaic.version = 14 : i64} {
  func.func @_scale_in_body(%arg0: memref<1250x128xf32, #tpu.memory_space<vmem>>, %arg1: memref<2x1280x128xf32, #tpu.memory_space<vmem>>, %arg2: memref<1250x128xf32, #tpu.memory_space<vmem>>, %arg3: memref<1250x128xf32, #tpu.memory_space<vmem>>, %arg4: memref<1250x128xf32, #tpu.memory_space<vmem>>) attributes {dimension_semantics = [], scalar_prefetch = 0 : i64, scratch_operands = 0 : i64, tpu.core_type = #tpu.core_type<tc>} {
    %get3A = arith.constant 0 : index
    %get3A_0 = arith.constant 0 : index
    %get3A_1 = arith.constant 0 : index
    %get3A_2 = vector.load %arg1[%get3A, %get3A_0, %get3A_1] : memref<2x1280x128xf32, #tpu.memory_space<vmem>>, vector<1x1250x128xf32>
    %get3A_3 = vector.shape_cast %get3A_2 : vector<1x1250x128xf32> to vector<1250x128xf32>
    %get3A_4 = arith.constant 1 : index
    %get3A_5 = arith.constant 0 : index
    %get3A_6 = arith.constant 0 : index
    %get3A_7 = vector.load %arg1[%get3A_4, %get3A_5, %get3A_6] : memref<2x1280x128xf32, #tpu.memory_space<vmem>>, vector<1x1250x128xf32>
    %get3A_8 = vector.shape_cast %get3A_7 : vector<1x1250x128xf32> to vector<1250x128xf32>
    %add3A = arith.addf %get3A_3, %get3A_8 : vector<1250x128xf32>
    %add3A_9 = arith.constant 1.000000e+00 : f32
    %add3A_10 = vector.broadcast %add3A_9 : f32 to vector<1250x128xf32>
    %add3A_11 = arith.addf %add3A, %add3A_10 : vector<1250x128xf32>
    %rsqrt3A = math.rsqrt %add3A_11 : vector<1250x128xf32>
    %div3A = arith.constant 1.000000e+00 : f32
    %div3A_12 = vector.broadcast %div3A : f32 to vector<1250x128xf32>
    %div3A_13 = arith.divf %div3A_12, %add3A_11 : vector<1250x128xf32>
    %get3A_14 = arith.constant 0 : index
    %get3A_15 = arith.constant 0 : index
    %get3A_16 = vector.load %arg0[%get3A_14, %get3A_15] : memref<1250x128xf32, #tpu.memory_space<vmem>>, vector<1250x128xf32>
    %mul3A = arith.mulf %get3A_16, %rsqrt3A : vector<1250x128xf32>
    %swap3A = arith.constant 0 : index
    %swap3A_17 = arith.constant 0 : index
    %swap3A_18 = vector.load %arg2[%swap3A, %swap3A_17] : memref<1250x128xf32, #tpu.memory_space<vmem>>, vector<1250x128xf32>
    tpu.vector_store %arg2[%swap3A, %swap3A_17], %mul3A {strides = array<i32>} : memref<1250x128xf32, #tpu.memory_space<vmem>>, vector<1250x128xf32>,
    %swap3A_19 = arith.constant 0 : index
    %swap3A_20 = arith.constant 0 : index
    %swap3A_21 = vector.load %arg3[%swap3A_19, %swap3A_20] : memref<1250x128xf32, #tpu.memory_space<vmem>>, vector<1250x128xf32>
    tpu.vector_store %arg3[%swap3A_19, %swap3A_20], %rsqrt3A {strides = array<i32>} : memref<1250x128xf32, #tpu.memory_space<vmem>>, vector<1250x128xf32>,
    %swap3A_22 = arith.constant 0 : index
    %swap3A_23 = arith.constant 0 : index
    %swap3A_24 = vector.load %arg4[%swap3A_22, %swap3A_23] : memref<1250x128xf32, #tpu.memory_space<vmem>>, vector<1250x128xf32>
    tpu.vector_store %arg4[%swap3A_22, %swap3A_23], %div3A_13 {strides = array<i32>} : memref<1250x128xf32, #tpu.memory_space<vmem>>, vector<1250x128xf32>,
    return
  }
}

module attributes {stable_mosaic.version = 14 : i64} {
  func.func @_out_body(%arg0: memref<2x1280x128xf32, #tpu.memory_space<vmem>>, %arg1: memref<1250x128xf32, #tpu.memory_space<vmem>>, %arg2: memref<1250x128xf32, #tpu.memory_space<vmem>>, %arg3: memref<1x128xf32, #tpu.memory_space<vmem>>, %arg4: memref<1250x128xf32, #tpu.memory_space<vmem>>) attributes {dimension_semantics = [], scalar_prefetch = 0 : i64, scratch_operands = 0 : i64, tpu.core_type = #tpu.core_type<tc>} {
    %get3A = arith.constant 0 : index
    %get3A_0 = arith.constant 0 : index
    %get3A_1 = arith.constant 0 : index
    %get3A_2 = vector.load %arg0[%get3A, %get3A_0, %get3A_1] : memref<2x1280x128xf32, #tpu.memory_space<vmem>>, vector<1x1250x128xf32>
    %get3A_3 = vector.shape_cast %get3A_2 : vector<1x1250x128xf32> to vector<1250x128xf32>
    %get3A_4 = arith.constant 1 : index
    %get3A_5 = arith.constant 0 : index
    %get3A_6 = arith.constant 0 : index
    %get3A_7 = vector.load %arg0[%get3A_4, %get3A_5, %get3A_6] : memref<2x1280x128xf32, #tpu.memory_space<vmem>>, vector<1x1250x128xf32>
    %get3A_8 = vector.shape_cast %get3A_7 : vector<1x1250x128xf32> to vector<1250x128xf32>
    %add3A = arith.addf %get3A_3, %get3A_8 : vector<1250x128xf32>
    %get3A_9 = arith.constant 0 : index
    %get3A_10 = arith.constant 0 : index
    %get3A_11 = vector.load %arg1[%get3A_9, %get3A_10] : memref<1250x128xf32, #tpu.memory_space<vmem>>, vector<1250x128xf32>
    %add3A_12 = arith.addf %add3A, %get3A_11 : vector<1250x128xf32>
    %get3A_13 = arith.constant 0 : index
    %get3A_14 = arith.constant 0 : index
    %get3A_15 = vector.load %arg2[%get3A_13, %get3A_14] : memref<1250x128xf32, #tpu.memory_space<vmem>>, vector<1250x128xf32>
    %mul3A = arith.mulf %add3A_12, %get3A_15 : vector<1250x128xf32>
    %get3A_16 = arith.constant 0 : index
    %get3A_17 = arith.constant 0 : index
    %get3A_18 = vector.load %arg3[%get3A_16, %get3A_17] : memref<1x128xf32, #tpu.memory_space<vmem>>, vector<1x128xf32>
    %add3A_19 = vector.broadcast %get3A_18 : vector<1x128xf32> to vector<1250x128xf32>
    %add3A_20 = arith.addf %mul3A, %add3A_19 : vector<1250x128xf32>
    %swap3A = arith.constant 0 : index
    %swap3A_21 = arith.constant 0 : index
    %swap3A_22 = vector.load %arg4[%swap3A, %swap3A_21] : memref<1250x128xf32, #tpu.memory_space<vmem>>, vector<1250x128xf32>
    tpu.vector_store %arg4[%swap3A, %swap3A_21], %add3A_20 {strides = array<i32>} : memref<1250x128xf32, #tpu.memory_space<vmem>>, vector<1250x128xf32>,
    return
  }
}

</mosaic_0001>

<sc_bundles>
// kernel: kernel.12.cloned.1.call-start
scs
__scs_entry_jumppad:
0x0: {  	(pc) =	sbr.rel $0x88, $3  }
0x1: {  	(tag) =	ssettag $0x0;
	lr =	simm.s32 $0x1  }
0x2: {  	[smem:$0x3F9D] =	sst lr;
	_ =	strace $0xD0000000  }
0x3: {  	_ = 	snop  }
0x4: {  	_ = 	snop  }
0x5: {  	_ = 	snop  }
0x6: {  	_ = 	snop  }
0x7: {  	_ = 	snop  }
__scs_overlays_trampoline_lowered:
0x8: {  	[smem:$0x3FAC] =	sst s0  }
0x9: {  	[smem:$0x3FAD] =	sst s1  }
0xa: {  	[smem:$0x3FAE] =	sst s2  }
0xb: {  	[smem:$0x3FAF] =	sst s3  }
0xc: {  	[smem:$0x3FB0] =	sst s4  }
0xd: {  	[smem:$0x3FB1] =	sst s5  }
0xe: {  	[smem:$0x3FB2] =	sst s6  }
0xf: {  	[smem:$0x3FB3] =	sst s7  }
0x10: {  	[smem:$0x3FB4] =	sst s8  }
0x11: {  	[smem:$0x3FB5] =	sst s9;
	s0 =	simm.s32 @!p0 $0x0  }
0x12: {  	s1 =	sld [smem:$0x3F9B];
	s0 =	simm.s32 @p0 $0x1  }
0x13: {  	[smem:$0x3FB6] =	sst s0;
	s0 =	simm.s32 @!p1 $0x0  }
0x14: {  	s2 =	sld [smem:$0x3F9A];
	s0 =	simm.s32 @p1 $0x1  }
0x15: {  	[smem:$0x3FB7] =	sst s0;
	s0 =	simm.s32 @!p2 $0x0  }
0x16: {  	s3 =	sld [smem:$0x3FDB];
	s0 =	simm.s32 @p2 $0x1  }
0x17: {  	s4 =	simm.s32 $0x1BF5;
	[smem:$0x3FB9] =	sst s0  }
0x18: {  	s0 =	sld [smem:$0x3F9C];
	_ =	swait.ge [sflag:s4], $0x0  }
0x19: {  	s7 =	sld [smem:$0x3F9D]  }
0x1a: {  	s8 =	sadd.s32 $0xFFFFE003, lr  }
0x1b: {  	s9 =	sadd.s32 $0xFFFFFEF7, lr;
	s5 =	simm.s32 $0xFFFFFFFF;
	p2 =	slt.u32 s8, $0xFFFFF086  }
0x1c: {  	p1 =	slt.u32 s9, $0xF7A;
	s5 =	simm.s32 @!p2 $0x0  }
0x1d: {  	s5 =	simm.s32 @p1 $0x1;
	p0 =	seq.s32 s7, s2  }
0x1e: {  	s7 =	smul.u32 @!p0 $0xF7A, s2;
	p2 =	seq.s32 @!p0 s5, $0x0  }
0x1f: {  	s9 =	smul.u32 $0xF7A, s1;
	s8 =	simm.s32 @!p0 $0x1BF5;
	p2 =	por !p2, p0  }
0x20: {  	[sflag:s8] =	ssyncset.s32 @!p0 $0xFFFFF086;
	s6 =	sadd.s32 @!p0 s3, s7;
	s7 =	simm.s32 @!p0 $0x108  }
0x21: {  	s3 =	sadd.s32 s3, s9;
	s6 =	sadd.s32 @!p0 $0x88, s6;
	s7 =	simm.s32 @p2 $0x1082  }
0x22: {  	[simem:s7], [sflag:s8] =	dma.local @!p0 [hbm:s6], $0xF7A  }
0x23: {  	s9 =	sor.u32 $0xD0000000, s2;
	s6 =	simm.s32 $0x108;
	_ =	swait.ge @!p0 [sflag:s8], $0x0  }
0x24: {  	s3 =	sadd.s32 $0x88, s3;
	s6 =	simm.s32 @!p1 $0x1082;
	[sflag:s4] =	ssyncset.s32 $0xFFFFF086  }
0x25: {  	[simem:s6], [sflag:s4] =	dma.local [hbm:s3], $0xF7A  }
0x26: {  	[smem:$0x3F9D] =	sst s1;
	(tag) =	ssettag s2;
	_ =	strace s9  }
0x27: {  	s1 =	sld [smem:$0x3FAD]  }
0x28: {  	s2 =	sld [smem:$0x3FAE]  }
0x29: {  	s4 =	sld [smem:$0x3FB0]  }
0x2a: {  	p0 =	seq.s32 s5, $0x0;
	s5 =	sld [smem:$0x3FB1]  }
0x2b: {  	s6 =	sld [smem:$0x3FB2]  }
0x2c: {  	s7 =	sld [smem:$0x3FB3]  }
0x2d: {  	s3 =	simm.s32 $0x108;
	s8 =	sld [smem:$0x3FB4]  }
0x2e: {  	s3 =	simm.s32 @!p0 $0x1082;
	s9 =	sld [smem:$0x3FB5]  }
0x2f: {  	lr =	sadd.s32 s0, s3;
	s0 =	sld [smem:$0x3FAC]  }
0x30: {  	s3 =	sld [smem:$0x3FAF]  }
0x31: {  	[smem:$0x3FB8] =	sst s10  }
0x32: {  	s10 =	sld [smem:$0x3FB6];
	_ =	sdelay $0x3  }
0x33: {  	p0 =	seq.s32 s10, $0x1;
	s10 =	sld [smem:$0x3FB8];
	_ =	sdelay $0x3  }
0x34: {  	[smem:$0x3FB8] =	sst s10  }
0x35: {  	s10 =	sld [smem:$0x3FB7];
	_ =	sdelay $0x3  }
0x36: {  	p1 =	seq.s32 s10, $0x1;
	s10 =	sld [smem:$0x3FB8];
	_ =	sdelay $0x3  }
0x37: {  	[smem:$0x3FB8] =	sst s10  }
0x38: {  	s10 =	sld [smem:$0x3FB9]  }
0x39: {  	_ = 	snop;
	(pc) =	sbr.ind lr, $3  }
0x3a: {  	_ = 	snop  }
0x3b: {  	_ = 	snop  }
0x3c: {  	p2 =	seq.s32 s10, $0x1;
	s10 =	sld [smem:$0x3FB8]  }
0x3d: {  	_ =	shalt  }
0x3e: {  	_ =	shalt  }
0x3f: {  	_ =	shalt  }
0x40: {  	_ =	shalt  }
0x41: {  	_ =	shalt  }
0x42: {  	_ =	shalt  }
0x43: {  	_ =	shalt  }
0x44: {  	_ =	shalt  }
0x45: {  	_ =	shalt  }
0x46: {  	_ =	shalt  }
0x47: {  	_ =	shalt  }
0x48: {  	_ =	shalt  }
0x49: {  	_ =	shalt  }
0x4a: {  	_ =	shalt  }
0x4b: {  	_ =	shalt  }
0x4c: {  	_ =	shalt  }
0x4d: {  	_ =	shalt  }
0x4e: {  	_ =	shalt  }
0x4f: {  	_ =	shalt  }
0x50: {  	_ =	shalt  }
0x51: {  	_ =	shalt  }
0x52: {  	_ =	shalt  }
0x53: {  	_ =	shalt  }
0x54: {  	_ =	shalt  }
0x55: {  	_ =	shalt  }
0x56: {  	_ =	shalt  }
0x57: {  	_ =	shalt  }
0x58: {  	_ =	shalt  }
0x59: {  	_ =	shalt  }
0x5a: {  	_ =	shalt  }
0x5b: {  	_ =	shalt  }
0x5c: {  	_ =	shalt  }
0x5d: {  	_ =	shalt  }
0x5e: {  	_ =	shalt  }
0x5f: {  	_ =	shalt  }
0x60: {  	_ =	shalt  }
0x61: {  	_ =	shalt  }
0x62: {  	_ =	shalt  }
0x63: {  	_ =	shalt  }
0x64: {  	_ =	shalt  }
0x65: {  	_ =	shalt  }
0x66: {  	_ =	shalt  }
0x67: {  	_ =	shalt  }
0x68: {  	_ =	shalt  }
0x69: {  	_ =	shalt  }
0x6a: {  	_ =	shalt  }
0x6b: {  	_ =	shalt  }
0x6c: {  	_ =	shalt  }
0x6d: {  	_ =	shalt  }
0x6e: {  	_ =	shalt  }
0x6f: {  	_ =	shalt  }
0x70: {  	_ =	shalt  }
0x71: {  	_ =	shalt  }
0x72: {  	_ =	shalt  }
0x73: {  	_ =	shalt  }
0x74: {  	_ =	shalt  }
0x75: {  	_ =	shalt  }
0x76: {  	_ =	shalt  }
0x77: {  	_ =	shalt  }
0x78: {  	_ =	shalt  }
0x79: {  	_ =	shalt  }
0x7a: {  	_ =	shalt  }
0x7b: {  	_ =	shalt  }
0x7c: {  	_ =	shalt  }
0x7d: {  	_ =	shalt  }
0x7e: {  	_ =	shalt  }
0x7f: {  	_ =	shalt  }
0x80: {  	_ =	shalt  }
0x81: {  	_ =	shalt  }
0x82: {  	_ =	shalt  }
0x83: {  	_ =	shalt  }
0x84: {  	_ =	shalt  }
0x85: {  	_ =	shalt  }
0x86: {  	_ =	shalt  }
0x87: {  	_ =	shalt  }
.Lfunc_end0:
.L_simem_size_0:
called_computation.1_lowered:
.L_overlay_start_0:
0x88: {  	s2 =	sld [smem:$0x3FD9]  }
0x89: {  	s3 =	sld [smem:$0x3FFE];
	_ =	sdelay $0x1  }
0x8a: {  	s1 =	srdreg.scid  }
0x8b: {  	s0 =	sand.u32 $0x1, s1  }
0x8c: {  	s17 =	sshll.u32 s0, $0xA;
	s2 =	sadd.s32 s3, s2  }
0x8d: {  	s2 =	sadd.s32 s2, s17  }
0x8e: {  	[smem:$0x3FC4] =	sst s2  }
0x8f: {  	_ = 	snop  }
0x90: {  	s2 =	sld [smem:$0x3FC8]  }
0x91: {  	s18 =	sld [smem:$0x3FD0];
	(tm) =	ssettm $0x1  }
0x92: {  	s4 =	sld [smem:$0x3FFB];
	_ =	sdelay $0x3  }
0x93: {  	_ =	strace s4  }
0x94: {  	s4 =	sld [smem:$0x3FFC];
	_ =	sdelay $0x3  }
0x95: {  	_ =	strace s4  }
0x96: {  	s4 =	sld [smem:$0x3FFD];
	_ =	sdelay $0x3  }
0x97: {  	_ =	strace s4  }
0x98: {  	_ =	strace $0x8FFFFFFF  }
0x99: {  	s19 =	sld [smem:$0x3FDB];
	_ =	sdelay $0x1  }
0x9a: {  	s5 =	simm.s32 $_scs_section_size  }
0x9b: {  	s6 =	simm.s32 $_size__tile_overlayer_lowered;
	s7 =	simm.s32 $_tile_overlayer_lowered  }
0x9c: {  	s22 =	simm.s32 $0x1BFF;
	s21 =	sshll.u32 s7, $0x1;
	s4 =	sadd.s32 s5, s19  }
0x9d: {  	s8 =	simm.s32 $0x0;
	s20 =	sshll.u32 s6, $0x1;
	s6 =	sadd.s32 s21, s4  }
0x9e: {  	[timem:s8], [sflag:s22] =	dma.local [hbm:s6], s20  }
0x9f: {  	_ =	swait.ge [sflag:s22], s20  }
0xa0: {  	s5 =	ssub.s32 $0x0, s20;
	[sflag:s22] =	ssyncset.done $0x0  }
0xa1: {  	[sflag:s22] =	ssyncadd.s32 s5;
	_ =	sdelay $0x1  }
0xa2: {  	s23 =	simm.s32 $0x1B8B  }
0xa3: {  	_ =	swait.ge [sflag:s23], $0x1  }
0xa4: {  	[sflag:s23] =	ssyncset.done $0x0  }
0xa5: {  	s25 =	simm.s32 $0x1B8E;
	s24 =	sld [smem:$0x3FFE];
	[sflag:s23] =	ssyncadd.s32 $0xFFFFFFFF  }
0xa6: {  	s26 =	simm.s32 $execute0_lowered;
	[smem:$0x3FD2] =	sst s25  }
0xa7: {  	s6 =	sshll.u32 s26, $0x1;
	_ =	strace $0x80000049;
	[dreg:$0x1] =	wrdreg $0xFFFFFFFF  }
0xa8: {  	s28 =	simm.s32 $_size_execute0_lowered;
	s4 =	sadd.s32 s4, s6;
	[dreg:$0x0] =	wrdreg $0x0  }
0xa9: {  	s6 =	sshll.u32 s28, $0x1;
	[dreg:$0x2] =	wrdreg s4  }
0xaa: {  	[dreg:$0x3] =	wrdreg s6  }
0xab: {  	[dreg:$0x4] =	wrdreg $0xC0  }
0xac: {  	_ =	task [dreg:s8], $0x5FFFF  }
0xad: {  	[dreg:$0x1] =	wrdreg $0xFFFFFFFF  }
0xae: {  	[dreg:$0x0] =	wrdreg $0x60  }
0xaf: {  	[dreg:$0x2] =	wrdreg s2  }
0xb0: {  	[dreg:$0x3] =	wrdreg s18  }
0xb1: {  	[dreg:$0x4] =	wrdreg s24  }
0xb2: {  	[dreg:$0x5] =	wrdreg $0xCD100  }
0xb3: {  	[dreg:$0x6] =	wrdreg $0xF5100  }
0xb4: {  	[dreg:$0x7] =	wrdreg $0x9  }
0xb5: {  	_ =	task.clear_ibuf [dreg:s8], $0x8FFFF;
	_ =	strace $0x90000049  }
0xb6: {  	s29 =	simm.s32 $0x9;
	_ =	strace $0x8000004B  }
0xb7: {  	_ =	swait.ge [sflag:s29], $0x1  }
0xb8: {  	[sflag:s29] =	ssyncadd.s32 $0xFFFFFFFF  }
0xb9: {  	_ =	strace $0x9000004B  }
0xba: {  	_ =	sfence  }
0xbb: {  	s30 =	sld [smem:$0x0];
	_ =	sdelay $0x2  }
0xbc: {  	s31 =	sshll.u32 s1, $0xD;
	s1 =	sshrl.u32 s1, $0x2  }
0xbd: {  	s3 =	sand.u32 $0x4000, s31;
	s1 =	sadd.s32 s1, s30  }
0xbe: {  	s0 =	sor.u32 s3, s0;
	s1 =	sshll.u32 s1, $0x11  }
0xbf: {  	s0 =	sor.u32 s1, s0  }
0xc0: {  	s0 =	sadd.s32 $0x8F2B, s0  }
0xc1: {  	[sflag:s0] =	ssyncadd.remote.s32 $0x1  }
0xc2: {  	_ =	sfence.sel $0xFFFF  }
0xc3: {  	[dreg:$0x0] =	wrdreg $0xFFFFFFFF;
	(pc) =	sbr.abs _section_cstart, $3  }
0xc4: {  	[dreg:$0x1] =	wrdreg $0xFFFFFFFF  }
0xc5: {  	_ =	task.clear_ibuf [dreg:s8], $0x2FFFF;
	_ =	strace $0x9FFFFFFF  }
0xc6: {  	(tm) =	ssettm $0x7FFFFFFF  }
0xc7: {  	_ =	shalt  }
tec
execute0_lowered:
.L_overlay_start_1:
0x0: {  	(tag) =	ssettag $0x1  }
0x1: {  	s0 =	rddreg [dreg:$0x0]  }
0x2: {  	s1 =	rddreg [dreg:$0x1]  }
0x3: {  	s5 =	rddreg [dreg:$0x2]  }
0x4: {  	s2 =	rddreg [dreg:$0x3];
	s4 =	srdreg.scid  }
0x5: {  	s13 =	stileid.u32;
	s3 =	rddreg [dreg:$0x4]  }
0x6: {  	s14 =	simm.s32 $0xD;
	s16 =	simm.s32 $0x80;
	s17 =	simm.s32 $0x4E00  }
0x7: {  	s21 =	simm.s32 $0x5E00;
	s29 =	simm.s32 $0x6E00;
	s30 =	simm.s32 $0x3  }
0x8: {  	s31 =	simm.s32 $0xA;
	s6 =	sand.u32 $0x1, s4;
	s7 =	smul.u32 $0x2800, s13  }
0x9: {  	s4 =	simm.s32 $0x0;
	s9 =	sadd.s32 $0x2000, s5;
	s11 =	smul.u32 $0x2710, s13  }
0xa: {  	s8 =	smul.u32 $0x28000, s6;
	[smem:$0x7FF] =	sst s4;
	s18 =	ssub.s32 $0x2, s6  }
0xb: {  	s6 =	sshll.u32 s6, $0x4;
	_ =	strace $0x8000004A;
	[dreg:$0x6] =	wrdreg s9  }
0xc: {  	s10 =	sshrl.u32 s18, $0x1;
	s20 =	sor.u32 s13, s6;
	s22 =	sshrl.u32 s11, $0x3  }
0xd: {  	s13 =	sshll.u32 s13, $0x5;
	s6 =	sadd.s32 s7, s2;
	s24 =	sadd.s32 s11, s3  }
0xe: {  	s8 =	sadd.s32 s7, s8;
	s19 =	ssub.s32 s18, s10;
	s12 =	smul.u32 $0x9C0, s20  }
0xf: {  	s1 =	sadd.s32 s1, s22;
	s23 =	sadd.s32 s13, s0;
	[dreg:$0x8] =	wrdreg s24  }
0x10: {  	s13 =	simm.s32 $0x7E00;
	s22 =	simm.s32 $0x1;
	s24 =	simm.s32 $0x6600  }
0x11: {  	p0 =	sgt.u32 s20, $0x3;
	s18 =	simm.s32 $0x4;
	s20 =	simm.s32 $0x9  }
0x12: {  	s7 =	simm.s32 $0xC;
	s8 =	sshrl.u32 s8, $0x3;
	[dreg:$0x7] =	wrdreg s1  }
0x13: {  	s25 =	sadd.s32 $0x13800, s23;
	s28 =	smax.u32 s19, $0x1;
	s19 =	simm.s32 $0x5600  }
.Ltmp0:
0x14: {  	s23 =	simm.s32 $0x7;
	s1 =	simm.s32 $0x8;
	(pc) =	sbr.rel .LBB2_1-.Ltmp0, $4  }
0x15: {  	s5 =	sadd.s32 s8, s5;
	s0 =	sadd.s32 s0, s12;
	[dreg:$0xa] =	wrdreg s25  }
0x16: {  	[dreg:$0xc] =	wrdreg s28;
	s25 =	simm.s32 $0x2;
	s8 =	simm.s32 $0x0  }
0x17: {  	[dreg:$0x9] =	wrdreg s0;
	s26 =	sadd.s32 $0x2600, s5;
	s0 =	simm.s32 $0x7600  }
0x18: {  	s5 =	simm.s32 $0xB;
	[dreg:$0xb] =	wrdreg s26;
	s26 =	simm.s32 $0x6  }
.LBB2_4:
0x19: {  	_ =	swait.ge [sflag:s23], $0x800  }
0x1a: {  	[sflag:s23] =	ssyncset.done $0x0  }
0x1b: {  	[sflag:s23] =	ssyncadd.s32 $0xFFFFF800  }
0x1c: {  	_ =	swait.ge [sflag:s1], $0x800  }
0x1d: {  	[sflag:s1] =	ssyncset.done $0x0  }
0x1e: {  	[sflag:s1] =	ssyncadd.s32 $0xFFFFF800  }
0x1f: {  	_ =	swait.ge [sflag:s20], $0x800  }
0x20: {  	[sflag:s20] =	ssyncset.done $0x0  }
0x21: {  	[sflag:s20] =	ssyncadd.s32 $0xFFFFF800  }
0x22: {  	_ =	swait.ge [sflag:s31], $0x800  }
0x23: {  	[sflag:s31] =	ssyncset.done $0x0  }
0x24: {  	[sflag:s31] =	ssyncadd.s32 $0xFFFFF800  }
0x25: {  	_ =	swait.ge [sflag:s5], $0x800  }
0x26: {  	[sflag:s5] =	ssyncset.done $0x0  }
0x27: {  	[sflag:s5] =	ssyncadd.s32 $0xFFFFF800  }
0x28: {  	_ =	swait.ge [sflag:s7], $0x800  }
0x29: {  	[sflag:s7] =	ssyncset.done $0x0  }
0x2a: {  	s9 =	simm.s32 @!p0 $0x0;
	s10 =	rddreg [dreg:$0xa];
	[sflag:s7] =	ssyncadd.s32 $0xFFFFF800  }
0x2b: {  	[tilespmem:s9], [sflag:$0xD] =	stream.linear.gather @!p0 [hbm4b:s10+s9], $0x100, $0x38;
	[tilespmem:$0x11C20] =	vst v63  }
0x2c: {  	s10 =	simm.s32 @!p0 $0xD  }
0x2d: {  	_ =	swait.ge @!p0 [sflag:s10], $0x100  }
0x2e: {  	[sflag:s10] =	ssyncset.done @!p0 $0x0  }
0x2f: {  	s11 =	simm.s32 @!p0 $0x80;
	s12 =	simm.s32 @!p0 $0x4E00;
	[sflag:s10] =	ssyncadd.s32 @!p0 $0xFFFFFF00  }
0x30: {  	[tilespmem:s12], [sflag:$0x1] =	stream.indirect.gather @!p0 [spmem:s3], $0x10, s9, s11, $0xb8;
	[tilespmem:$0x11C20] =	vst v63  }
0x31: {  	s9 =	simm.s32 @!p0 $0x1  }
0x32: {  	_ =	swait.ge @!p0 [sflag:s9], $0x800  }
0x33: {  	[sflag:s9] =	ssyncset.done @!p0 $0x0  }
0x34: {  	[sflag:s9] =	ssyncadd.s32 @!p0 $0xFFFFF800  }
0x35: {  	[spmem:s2] =	stream.indirect.scatter.add.f32 @!p0 [tilespmem:s12], [sflag:$0xD], $0x10, s11, s11, $0xb8;
	[tilespmem:$0x11C20] =	vst v63  }
0x36: {  	_ =	swait.ge @!p0 [sflag:s10], $0x800  }
0x37: {  	[sflag:s10] =	ssyncset.done @!p0 $0x0  }
0x38: {  	[sflag:s10] =	ssyncadd.s32 @!p0 $0xFFFFF800  }
0x39: {  	[bflag:$0x0] =	sbarrier.arrive $0xFFFF  }
0x3a: {  	[tilespmem:s13], [sflag:$0xD] =	stream.linear.gather [spmem:s6], $0x2800, $0x38;
	[tilespmem:$0x11C20] =	vst v63  }
0x3b: {  	_ =	swait.ge [sflag:s14], $0x2800  }
0x3c: {  	[sflag:s14] =	ssyncset.done $0x0  }
0x3d: {  	s15 =	rddreg [dreg:$0xb];
	[sflag:s14] =	ssyncadd.s32 $0xFFFFD800  }
0x3e: {  	[hbm4b:s15+s4] =	stream.linear.scatter [tilespmem:s13], [sflag:$0xD], $0x2800, $0x38;
	[tilespmem:$0x11C20] =	vst v63  }
0x3f: {  	_ =	swait.ge [sflag:s14], $0x2800  }
0x40: {  	s8 =	sadd.s32 $0x1, s8;
	s28 =	rddreg [dreg:$0xc]  }
0x41: {  	p1 =	sne.s32 s8, s28  }
.Ltmp1:
0x42: {  	_ = 	snop;
	(pc) =	sbr.rel @!p1 .LBB2_5-.Ltmp1, $3  }
0x43: {  	_ =	sdelay $0x1  }
0x44: {  	[sflag:s14] =	ssyncset.done $0x0  }
0x45: {  	[sflag:s14] =	ssyncadd.s32 $0xFFFFD800  }
.LBB2_1:
0x46: {  	s9 =	rddreg [dreg:$0x6]  }
0x47: {  	[tilespmem:s13], [sflag:$0xD] =	stream.linear.gather [hbm4b:s9+s4], $0x2800, $0x38;
	[tilespmem:$0x11C20] =	vst v63  }
0x48: {  	_ =	swait.ge [sflag:s14], $0x2800  }
0x49: {  	[sflag:s14] =	ssyncset.done $0x0  }
0x4a: {  	[sflag:s14] =	ssyncadd.s32 $0xFFFFD800  }
0x4b: {  	[spmem:s6] =	stream.linear.scatter [tilespmem:s13], [sflag:$0xD], $0x2800, $0x38;
	[tilespmem:$0x11C20] =	vst v63  }
0x4c: {  	_ =	swait.ge [sflag:s14], $0x2800  }
0x4d: {  	[sflag:s14] =	ssyncset.done $0x0  }
0x4e: {  	s10 =	simm.s32 $0xA600;
	s15 =	rddreg [dreg:$0x7];
	[sflag:s14] =	ssyncadd.s32 $0xFFFFD800  }
0x4f: {  	[tilespmem:s10], [sflag:$0xD] =	stream.linear.gather [hbm4b:s15+s4], $0x2710, $0x38;
	[tilespmem:$0x11C20] =	vst v63  }
0x50: {  	_ =	swait.ge [sflag:s14], $0x2710  }
0x51: {  	[sflag:s14] =	ssyncset.done $0x0  }
0x52: {  	s28 =	rddreg [dreg:$0x8];
	[sflag:s14] =	ssyncadd.s32 $0xFFFFD8F0  }
0x53: {  	[spmem:s28] =	stream.linear.scatter [tilespmem:s10], [sflag:$0xD], $0x2710, $0x38;
	[tilespmem:$0x11C20] =	vst v63  }
0x54: {  	_ =	swait.ge [sflag:s14], $0x2710  }
0x55: {  	[sflag:s14] =	ssyncset.done $0x0  }
0x56: {  	s10 =	rddreg [dreg:$0x9];
	[sflag:s14] =	ssyncadd.s32 $0xFFFFD8F0  }
0x57: {  	[tilespmem:s4], [sflag:$0xD] =	stream.linear.gather [hbm4b:s10+s4], $0x4E00, $0x38;
	[tilespmem:$0x11C20] =	vst v63  }
0x58: {  	_ =	swait.ge [sflag:s14], $0x4E00  }
0x59: {  	[sflag:s14] =	ssyncset.done $0x0  }
0x5a: {  	[sflag:s14] =	ssyncadd.s32 $0xFFFFB200  }
0x5b: {  	[bflag:$0x0] =	sbarrier.arrive $0xFFFF  }
0x5c: {  	[tilespmem:s17], [sflag:$0x1] =	stream.indirect.gather [spmem:s3], $0x10, s4, s16, $0xb8;
	[tilespmem:$0x11C20] =	vst v63  }
0x5d: {  	s11 =	simm.s32 $0x100  }
0x5e: {  	[tilespmem:s19], [sflag:$0x2] =	stream.indirect.gather [spmem:s3], $0x10, s11, s16, $0xb8;
	[tilespmem:$0x11C20] =	vst v63  }
0x5f: {  	s12 =	simm.s32 $0x200  }
0x60: {  	[tilespmem:s21], [sflag:$0x3] =	stream.indirect.gather [spmem:s3], $0x10, s12, s16, $0xb8;
	[tilespmem:$0x11C20] =	vst v63  }
0x61: {  	_ =	swait.ge [sflag:s22], $0x800  }
0x62: {  	[sflag:s22] =	ssyncset.done $0x0  }
0x63: {  	[sflag:s22] =	ssyncadd.s32 $0xFFFFF800  }
0x64: {  	[spmem:s2] =	stream.indirect.scatter.add.f32 [tilespmem:s17], [sflag:$0x7], $0x10, s16, s16, $0xb8;
	[tilespmem:$0x11C20] =	vst v63  }
0x65: {  	s15 =	simm.s32 $0x300  }
0x66: {  	[tilespmem:s24], [sflag:$0x4] =	stream.indirect.gather [spmem:s3], $0x10, s15, s16, $0xb8;
	[tilespmem:$0x11C20] =	vst v63  }
0x67: {  	_ =	swait.ge [sflag:s25], $0x800  }
0x68: {  	[sflag:s25] =	ssyncset.done $0x0  }
0x69: {  	s28 =	simm.s32 $0x180;
	[sflag:s25] =	ssyncadd.s32 $0xFFFFF800  }
0x6a: {  	[spmem:s2] =	stream.indirect.scatter.add.f32 [tilespmem:s19], [sflag:$0x8], $0x10, s28, s16, $0xb8;
	[tilespmem:$0x11C20] =	vst v63  }
0x6b: {  	s10 =	simm.s32 $0x400  }
0x6c: {  	[tilespmem:s29], [sflag:$0x5] =	stream.indirect.gather [spmem:s3], $0x10, s10, s16, $0xb8;
	[tilespmem:$0x11C20] =	vst v63  }
0x6d: {  	_ =	swait.ge [sflag:s30], $0x800  }
0x6e: {  	[sflag:s30] =	ssyncset.done $0x0  }
0x6f: {  	s11 =	simm.s32 $0x280;
	[sflag:s30] =	ssyncadd.s32 $0xFFFFF800  }
0x70: {  	[spmem:s2] =	stream.indirect.scatter.add.f32 [tilespmem:s21], [sflag:$0x9], $0x10, s11, s16, $0xb8;
	[tilespmem:$0x11C20] =	vst v63  }
0x71: {  	s12 =	simm.s32 $0x500  }
0x72: {  	[tilespmem:s0], [sflag:$0x6] =	stream.indirect.gather [spmem:s3], $0x10, s12, s16, $0xb8;
	[tilespmem:$0x11C20] =	vst v63  }
0x73: {  	_ =	swait.ge [sflag:s18], $0x800  }
0x74: {  	[sflag:s18] =	ssyncset.done $0x0  }
0x75: {  	s15 =	simm.s32 $0x380;
	[sflag:s18] =	ssyncadd.s32 $0xFFFFF800  }
0x76: {  	[spmem:s2] =	stream.indirect.scatter.add.f32 [tilespmem:s24], [sflag:$0xA], $0x10, s15, s16, $0xb8;
	[tilespmem:$0x11C20] =	vst v63  }
0x77: {  	_ =	swait.ge [sflag:s23], $0x800  }
0x78: {  	[sflag:s23] =	ssyncset.done $0x0  }
0x79: {  	s28 =	simm.s32 $0x600;
	s10 =	simm.s32 $0x5;
	[sflag:s23] =	ssyncadd.s32 $0xFFFFF800  }
0x7a: {  	[tilespmem:s17], [sflag:$0x1] =	stream.indirect.gather [spmem:s3], $0x10, s28, s16, $0xb8;
	[tilespmem:$0x11C20] =	vst v63  }
0x7b: {  	_ =	swait.ge [sflag:s10], $0x800  }
0x7c: {  	[sflag:s10] =	ssyncset.done $0x0  }
0x7d: {  	s11 =	simm.s32 $0x480;
	[sflag:s10] =	ssyncadd.s32 $0xFFFFF800  }
0x7e: {  	[spmem:s2] =	stream.indirect.scatter.add.f32 [tilespmem:s29], [sflag:$0xB], $0x10, s11, s16, $0xb8;
	[tilespmem:$0x11C20] =	vst v63  }
0x7f: {  	_ =	swait.ge [sflag:s1], $0x800  }
0x80: {  	[sflag:s1] =	ssyncset.done $0x0  }
0x81: {  	s12 =	simm.s32 $0x700;
	[sflag:s1] =	ssyncadd.s32 $0xFFFFF800  }
0x82: {  	[tilespmem:s19], [sflag:$0x2] =	stream.indirect.gather [spmem:s3], $0x10, s12, s16, $0xb8;
	[tilespmem:$0x11C20] =	vst v63  }
0x83: {  	_ =	swait.ge [sflag:s26], $0x800  }
0x84: {  	[sflag:s26] =	ssyncset.done $0x0  }
0x85: {  	s15 =	simm.s32 $0x580;
	[sflag:s26] =	ssyncadd.s32 $0xFFFFF800  }
0x86: {  	[spmem:s2] =	stream.indirect.scatter.add.f32 [tilespmem:s0], [sflag:$0xC], $0x10, s15, s16, $0xb8;
	[tilespmem:$0x11C20] =	vst v63  }
0x87: {  	_ =	swait.ge [sflag:s20], $0x800  }
0x88: {  	[sflag:s20] =	ssyncset.done $0x0  }
0x89: {  	s9 =	simm.s32 $0x0;
	s28 =	simm.s32 $0x800;
	[sflag:s20] =	ssyncadd.s32 $0xFFFFF800  }
0x8a: {  	[tilespmem:s21], [sflag:$0x3] =	stream.indirect.gather [spmem:s3], $0x10, s28, s16, $0xb8;
	[tilespmem:$0x11C20] =	vst v63  }
.LBB2_2:
0x8b: {  	_ =	swait.ge [sflag:s22], $0x800  }
0x8c: {  	s10 =	sshra.s32 s9, $0x2;
	[sflag:s22] =	ssyncset.done $0x0  }
0x8d: {  	s11 =	sadd.s32 $0x680, s10;
	[sflag:s22] =	ssyncadd.s32 $0xFFFFF800  }
0x8e: {  	[spmem:s2] =	stream.indirect.scatter.add.f32 [tilespmem:s17], [sflag:$0x7], $0x10, s11, s16, $0xb8;
	[tilespmem:$0x11C20] =	vst v63  }
0x8f: {  	_ =	swait.ge [sflag:s31], $0x800  }
0x90: {  	[sflag:s31] =	ssyncset.done $0x0  }
0x91: {  	s28 =	sadd.s32 $0x900, s10;
	[sflag:s31] =	ssyncadd.s32 $0xFFFFF800  }
0x92: {  	[tilespmem:s24], [sflag:$0x4] =	stream.indirect.gather [spmem:s3], $0x10, s28, s16, $0xb8;
	[tilespmem:$0x11C20] =	vst v63  }
0x93: {  	_ =	swait.ge [sflag:s25], $0x800  }
0x94: {  	[sflag:s25] =	ssyncset.done $0x0  }
0x95: {  	s12 =	sadd.s32 $0x780, s10;
	[sflag:s25] =	ssyncadd.s32 $0xFFFFF800  }
0x96: {  	[spmem:s2] =	stream.indirect.scatter.add.f32 [tilespmem:s19], [sflag:$0x8], $0x10, s12, s16, $0xb8;
	[tilespmem:$0x11C20] =	vst v63  }
0x97: {  	_ =	swait.ge [sflag:s5], $0x800  }
0x98: {  	[sflag:s5] =	ssyncset.done $0x0  }
0x99: {  	s15 =	sadd.s32 $0xA00, s10;
	[sflag:s5] =	ssyncadd.s32 $0xFFFFF800  }
0x9a: {  	[tilespmem:s29], [sflag:$0x5] =	stream.indirect.gather [spmem:s3], $0x10, s15, s16, $0xb8;
	[tilespmem:$0x11C20] =	vst v63  }
0x9b: {  	_ =	swait.ge [sflag:s30], $0x800  }
0x9c: {  	[sflag:s30] =	ssyncset.done $0x0  }
0x9d: {  	s28 =	sadd.s32 $0x880, s10;
	[sflag:s30] =	ssyncadd.s32 $0xFFFFF800  }
0x9e: {  	[spmem:s2] =	stream.indirect.scatter.add.f32 [tilespmem:s21], [sflag:$0x9], $0x10, s28, s16, $0xb8;
	[tilespmem:$0x11C20] =	vst v63  }
0x9f: {  	_ =	swait.ge [sflag:s7], $0x800  }
0xa0: {  	[sflag:s7] =	ssyncset.done $0x0  }
0xa1: {  	s12 =	sadd.s32 $0xB00, s10;
	[sflag:s7] =	ssyncadd.s32 $0xFFFFF800  }
0xa2: {  	[tilespmem:s0], [sflag:$0x6] =	stream.indirect.gather [spmem:s3], $0x10, s12, s16, $0xb8;
	[tilespmem:$0x11C20] =	vst v63  }
0xa3: {  	_ =	swait.ge [sflag:s18], $0x800  }
0xa4: {  	p1 =	seq.s32 s9, $0x10800;
	[sflag:s18] =	ssyncset.done $0x0  }
0xa5: {  	s11 =	simm.s32 @p1 $0x5;
	s15 =	sadd.s32 $0x980, s10;
	[sflag:s18] =	ssyncadd.s32 $0xFFFFF800  }
0xa6: {  	[spmem:s2] =	stream.indirect.scatter.add.f32 [tilespmem:s24], [sflag:$0xA], $0x10, s15, s16, $0xb8;
	[tilespmem:$0x11C20] =	vst v63  }
0xa7: {  	_ =	swait.ge @p1 [sflag:s11], $0x800  }
0xa8: {  	[sflag:s11] =	ssyncset.done @p1 $0x0  }
0xa9: {  	[sflag:s11] =	ssyncadd.s32 @p1 $0xFFFFF800;
	s11 =	sshra.s32 @p1 s9, $0x2  }
0xaa: {  	s12 =	simm.s32 @p1 $0x6E00;
	s15 =	simm.s32 @p1 $0x80;
	s11 =	sadd.s32 @p1 $0xA80, s11  }
0xab: {  	[spmem:s2] =	stream.indirect.scatter.add.f32 @p1 [tilespmem:s12], [sflag:$0xB], $0x10, s11, s15, $0xb8;
	[tilespmem:$0x11C20] =	vst v63  }
0xac: {  	s11 =	simm.s32 @!p1 $0x7  }
0xad: {  	_ =	swait.ge @!p1 [sflag:s11], $0x800  }
0xae: {  	[sflag:s11] =	ssyncset.done @!p1 $0x0  }
0xaf: {  	[sflag:s11] =	ssyncadd.s32 @!p1 $0xFFFFF800;
	s11 =	sshra.s32 @!p1 s9, $0x2  }
0xb0: {  	s28 =	simm.s32 @!p1 $0x4E00;
	s15 =	simm.s32 @!p1 $0x80;
	s12 =	sadd.s32 @!p1 $0xC00, s11  }
0xb1: {  	[tilespmem:s28], [sflag:$0x1] =	stream.indirect.gather @!p1 [spmem:s3], $0x10, s12, s15, $0xb8;
	[tilespmem:$0x11C20] =	vst v63  }
0xb2: {  	s12 =	simm.s32 @!p1 $0x5  }
0xb3: {  	_ =	swait.ge @!p1 [sflag:s12], $0x800  }
0xb4: {  	[sflag:s12] =	ssyncset.done @!p1 $0x0  }
0xb5: {  	s28 =	simm.s32 @!p1 $0x6E00;
	[sflag:s12] =	ssyncadd.s32 @!p1 $0xFFFFF800;
	s12 =	sadd.s32 @!p1 $0xA80, s11  }
0xb6: {  	[spmem:s2] =	stream.indirect.scatter.add.f32 @!p1 [tilespmem:s28], [sflag:$0xB], $0x10, s12, s15, $0xb8;
	[tilespmem:$0x11C20] =	vst v63  }
0xb7: {  	s12 =	simm.s32 @!p1 $0x8  }
0xb8: {  	_ =	swait.ge @!p1 [sflag:s12], $0x800  }
0xb9: {  	[sflag:s12] =	ssyncset.done @!p1 $0x0  }
0xba: {  	s11 =	sadd.s32 @!p1 $0xD00, s11;
	[sflag:s12] =	ssyncadd.s32 @!p1 $0xFFFFF800;
	s12 =	simm.s32 @!p1 $0x5600  }
0xbb: {  	[tilespmem:s12], [sflag:$0x2] =	stream.indirect.gather @!p1 [spmem:s3], $0x10, s11, s15, $0xb8;
	[tilespmem:$0x11C20] =	vst v63  }
.Ltmp2:
0xbc: {  	_ = 	snop;
	(pc) =	sbr.rel @p1 .LBB2_4-.Ltmp2, $4  }
0xbd: {  	_ =	swait.ge [sflag:s26], $0x800  }
0xbe: {  	[sflag:s26] =	ssyncset.done $0x0  }
0xbf: {  	s28 =	sadd.s32 $0xB80, s10;
	[sflag:s26] =	ssyncadd.s32 $0xFFFFF800  }
0xc0: {  	[spmem:s2] =	stream.indirect.scatter.add.f32 [tilespmem:s0], [sflag:$0xC], $0x10, s28, s16, $0xb8;
	[tilespmem:$0x11C20] =	vst v63  }
.Ltmp3:
0xc1: {  	(pc) =	sbr.rel .LBB2_2-.Ltmp3, $4  }
0xc2: {  	_ =	swait.ge [sflag:s20], $0x800  }
0xc3: {  	[sflag:s20] =	ssyncset.done $0x0  }
0xc4: {  	s10 =	sadd.s32 $0xE00, s10;
	s9 =	sadd.s32 $0x1800, s9;
	[sflag:s20] =	ssyncadd.s32 $0xFFFFF800  }
0xc5: {  	[tilespmem:s21], [sflag:$0x3] =	stream.indirect.gather [spmem:s3], $0x10, s10, s16, $0xb8;
	[tilespmem:$0x11C20] =	vst v63  }
.LBB2_5:
0xc6: {  	_ =	sfence.sel $0x180000  }
0xc7: {  	[bflag:$0x0] =	sbarrier.arrive $0xFFFF  }
0xc8: {  	_ =	strace $0x9000004A  }
0xc9: {  	s0 =	stileid.u32;
	[bflag:$0x2] =	sbarrier.arrive $0xFFFF  }
0xca: {  	p0 =	sne.s32 s0, $0x0;
	s0 =	rddreg [dreg:$0x5]  }
0xcb: {  	s0 =	sadd.s32 @!p0 $0x100000, s0  }
0xcc: {  	[sflag:s0] =	ssyncadd.tile.s32 @!p0 $0x1;
	_ =	shalt  }
.Lfunc_end2:
_tile_overlayer_lowered:
.L_overlay_start_2:
0xcd: {  	(tag) =	ssettag $0x2  }
0xce: {  	s0 =	rddreg [dreg:$0x0];
	s2 =	stileid.u32  }
0xcf: {  	s1 =	rddreg [dreg:$0x1];
	p0 =	sne.s32 s2, $0x0  }
0xd0: {  	s3 =	rddreg [dreg:$0x2];
	[bflag:$0x3] =	sbarrier.arrive $0xFFFF;
	s2 =	simm.s32 @!p0 $0x1C0D  }
0xd1: {  	[timem:s3], [sflag:s2] =	dma.local @!p0 [hbm:s0], s1  }
0xd2: {  	s0 =	simm.s32 @!p0 $0xD  }
0xd3: {  	_ =	swait.ge @!p0 [sflag:s0], s1  }
0xd4: {  	s1 =	ssub.s32 @!p0 $0x0, s1;
	[sflag:s0] =	ssyncset.done @!p0 $0x0  }
0xd5: {  	[sflag:s0] =	ssyncadd.s32 @!p0 s1  }
0xd6: {  	[bflag:$0x3] =	sbarrier.arrive $0xFFFF  }
0xd7: {  	_ =	shalt  }

// kernel: kernel.15.cloned.1.call-start
scs
__scs_entry_jumppad:
0x0: {  	(pc) =	sbr.rel $0x88, $3  }
0x1: {  	(tag) =	ssettag $0x0;
	lr =	simm.s32 $0x1  }
0x2: {  	[smem:$0x3F9D] =	sst lr;
	_ =	strace $0xD0000000  }
0x3: {  	_ = 	snop  }
0x4: {  	_ = 	snop  }
0x5: {  	_ = 	snop  }
0x6: {  	_ = 	snop  }
0x7: {  	_ = 	snop  }
__scs_overlays_trampoline_lowered:
0x8: {  	[smem:$0x3FAC] =	sst s0  }
0x9: {  	[smem:$0x3FAD] =	sst s1  }
0xa: {  	[smem:$0x3FAE] =	sst s2  }
0xb: {  	[smem:$0x3FAF] =	sst s3  }
0xc: {  	[smem:$0x3FB0] =	sst s4  }
0xd: {  	[smem:$0x3FB1] =	sst s5  }
0xe: {  	[smem:$0x3FB2] =	sst s6  }
0xf: {  	[smem:$0x3FB3] =	sst s7  }
0x10: {  	[smem:$0x3FB4] =	sst s8  }
0x11: {  	[smem:$0x3FB5] =	sst s9;
	s0 =	simm.s32 @!p0 $0x0  }
0x12: {  	s1 =	sld [smem:$0x3F9B];
	s0 =	simm.s32 @p0 $0x1  }
0x13: {  	[smem:$0x3FB6] =	sst s0;
	s0 =	simm.s32 @!p1 $0x0  }
0x14: {  	s2 =	sld [smem:$0x3F9A];
	s0 =	simm.s32 @p1 $0x1  }
0x15: {  	[smem:$0x3FB7] =	sst s0;
	s0 =	simm.s32 @!p2 $0x0  }
0x16: {  	s3 =	sld [smem:$0x3FDB];
	s0 =	simm.s32 @p2 $0x1  }
0x17: {  	s4 =	simm.s32 $0x1BF5;
	[smem:$0x3FB9] =	sst s0  }
0x18: {  	s0 =	sld [smem:$0x3F9C];
	_ =	swait.ge [sflag:s4], $0x0  }
0x19: {  	s7 =	sld [smem:$0x3F9D]  }
0x1a: {  	s8 =	sadd.s32 $0xFFFFE003, lr  }
0x1b: {  	s9 =	sadd.s32 $0xFFFFFEF7, lr;
	s5 =	simm.s32 $0xFFFFFFFF;
	p2 =	slt.u32 s8, $0xFFFFF086  }
0x1c: {  	p1 =	slt.u32 s9, $0xF7A;
	s5 =	simm.s32 @!p2 $0x0  }
0x1d: {  	s5 =	simm.s32 @p1 $0x1;
	p0 =	seq.s32 s7, s2  }
0x1e: {  	s7 =	smul.u32 @!p0 $0xF7A, s2;
	p2 =	seq.s32 @!p0 s5, $0x0  }
0x1f: {  	s9 =	smul.u32 $0xF7A, s1;
	s8 =	simm.s32 @!p0 $0x1BF5;
	p2 =	por !p2, p0  }
0x20: {  	[sflag:s8] =	ssyncset.s32 @!p0 $0xFFFFF086;
	s6 =	sadd.s32 @!p0 s3, s7;
	s7 =	simm.s32 @!p0 $0x108  }
0x21: {  	s3 =	sadd.s32 s3, s9;
	s6 =	sadd.s32 @!p0 $0x88, s6;
	s7 =	simm.s32 @p2 $0x1082  }
0x22: {  	[simem:s7], [sflag:s8] =	dma.local @!p0 [hbm:s6], $0xF7A  }
0x23: {  	s9 =	sor.u32 $0xD0000000, s2;
	s6 =	simm.s32 $0x108;
	_ =	swait.ge @!p0 [sflag:s8], $0x0  }
0x24: {  	s3 =	sadd.s32 $0x88, s3;
	s6 =	simm.s32 @!p1 $0x1082;
	[sflag:s4] =	ssyncset.s32 $0xFFFFF086  }
0x25: {  	[simem:s6], [sflag:s4] =	dma.local [hbm:s3], $0xF7A  }
0x26: {  	[smem:$0x3F9D] =	sst s1;
	(tag) =	ssettag s2;
	_ =	strace s9  }
0x27: {  	s1 =	sld [smem:$0x3FAD]  }
0x28: {  	s2 =	sld [smem:$0x3FAE]  }
0x29: {  	s4 =	sld [smem:$0x3FB0]  }
0x2a: {  	p0 =	seq.s32 s5, $0x0;
	s5 =	sld [smem:$0x3FB1]  }
0x2b: {  	s6 =	sld [smem:$0x3FB2]  }
0x2c: {  	s7 =	sld [smem:$0x3FB3]  }
0x2d: {  	s3 =	simm.s32 $0x108;
	s8 =	sld [smem:$0x3FB4]  }
0x2e: {  	s3 =	simm.s32 @!p0 $0x1082;
	s9 =	sld [smem:$0x3FB5]  }
0x2f: {  	lr =	sadd.s32 s0, s3;
	s0 =	sld [smem:$0x3FAC]  }
0x30: {  	s3 =	sld [smem:$0x3FAF]  }
0x31: {  	[smem:$0x3FB8] =	sst s10  }
0x32: {  	s10 =	sld [smem:$0x3FB6];
	_ =	sdelay $0x3  }
0x33: {  	p0 =	seq.s32 s10, $0x1;
	s10 =	sld [smem:$0x3FB8];
	_ =	sdelay $0x3  }
0x34: {  	[smem:$0x3FB8] =	sst s10  }
0x35: {  	s10 =	sld [smem:$0x3FB7];
	_ =	sdelay $0x3  }
0x36: {  	p1 =	seq.s32 s10, $0x1;
	s10 =	sld [smem:$0x3FB8];
	_ =	sdelay $0x3  }
0x37: {  	[smem:$0x3FB8] =	sst s10  }
0x38: {  	s10 =	sld [smem:$0x3FB9]  }
0x39: {  	_ = 	snop;
	(pc) =	sbr.ind lr, $3  }
0x3a: {  	_ = 	snop  }
0x3b: {  	_ = 	snop  }
0x3c: {  	p2 =	seq.s32 s10, $0x1;
	s10 =	sld [smem:$0x3FB8]  }
0x3d: {  	_ =	shalt  }
0x3e: {  	_ =	shalt  }
0x3f: {  	_ =	shalt  }
0x40: {  	_ =	shalt  }
0x41: {  	_ =	shalt  }
0x42: {  	_ =	shalt  }
0x43: {  	_ =	shalt  }
0x44: {  	_ =	shalt  }
0x45: {  	_ =	shalt  }
0x46: {  	_ =	shalt  }
0x47: {  	_ =	shalt  }
0x48: {  	_ =	shalt  }
0x49: {  	_ =	shalt  }
0x4a: {  	_ =	shalt  }
0x4b: {  	_ =	shalt  }
0x4c: {  	_ =	shalt  }
0x4d: {  	_ =	shalt  }
0x4e: {  	_ =	shalt  }
0x4f: {  	_ =	shalt  }
0x50: {  	_ =	shalt  }
0x51: {  	_ =	shalt  }
0x52: {  	_ =	shalt  }
0x53: {  	_ =	shalt  }
0x54: {  	_ =	shalt  }
0x55: {  	_ =	shalt  }
0x56: {  	_ =	shalt  }
0x57: {  	_ =	shalt  }
0x58: {  	_ =	shalt  }
0x59: {  	_ =	shalt  }
0x5a: {  	_ =	shalt  }
0x5b: {  	_ =	shalt  }
0x5c: {  	_ =	shalt  }
0x5d: {  	_ =	shalt  }
0x5e: {  	_ =	shalt  }
0x5f: {  	_ =	shalt  }
0x60: {  	_ =	shalt  }
0x61: {  	_ =	shalt  }
0x62: {  	_ =	shalt  }
0x63: {  	_ =	shalt  }
0x64: {  	_ =	shalt  }
0x65: {  	_ =	shalt  }
0x66: {  	_ =	shalt  }
0x67: {  	_ =	shalt  }
0x68: {  	_ =	shalt  }
0x69: {  	_ =	shalt  }
0x6a: {  	_ =	shalt  }
0x6b: {  	_ =	shalt  }
0x6c: {  	_ =	shalt  }
0x6d: {  	_ =	shalt  }
0x6e: {  	_ =	shalt  }
0x6f: {  	_ =	shalt  }
0x70: {  	_ =	shalt  }
0x71: {  	_ =	shalt  }
0x72: {  	_ =	shalt  }
0x73: {  	_ =	shalt  }
0x74: {  	_ =	shalt  }
0x75: {  	_ =	shalt  }
0x76: {  	_ =	shalt  }
0x77: {  	_ =	shalt  }
0x78: {  	_ =	shalt  }
0x79: {  	_ =	shalt  }
0x7a: {  	_ =	shalt  }
0x7b: {  	_ =	shalt  }
0x7c: {  	_ =	shalt  }
0x7d: {  	_ =	shalt  }
0x7e: {  	_ =	shalt  }
0x7f: {  	_ =	shalt  }
0x80: {  	_ =	shalt  }
0x81: {  	_ =	shalt  }
0x82: {  	_ =	shalt  }
0x83: {  	_ =	shalt  }
0x84: {  	_ =	shalt  }
0x85: {  	_ =	shalt  }
0x86: {  	_ =	shalt  }
0x87: {  	_ =	shalt  }
.Lfunc_end0:
.L_simem_size_0:
called_computation.2_lowered:
.L_overlay_start_0:
0x88: {  	s2 =	sld [smem:$0x3FD9]  }
0x89: {  	s3 =	sld [smem:$0x3FFE];
	_ =	sdelay $0x1  }
0x8a: {  	s1 =	srdreg.scid  }
0x8b: {  	s0 =	sand.u32 $0x1, s1  }
0x8c: {  	s17 =	sshll.u32 s0, $0xA;
	s2 =	sadd.s32 s3, s2  }
0x8d: {  	s2 =	sadd.s32 s2, s17  }
0x8e: {  	[smem:$0x3FC4] =	sst s2  }
0x8f: {  	_ = 	snop  }
0x90: {  	s2 =	sld [smem:$0x3FC8]  }
0x91: {  	s18 =	sld [smem:$0x3FD0];
	(tm) =	ssettm $0x1  }
0x92: {  	s4 =	sld [smem:$0x3FFB];
	_ =	sdelay $0x3  }
0x93: {  	_ =	strace s4  }
0x94: {  	s4 =	sld [smem:$0x3FFC];
	_ =	sdelay $0x3  }
0x95: {  	_ =	strace s4  }
0x96: {  	s4 =	sld [smem:$0x3FFD];
	_ =	sdelay $0x3  }
0x97: {  	_ =	strace s4  }
0x98: {  	_ =	strace $0x8FFFFFFF  }
0x99: {  	s19 =	sld [smem:$0x3FDB];
	_ =	sdelay $0x1  }
0x9a: {  	s5 =	simm.s32 $_scs_section_size  }
0x9b: {  	s6 =	simm.s32 $_size__tile_overlayer_lowered;
	s7 =	simm.s32 $_tile_overlayer_lowered  }
0x9c: {  	s22 =	simm.s32 $0x1BFF;
	s21 =	sshll.u32 s7, $0x1;
	s4 =	sadd.s32 s5, s19  }
0x9d: {  	s8 =	simm.s32 $0x0;
	s20 =	sshll.u32 s6, $0x1;
	s6 =	sadd.s32 s21, s4  }
0x9e: {  	[timem:s8], [sflag:s22] =	dma.local [hbm:s6], s20  }
0x9f: {  	_ =	swait.ge [sflag:s22], s20  }
0xa0: {  	s5 =	ssub.s32 $0x0, s20;
	[sflag:s22] =	ssyncset.done $0x0  }
0xa1: {  	[sflag:s22] =	ssyncadd.s32 s5;
	_ =	sdelay $0x1  }
0xa2: {  	s23 =	simm.s32 $0x1B8B  }
0xa3: {  	_ =	swait.ge [sflag:s23], $0x1  }
0xa4: {  	[sflag:s23] =	ssyncset.done $0x0  }
0xa5: {  	s25 =	simm.s32 $0x1B8E;
	s24 =	sld [smem:$0x3FFE];
	[sflag:s23] =	ssyncadd.s32 $0xFFFFFFFF  }
0xa6: {  	s26 =	simm.s32 $execute0_lowered;
	[smem:$0x3FD2] =	sst s25  }
0xa7: {  	s6 =	sshll.u32 s26, $0x1;
	_ =	strace $0x8000004C;
	[dreg:$0x1] =	wrdreg $0xFFFFFFFF  }
0xa8: {  	s28 =	simm.s32 $_size_execute0_lowered;
	s4 =	sadd.s32 s4, s6;
	[dreg:$0x0] =	wrdreg $0x0  }
0xa9: {  	s6 =	sshll.u32 s28, $0x1;
	[dreg:$0x2] =	wrdreg s4  }
0xaa: {  	[dreg:$0x3] =	wrdreg s6  }
0xab: {  	[dreg:$0x4] =	wrdreg $0xC0  }
0xac: {  	_ =	task [dreg:s8], $0x5FFFF  }
0xad: {  	[dreg:$0x1] =	wrdreg $0xFFFFFFFF  }
0xae: {  	[dreg:$0x0] =	wrdreg $0x60  }
0xaf: {  	[dreg:$0x2] =	wrdreg s2  }
0xb0: {  	[dreg:$0x3] =	wrdreg s18  }
0xb1: {  	[dreg:$0x4] =	wrdreg s24  }
0xb2: {  	[dreg:$0x5] =	wrdreg $0xCD100  }
0xb3: {  	[dreg:$0x6] =	wrdreg $0xF5100  }
0xb4: {  	[dreg:$0x7] =	wrdreg $0x9  }
0xb5: {  	_ =	task.clear_ibuf [dreg:s8], $0x8FFFF;
	_ =	strace $0x9000004C  }
0xb6: {  	s29 =	simm.s32 $0x9;
	_ =	strace $0x8000004E  }
0xb7: {  	_ =	swait.ge [sflag:s29], $0x1  }
0xb8: {  	[sflag:s29] =	ssyncadd.s32 $0xFFFFFFFF  }
0xb9: {  	_ =	strace $0x9000004E  }
0xba: {  	_ =	sfence  }
0xbb: {  	s30 =	sld [smem:$0x0];
	_ =	sdelay $0x2  }
0xbc: {  	s31 =	sshll.u32 s1, $0xD;
	s1 =	sshrl.u32 s1, $0x2  }
0xbd: {  	s3 =	sand.u32 $0x4000, s31;
	s1 =	sadd.s32 s1, s30  }
0xbe: {  	s0 =	sor.u32 s3, s0;
	s1 =	sshll.u32 s1, $0x11  }
0xbf: {  	s0 =	sor.u32 s1, s0  }
0xc0: {  	s0 =	sadd.s32 $0x8F2B, s0  }
0xc1: {  	[sflag:s0] =	ssyncadd.remote.s32 $0x1  }
0xc2: {  	_ =	sfence.sel $0xFFFF  }
0xc3: {  	[dreg:$0x0] =	wrdreg $0xFFFFFFFF;
	(pc) =	sbr.abs _section_cstart, $3  }
0xc4: {  	[dreg:$0x1] =	wrdreg $0xFFFFFFFF  }
0xc5: {  	_ =	task.clear_ibuf [dreg:s8], $0x2FFFF;
	_ =	strace $0x9FFFFFFF  }
0xc6: {  	(tm) =	ssettm $0x7FFFFFFF  }
0xc7: {  	_ =	shalt  }
tec
execute0_lowered:
.L_overlay_start_1:
0x0: {  	(tag) =	ssettag $0x1  }
0x1: {  	s0 =	rddreg [dreg:$0x0]  }
0x2: {  	s1 =	rddreg [dreg:$0x1]  }
0x3: {  	s5 =	rddreg [dreg:$0x2]  }
0x4: {  	s2 =	rddreg [dreg:$0x3];
	s4 =	srdreg.scid  }
0x5: {  	s13 =	stileid.u32;
	s3 =	rddreg [dreg:$0x4]  }
0x6: {  	s14 =	simm.s32 $0xD;
	s16 =	simm.s32 $0x80;
	s17 =	simm.s32 $0x4E00  }
0x7: {  	s21 =	simm.s32 $0x5E00;
	s29 =	simm.s32 $0x6E00;
	s30 =	simm.s32 $0x3  }
0x8: {  	s31 =	simm.s32 $0xA;
	s6 =	sand.u32 $0x1, s4;
	s7 =	smul.u32 $0x2800, s13  }
0x9: {  	s4 =	simm.s32 $0x0;
	s9 =	sadd.s32 $0x2000, s5;
	s11 =	smul.u32 $0x2710, s13  }
0xa: {  	s8 =	smul.u32 $0x28000, s6;
	[smem:$0x7FF] =	sst s4;
	s18 =	ssub.s32 $0x2, s6  }
0xb: {  	s6 =	sshll.u32 s6, $0x4;
	_ =	strace $0x8000004D;
	[dreg:$0x6] =	wrdreg s9  }
0xc: {  	s10 =	sshrl.u32 s18, $0x1;
	s20 =	sor.u32 s13, s6;
	s22 =	sshrl.u32 s11, $0x3  }
0xd: {  	s13 =	sshll.u32 s13, $0x5;
	s6 =	sadd.s32 s7, s2;
	s24 =	sadd.s32 s11, s3  }
0xe: {  	s8 =	sadd.s32 s7, s8;
	s19 =	ssub.s32 s18, s10;
	s12 =	smul.u32 $0x9C0, s20  }
0xf: {  	s1 =	sadd.s32 s1, s22;
	s23 =	sadd.s32 s13, s0;
	[dreg:$0x8] =	wrdreg s24  }
0x10: {  	s13 =	simm.s32 $0x7E00;
	s22 =	simm.s32 $0x1;
	s24 =	simm.s32 $0x6600  }
0x11: {  	p0 =	sgt.u32 s20, $0x3;
	s18 =	simm.s32 $0x4;
	s20 =	simm.s32 $0x9  }
0x12: {  	s7 =	simm.s32 $0xC;
	s8 =	sshrl.u32 s8, $0x3;
	[dreg:$0x7] =	wrdreg s1  }
0x13: {  	s25 =	sadd.s32 $0x13800, s23;
	s28 =	smax.u32 s19, $0x1;
	s19 =	simm.s32 $0x5600  }
.Ltmp0:
0x14: {  	s23 =	simm.s32 $0x7;
	s1 =	simm.s32 $0x8;
	(pc) =	sbr.rel .LBB2_1-.Ltmp0, $4  }
0x15: {  	s5 =	sadd.s32 s8, s5;
	s0 =	sadd.s32 s0, s12;
	[dreg:$0xa] =	wrdreg s25  }
0x16: {  	[dreg:$0xc] =	wrdreg s28;
	s25 =	simm.s32 $0x2;
	s8 =	simm.s32 $0x0  }
0x17: {  	[dreg:$0x9] =	wrdreg s0;
	s26 =	sadd.s32 $0x2600, s5;
	s0 =	simm.s32 $0x7600  }
0x18: {  	s5 =	simm.s32 $0xB;
	[dreg:$0xb] =	wrdreg s26;
	s26 =	simm.s32 $0x6  }
.LBB2_4:
0x19: {  	_ =	swait.ge [sflag:s23], $0x800  }
0x1a: {  	[sflag:s23] =	ssyncset.done $0x0  }
0x1b: {  	[sflag:s23] =	ssyncadd.s32 $0xFFFFF800  }
0x1c: {  	_ =	swait.ge [sflag:s1], $0x800  }
0x1d: {  	[sflag:s1] =	ssyncset.done $0x0  }
0x1e: {  	[sflag:s1] =	ssyncadd.s32 $0xFFFFF800  }
0x1f: {  	_ =	swait.ge [sflag:s20], $0x800  }
0x20: {  	[sflag:s20] =	ssyncset.done $0x0  }
0x21: {  	[sflag:s20] =	ssyncadd.s32 $0xFFFFF800  }
0x22: {  	_ =	swait.ge [sflag:s31], $0x800  }
0x23: {  	[sflag:s31] =	ssyncset.done $0x0  }
0x24: {  	[sflag:s31] =	ssyncadd.s32 $0xFFFFF800  }
0x25: {  	_ =	swait.ge [sflag:s5], $0x800  }
0x26: {  	[sflag:s5] =	ssyncset.done $0x0  }
0x27: {  	[sflag:s5] =	ssyncadd.s32 $0xFFFFF800  }
0x28: {  	_ =	swait.ge [sflag:s7], $0x800  }
0x29: {  	[sflag:s7] =	ssyncset.done $0x0  }
0x2a: {  	s9 =	simm.s32 @!p0 $0x0;
	s10 =	rddreg [dreg:$0xa];
	[sflag:s7] =	ssyncadd.s32 $0xFFFFF800  }
0x2b: {  	[tilespmem:s9], [sflag:$0xD] =	stream.linear.gather @!p0 [hbm4b:s10+s9], $0x100, $0x38;
	[tilespmem:$0x11C20] =	vst v63  }
0x2c: {  	s10 =	simm.s32 @!p0 $0xD  }
0x2d: {  	_ =	swait.ge @!p0 [sflag:s10], $0x100  }
0x2e: {  	[sflag:s10] =	ssyncset.done @!p0 $0x0  }
0x2f: {  	s11 =	simm.s32 @!p0 $0x80;
	s12 =	simm.s32 @!p0 $0x4E00;
	[sflag:s10] =	ssyncadd.s32 @!p0 $0xFFFFFF00  }
0x30: {  	[tilespmem:s12], [sflag:$0x1] =	stream.indirect.gather @!p0 [spmem:s3], $0x10, s9, s11, $0xb8;
	[tilespmem:$0x11C20] =	vst v63  }
0x31: {  	s9 =	simm.s32 @!p0 $0x1  }
0x32: {  	_ =	swait.ge @!p0 [sflag:s9], $0x800  }
0x33: {  	[sflag:s9] =	ssyncset.done @!p0 $0x0  }
0x34: {  	[sflag:s9] =	ssyncadd.s32 @!p0 $0xFFFFF800  }
0x35: {  	[spmem:s2] =	stream.indirect.scatter.add.f32 @!p0 [tilespmem:s12], [sflag:$0xD], $0x10, s11, s11, $0xb8;
	[tilespmem:$0x11C20] =	vst v63  }
0x36: {  	_ =	swait.ge @!p0 [sflag:s10], $0x800  }
0x37: {  	[sflag:s10] =	ssyncset.done @!p0 $0x0  }
0x38: {  	[sflag:s10] =	ssyncadd.s32 @!p0 $0xFFFFF800  }
0x39: {  	[bflag:$0x0] =	sbarrier.arrive $0xFFFF  }
0x3a: {  	[tilespmem:s13], [sflag:$0xD] =	stream.linear.gather [spmem:s6], $0x2800, $0x38;
	[tilespmem:$0x11C20] =	vst v63  }
0x3b: {  	_ =	swait.ge [sflag:s14], $0x2800  }
0x3c: {  	[sflag:s14] =	ssyncset.done $0x0  }
0x3d: {  	s15 =	rddreg [dreg:$0xb];
	[sflag:s14] =	ssyncadd.s32 $0xFFFFD800  }
0x3e: {  	[hbm4b:s15+s4] =	stream.linear.scatter [tilespmem:s13], [sflag:$0xD], $0x2800, $0x38;
	[tilespmem:$0x11C20] =	vst v63  }
0x3f: {  	_ =	swait.ge [sflag:s14], $0x2800  }
0x40: {  	s8 =	sadd.s32 $0x1, s8;
	s28 =	rddreg [dreg:$0xc]  }
0x41: {  	p1 =	sne.s32 s8, s28  }
.Ltmp1:
0x42: {  	_ = 	snop;
	(pc) =	sbr.rel @!p1 .LBB2_5-.Ltmp1, $3  }
0x43: {  	_ =	sdelay $0x1  }
0x44: {  	[sflag:s14] =	ssyncset.done $0x0  }
0x45: {  	[sflag:s14] =	ssyncadd.s32 $0xFFFFD800  }
.LBB2_1:
0x46: {  	s9 =	rddreg [dreg:$0x6]  }
0x47: {  	[tilespmem:s13], [sflag:$0xD] =	stream.linear.gather [hbm4b:s9+s4], $0x2800, $0x38;
	[tilespmem:$0x11C20] =	vst v63  }
0x48: {  	_ =	swait.ge [sflag:s14], $0x2800  }
0x49: {  	[sflag:s14] =	ssyncset.done $0x0  }
0x4a: {  	[sflag:s14] =	ssyncadd.s32 $0xFFFFD800  }
0x4b: {  	[spmem:s6] =	stream.linear.scatter [tilespmem:s13], [sflag:$0xD], $0x2800, $0x38;
	[tilespmem:$0x11C20] =	vst v63  }
0x4c: {  	_ =	swait.ge [sflag:s14], $0x2800  }
0x4d: {  	[sflag:s14] =	ssyncset.done $0x0  }
0x4e: {  	s10 =	simm.s32 $0xA600;
	s15 =	rddreg [dreg:$0x7];
	[sflag:s14] =	ssyncadd.s32 $0xFFFFD800  }
0x4f: {  	[tilespmem:s10], [sflag:$0xD] =	stream.linear.gather [hbm4b:s15+s4], $0x2710, $0x38;
	[tilespmem:$0x11C20] =	vst v63  }
0x50: {  	_ =	swait.ge [sflag:s14], $0x2710  }
0x51: {  	[sflag:s14] =	ssyncset.done $0x0  }
0x52: {  	s28 =	rddreg [dreg:$0x8];
	[sflag:s14] =	ssyncadd.s32 $0xFFFFD8F0  }
0x53: {  	[spmem:s28] =	stream.linear.scatter [tilespmem:s10], [sflag:$0xD], $0x2710, $0x38;
	[tilespmem:$0x11C20] =	vst v63  }
0x54: {  	_ =	swait.ge [sflag:s14], $0x2710  }
0x55: {  	[sflag:s14] =	ssyncset.done $0x0  }
0x56: {  	s10 =	rddreg [dreg:$0x9];
	[sflag:s14] =	ssyncadd.s32 $0xFFFFD8F0  }
0x57: {  	[tilespmem:s4], [sflag:$0xD] =	stream.linear.gather [hbm4b:s10+s4], $0x4E00, $0x38;
	[tilespmem:$0x11C20] =	vst v63  }
0x58: {  	_ =	swait.ge [sflag:s14], $0x4E00  }
0x59: {  	[sflag:s14] =	ssyncset.done $0x0  }
0x5a: {  	[sflag:s14] =	ssyncadd.s32 $0xFFFFB200  }
0x5b: {  	[bflag:$0x0] =	sbarrier.arrive $0xFFFF  }
0x5c: {  	[tilespmem:s17], [sflag:$0x1] =	stream.indirect.gather [spmem:s3], $0x10, s4, s16, $0xb8;
	[tilespmem:$0x11C20] =	vst v63  }
0x5d: {  	s11 =	simm.s32 $0x100  }
0x5e: {  	[tilespmem:s19], [sflag:$0x2] =	stream.indirect.gather [spmem:s3], $0x10, s11, s16, $0xb8;
	[tilespmem:$0x11C20] =	vst v63  }
0x5f: {  	s12 =	simm.s32 $0x200  }
0x60: {  	[tilespmem:s21], [sflag:$0x3] =	stream.indirect.gather [spmem:s3], $0x10, s12, s16, $0xb8;
	[tilespmem:$0x11C20] =	vst v63  }
0x61: {  	_ =	swait.ge [sflag:s22], $0x800  }
0x62: {  	[sflag:s22] =	ssyncset.done $0x0  }
0x63: {  	[sflag:s22] =	ssyncadd.s32 $0xFFFFF800  }
0x64: {  	[spmem:s2] =	stream.indirect.scatter.add.f32 [tilespmem:s17], [sflag:$0x7], $0x10, s16, s16, $0xb8;
	[tilespmem:$0x11C20] =	vst v63  }
0x65: {  	s15 =	simm.s32 $0x300  }
0x66: {  	[tilespmem:s24], [sflag:$0x4] =	stream.indirect.gather [spmem:s3], $0x10, s15, s16, $0xb8;
	[tilespmem:$0x11C20] =	vst v63  }
0x67: {  	_ =	swait.ge [sflag:s25], $0x800  }
0x68: {  	[sflag:s25] =	ssyncset.done $0x0  }
0x69: {  	s28 =	simm.s32 $0x180;
	[sflag:s25] =	ssyncadd.s32 $0xFFFFF800  }
0x6a: {  	[spmem:s2] =	stream.indirect.scatter.add.f32 [tilespmem:s19], [sflag:$0x8], $0x10, s28, s16, $0xb8;
	[tilespmem:$0x11C20] =	vst v63  }
0x6b: {  	s10 =	simm.s32 $0x400  }
0x6c: {  	[tilespmem:s29], [sflag:$0x5] =	stream.indirect.gather [spmem:s3], $0x10, s10, s16, $0xb8;
	[tilespmem:$0x11C20] =	vst v63  }
0x6d: {  	_ =	swait.ge [sflag:s30], $0x800  }
0x6e: {  	[sflag:s30] =	ssyncset.done $0x0  }
0x6f: {  	s11 =	simm.s32 $0x280;
	[sflag:s30] =	ssyncadd.s32 $0xFFFFF800  }
0x70: {  	[spmem:s2] =	stream.indirect.scatter.add.f32 [tilespmem:s21], [sflag:$0x9], $0x10, s11, s16, $0xb8;
	[tilespmem:$0x11C20] =	vst v63  }
0x71: {  	s12 =	simm.s32 $0x500  }
0x72: {  	[tilespmem:s0], [sflag:$0x6] =	stream.indirect.gather [spmem:s3], $0x10, s12, s16, $0xb8;
	[tilespmem:$0x11C20] =	vst v63  }
0x73: {  	_ =	swait.ge [sflag:s18], $0x800  }
0x74: {  	[sflag:s18] =	ssyncset.done $0x0  }
0x75: {  	s15 =	simm.s32 $0x380;
	[sflag:s18] =	ssyncadd.s32 $0xFFFFF800  }
0x76: {  	[spmem:s2] =	stream.indirect.scatter.add.f32 [tilespmem:s24], [sflag:$0xA], $0x10, s15, s16, $0xb8;
	[tilespmem:$0x11C20] =	vst v63  }
0x77: {  	_ =	swait.ge [sflag:s23], $0x800  }
0x78: {  	[sflag:s23] =	ssyncset.done $0x0  }
0x79: {  	s28 =	simm.s32 $0x600;
	s10 =	simm.s32 $0x5;
	[sflag:s23] =	ssyncadd.s32 $0xFFFFF800  }
0x7a: {  	[tilespmem:s17], [sflag:$0x1] =	stream.indirect.gather [spmem:s3], $0x10, s28, s16, $0xb8;
	[tilespmem:$0x11C20] =	vst v63  }
0x7b: {  	_ =	swait.ge [sflag:s10], $0x800  }
0x7c: {  	[sflag:s10] =	ssyncset.done $0x0  }
0x7d: {  	s11 =	simm.s32 $0x480;
	[sflag:s10] =	ssyncadd.s32 $0xFFFFF800  }
0x7e: {  	[spmem:s2] =	stream.indirect.scatter.add.f32 [tilespmem:s29], [sflag:$0xB], $0x10, s11, s16, $0xb8;
	[tilespmem:$0x11C20] =	vst v63  }
0x7f: {  	_ =	swait.ge [sflag:s1], $0x800  }
0x80: {  	[sflag:s1] =	ssyncset.done $0x0  }
0x81: {  	s12 =	simm.s32 $0x700;
	[sflag:s1] =	ssyncadd.s32 $0xFFFFF800  }
0x82: {  	[tilespmem:s19], [sflag:$0x2] =	stream.indirect.gather [spmem:s3], $0x10, s12, s16, $0xb8;
	[tilespmem:$0x11C20] =	vst v63  }
0x83: {  	_ =	swait.ge [sflag:s26], $0x800  }
0x84: {  	[sflag:s26] =	ssyncset.done $0x0  }
0x85: {  	s15 =	simm.s32 $0x580;
	[sflag:s26] =	ssyncadd.s32 $0xFFFFF800  }
0x86: {  	[spmem:s2] =	stream.indirect.scatter.add.f32 [tilespmem:s0], [sflag:$0xC], $0x10, s15, s16, $0xb8;
	[tilespmem:$0x11C20] =	vst v63  }
0x87: {  	_ =	swait.ge [sflag:s20], $0x800  }
0x88: {  	[sflag:s20] =	ssyncset.done $0x0  }
0x89: {  	s9 =	simm.s32 $0x0;
	s28 =	simm.s32 $0x800;
	[sflag:s20] =	ssyncadd.s32 $0xFFFFF800  }
0x8a: {  	[tilespmem:s21], [sflag:$0x3] =	stream.indirect.gather [spmem:s3], $0x10, s28, s16, $0xb8;
	[tilespmem:$0x11C20] =	vst v63  }
.LBB2_2:
0x8b: {  	_ =	swait.ge [sflag:s22], $0x800  }
0x8c: {  	s10 =	sshra.s32 s9, $0x2;
	[sflag:s22] =	ssyncset.done $0x0  }
0x8d: {  	s11 =	sadd.s32 $0x680, s10;
	[sflag:s22] =	ssyncadd.s32 $0xFFFFF800  }
0x8e: {  	[spmem:s2] =	stream.indirect.scatter.add.f32 [tilespmem:s17], [sflag:$0x7], $0x10, s11, s16, $0xb8;
	[tilespmem:$0x11C20] =	vst v63  }
0x8f: {  	_ =	swait.ge [sflag:s31], $0x800  }
0x90: {  	[sflag:s31] =	ssyncset.done $0x0  }
0x91: {  	s28 =	sadd.s32 $0x900, s10;
	[sflag:s31] =	ssyncadd.s32 $0xFFFFF800  }
0x92: {  	[tilespmem:s24], [sflag:$0x4] =	stream.indirect.gather [spmem:s3], $0x10, s28, s16, $0xb8;
	[tilespmem:$0x11C20] =	vst v63  }
0x93: {  	_ =	swait.ge [sflag:s25], $0x800  }
0x94: {  	[sflag:s25] =	ssyncset.done $0x0  }
0x95: {  	s12 =	sadd.s32 $0x780, s10;
	[sflag:s25] =	ssyncadd.s32 $0xFFFFF800  }
0x96: {  	[spmem:s2] =	stream.indirect.scatter.add.f32 [tilespmem:s19], [sflag:$0x8], $0x10, s12, s16, $0xb8;
	[tilespmem:$0x11C20] =	vst v63  }
0x97: {  	_ =	swait.ge [sflag:s5], $0x800  }
0x98: {  	[sflag:s5] =	ssyncset.done $0x0  }
0x99: {  	s15 =	sadd.s32 $0xA00, s10;
	[sflag:s5] =	ssyncadd.s32 $0xFFFFF800  }
0x9a: {  	[tilespmem:s29], [sflag:$0x5] =	stream.indirect.gather [spmem:s3], $0x10, s15, s16, $0xb8;
	[tilespmem:$0x11C20] =	vst v63  }
0x9b: {  	_ =	swait.ge [sflag:s30], $0x800  }
0x9c: {  	[sflag:s30] =	ssyncset.done $0x0  }
0x9d: {  	s28 =	sadd.s32 $0x880, s10;
	[sflag:s30] =	ssyncadd.s32 $0xFFFFF800  }
0x9e: {  	[spmem:s2] =	stream.indirect.scatter.add.f32 [tilespmem:s21], [sflag:$0x9], $0x10, s28, s16, $0xb8;
	[tilespmem:$0x11C20] =	vst v63  }
0x9f: {  	_ =	swait.ge [sflag:s7], $0x800  }
0xa0: {  	[sflag:s7] =	ssyncset.done $0x0  }
0xa1: {  	s12 =	sadd.s32 $0xB00, s10;
	[sflag:s7] =	ssyncadd.s32 $0xFFFFF800  }
0xa2: {  	[tilespmem:s0], [sflag:$0x6] =	stream.indirect.gather [spmem:s3], $0x10, s12, s16, $0xb8;
	[tilespmem:$0x11C20] =	vst v63  }
0xa3: {  	_ =	swait.ge [sflag:s18], $0x800  }
0xa4: {  	p1 =	seq.s32 s9, $0x10800;
	[sflag:s18] =	ssyncset.done $0x0  }
0xa5: {  	s11 =	simm.s32 @p1 $0x5;
	s15 =	sadd.s32 $0x980, s10;
	[sflag:s18] =	ssyncadd.s32 $0xFFFFF800  }
0xa6: {  	[spmem:s2] =	stream.indirect.scatter.add.f32 [tilespmem:s24], [sflag:$0xA], $0x10, s15, s16, $0xb8;
	[tilespmem:$0x11C20] =	vst v63  }
0xa7: {  	_ =	swait.ge @p1 [sflag:s11], $0x800  }
0xa8: {  	[sflag:s11] =	ssyncset.done @p1 $0x0  }
0xa9: {  	[sflag:s11] =	ssyncadd.s32 @p1 $0xFFFFF800;
	s11 =	sshra.s32 @p1 s9, $0x2  }
0xaa: {  	s12 =	simm.s32 @p1 $0x6E00;
	s15 =	simm.s32 @p1 $0x80;
	s11 =	sadd.s32 @p1 $0xA80, s11  }
0xab: {  	[spmem:s2] =	stream.indirect.scatter.add.f32 @p1 [tilespmem:s12], [sflag:$0xB], $0x10, s11, s15, $0xb8;
	[tilespmem:$0x11C20] =	vst v63  }
0xac: {  	s11 =	simm.s32 @!p1 $0x7  }
0xad: {  	_ =	swait.ge @!p1 [sflag:s11], $0x800  }
0xae: {  	[sflag:s11] =	ssyncset.done @!p1 $0x0  }
0xaf: {  	[sflag:s11] =	ssyncadd.s32 @!p1 $0xFFFFF800;
	s11 =	sshra.s32 @!p1 s9, $0x2  }
0xb0: {  	s28 =	simm.s32 @!p1 $0x4E00;
	s15 =	simm.s32 @!p1 $0x80;
	s12 =	sadd.s32 @!p1 $0xC00, s11  }
0xb1: {  	[tilespmem:s28], [sflag:$0x1] =	stream.indirect.gather @!p1 [spmem:s3], $0x10, s12, s15, $0xb8;
	[tilespmem:$0x11C20] =	vst v63  }
0xb2: {  	s12 =	simm.s32 @!p1 $0x5  }
0xb3: {  	_ =	swait.ge @!p1 [sflag:s12], $0x800  }
0xb4: {  	[sflag:s12] =	ssyncset.done @!p1 $0x0  }
0xb5: {  	s28 =	simm.s32 @!p1 $0x6E00;
	[sflag:s12] =	ssyncadd.s32 @!p1 $0xFFFFF800;
	s12 =	sadd.s32 @!p1 $0xA80, s11  }
0xb6: {  	[spmem:s2] =	stream.indirect.scatter.add.f32 @!p1 [tilespmem:s28], [sflag:$0xB], $0x10, s12, s15, $0xb8;
	[tilespmem:$0x11C20] =	vst v63  }
0xb7: {  	s12 =	simm.s32 @!p1 $0x8  }
0xb8: {  	_ =	swait.ge @!p1 [sflag:s12], $0x800  }
0xb9: {  	[sflag:s12] =	ssyncset.done @!p1 $0x0  }
0xba: {  	s11 =	sadd.s32 @!p1 $0xD00, s11;
	[sflag:s12] =	ssyncadd.s32 @!p1 $0xFFFFF800;
	s12 =	simm.s32 @!p1 $0x5600  }
0xbb: {  	[tilespmem:s12], [sflag:$0x2] =	stream.indirect.gather @!p1 [spmem:s3], $0x10, s11, s15, $0xb8;
	[tilespmem:$0x11C20] =	vst v63  }
.Ltmp2:
0xbc: {  	_ = 	snop;
	(pc) =	sbr.rel @p1 .LBB2_4-.Ltmp2, $4  }
0xbd: {  	_ =	swait.ge [sflag:s26], $0x800  }
0xbe: {  	[sflag:s26] =	ssyncset.done $0x0  }
0xbf: {  	s28 =	sadd.s32 $0xB80, s10;
	[sflag:s26] =	ssyncadd.s32 $0xFFFFF800  }
0xc0: {  	[spmem:s2] =	stream.indirect.scatter.add.f32 [tilespmem:s0], [sflag:$0xC], $0x10, s28, s16, $0xb8;
	[tilespmem:$0x11C20] =	vst v63  }
.Ltmp3:
0xc1: {  	(pc) =	sbr.rel .LBB2_2-.Ltmp3, $4  }
0xc2: {  	_ =	swait.ge [sflag:s20], $0x800  }
0xc3: {  	[sflag:s20] =	ssyncset.done $0x0  }
0xc4: {  	s10 =	sadd.s32 $0xE00, s10;
	s9 =	sadd.s32 $0x1800, s9;
	[sflag:s20] =	ssyncadd.s32 $0xFFFFF800  }
0xc5: {  	[tilespmem:s21], [sflag:$0x3] =	stream.indirect.gather [spmem:s3], $0x10, s10, s16, $0xb8;
	[tilespmem:$0x11C20] =	vst v63  }
.LBB2_5:
0xc6: {  	_ =	sfence.sel $0x180000  }
0xc7: {  	[bflag:$0x0] =	sbarrier.arrive $0xFFFF  }
0xc8: {  	_ =	strace $0x9000004D  }
0xc9: {  	s0 =	stileid.u32;
	[bflag:$0x2] =	sbarrier.arrive $0xFFFF  }
0xca: {  	p0 =	sne.s32 s0, $0x0;
	s0 =	rddreg [dreg:$0x5]  }
0xcb: {  	s0 =	sadd.s32 @!p0 $0x100000, s0  }
0xcc: {  	[sflag:s0] =	ssyncadd.tile.s32 @!p0 $0x1;
	_ =	shalt  }
.Lfunc_end2:
_tile_overlayer_lowered:
.L_overlay_start_2:
0xcd: {  	(tag) =	ssettag $0x2  }
0xce: {  	s0 =	rddreg [dreg:$0x0];
	s2 =	stileid.u32  }
0xcf: {  	s1 =	rddreg [dreg:$0x1];
	p0 =	sne.s32 s2, $0x0  }
0xd0: {  	s3 =	rddreg [dreg:$0x2];
	[bflag:$0x3] =	sbarrier.arrive $0xFFFF;
	s2 =	simm.s32 @!p0 $0x1C0D  }
0xd1: {  	[timem:s3], [sflag:s2] =	dma.local @!p0 [hbm:s0], s1  }
0xd2: {  	s0 =	simm.s32 @!p0 $0xD  }
0xd3: {  	_ =	swait.ge @!p0 [sflag:s0], s1  }
0xd4: {  	s1 =	ssub.s32 @!p0 $0x0, s1;
	[sflag:s0] =	ssyncset.done @!p0 $0x0  }
0xd5: {  	[sflag:s0] =	ssyncadd.s32 @!p0 s1  }
0xd6: {  	[bflag:$0x3] =	sbarrier.arrive $0xFFFF  }
0xd7: {  	_ =	shalt  }

// kernel: kernel.9.cloned.1.call-start
scs
__scs_entry_jumppad:
0x0: {  	(pc) =	sbr.rel $0x88, $3  }
0x1: {  	(tag) =	ssettag $0x0;
	lr =	simm.s32 $0x1  }
0x2: {  	[smem:$0x3F9D] =	sst lr;
	_ =	strace $0xD0000000  }
0x3: {  	_ = 	snop  }
0x4: {  	_ = 	snop  }
0x5: {  	_ = 	snop  }
0x6: {  	_ = 	snop  }
0x7: {  	_ = 	snop  }
__scs_overlays_trampoline_lowered:
0x8: {  	[smem:$0x3FAC] =	sst s0  }
0x9: {  	[smem:$0x3FAD] =	sst s1  }
0xa: {  	[smem:$0x3FAE] =	sst s2  }
0xb: {  	[smem:$0x3FAF] =	sst s3  }
0xc: {  	[smem:$0x3FB0] =	sst s4  }
0xd: {  	[smem:$0x3FB1] =	sst s5  }
0xe: {  	[smem:$0x3FB2] =	sst s6  }
0xf: {  	[smem:$0x3FB3] =	sst s7  }
0x10: {  	[smem:$0x3FB4] =	sst s8  }
0x11: {  	[smem:$0x3FB5] =	sst s9;
	s0 =	simm.s32 @!p0 $0x0  }
0x12: {  	s1 =	sld [smem:$0x3F9B];
	s0 =	simm.s32 @p0 $0x1  }
0x13: {  	[smem:$0x3FB6] =	sst s0;
	s0 =	simm.s32 @!p1 $0x0  }
0x14: {  	s2 =	sld [smem:$0x3F9A];
	s0 =	simm.s32 @p1 $0x1  }
0x15: {  	[smem:$0x3FB7] =	sst s0;
	s0 =	simm.s32 @!p2 $0x0  }
0x16: {  	s3 =	sld [smem:$0x3FDB];
	s0 =	simm.s32 @p2 $0x1  }
0x17: {  	s4 =	simm.s32 $0x1BF5;
	[smem:$0x3FB9] =	sst s0  }
0x18: {  	s0 =	sld [smem:$0x3F9C];
	_ =	swait.ge [sflag:s4], $0x0  }
0x19: {  	s7 =	sld [smem:$0x3F9D]  }
0x1a: {  	s8 =	sadd.s32 $0xFFFFE003, lr  }
0x1b: {  	s9 =	sadd.s32 $0xFFFFFEF7, lr;
	s5 =	simm.s32 $0xFFFFFFFF;
	p2 =	slt.u32 s8, $0xFFFFF086  }
0x1c: {  	p1 =	slt.u32 s9, $0xF7A;
	s5 =	simm.s32 @!p2 $0x0  }
0x1d: {  	s5 =	simm.s32 @p1 $0x1;
	p0 =	seq.s32 s7, s2  }
0x1e: {  	s7 =	smul.u32 @!p0 $0xF7A, s2;
	p2 =	seq.s32 @!p0 s5, $0x0  }
0x1f: {  	s9 =	smul.u32 $0xF7A, s1;
	s8 =	simm.s32 @!p0 $0x1BF5;
	p2 =	por !p2, p0  }
0x20: {  	[sflag:s8] =	ssyncset.s32 @!p0 $0xFFFFF086;
	s6 =	sadd.s32 @!p0 s3, s7;
	s7 =	simm.s32 @!p0 $0x108  }
0x21: {  	s3 =	sadd.s32 s3, s9;
	s6 =	sadd.s32 @!p0 $0x88, s6;
	s7 =	simm.s32 @p2 $0x1082  }
0x22: {  	[simem:s7], [sflag:s8] =	dma.local @!p0 [hbm:s6], $0xF7A  }
0x23: {  	s9 =	sor.u32 $0xD0000000, s2;
	s6 =	simm.s32 $0x108;
	_ =	swait.ge @!p0 [sflag:s8], $0x0  }
0x24: {  	s3 =	sadd.s32 $0x88, s3;
	s6 =	simm.s32 @!p1 $0x1082;
	[sflag:s4] =	ssyncset.s32 $0xFFFFF086  }
0x25: {  	[simem:s6], [sflag:s4] =	dma.local [hbm:s3], $0xF7A  }
0x26: {  	[smem:$0x3F9D] =	sst s1;
	(tag) =	ssettag s2;
	_ =	strace s9  }
0x27: {  	s1 =	sld [smem:$0x3FAD]  }
0x28: {  	s2 =	sld [smem:$0x3FAE]  }
0x29: {  	s4 =	sld [smem:$0x3FB0]  }
0x2a: {  	p0 =	seq.s32 s5, $0x0;
	s5 =	sld [smem:$0x3FB1]  }
0x2b: {  	s6 =	sld [smem:$0x3FB2]  }
0x2c: {  	s7 =	sld [smem:$0x3FB3]  }
0x2d: {  	s3 =	simm.s32 $0x108;
	s8 =	sld [smem:$0x3FB4]  }
0x2e: {  	s3 =	simm.s32 @!p0 $0x1082;
	s9 =	sld [smem:$0x3FB5]  }
0x2f: {  	lr =	sadd.s32 s0, s3;
	s0 =	sld [smem:$0x3FAC]  }
0x30: {  	s3 =	sld [smem:$0x3FAF]  }
0x31: {  	[smem:$0x3FB8] =	sst s10  }
0x32: {  	s10 =	sld [smem:$0x3FB6];
	_ =	sdelay $0x3  }
0x33: {  	p0 =	seq.s32 s10, $0x1;
	s10 =	sld [smem:$0x3FB8];
	_ =	sdelay $0x3  }
0x34: {  	[smem:$0x3FB8] =	sst s10  }
0x35: {  	s10 =	sld [smem:$0x3FB7];
	_ =	sdelay $0x3  }
0x36: {  	p1 =	seq.s32 s10, $0x1;
	s10 =	sld [smem:$0x3FB8];
	_ =	sdelay $0x3  }
0x37: {  	[smem:$0x3FB8] =	sst s10  }
0x38: {  	s10 =	sld [smem:$0x3FB9]  }
0x39: {  	_ = 	snop;
	(pc) =	sbr.ind lr, $3  }
0x3a: {  	_ = 	snop  }
0x3b: {  	_ = 	snop  }
0x3c: {  	p2 =	seq.s32 s10, $0x1;
	s10 =	sld [smem:$0x3FB8]  }
0x3d: {  	_ =	shalt  }
0x3e: {  	_ =	shalt  }
0x3f: {  	_ =	shalt  }
0x40: {  	_ =	shalt  }
0x41: {  	_ =	shalt  }
0x42: {  	_ =	shalt  }
0x43: {  	_ =	shalt  }
0x44: {  	_ =	shalt  }
0x45: {  	_ =	shalt  }
0x46: {  	_ =	shalt  }
0x47: {  	_ =	shalt  }
0x48: {  	_ =	shalt  }
0x49: {  	_ =	shalt  }
0x4a: {  	_ =	shalt  }
0x4b: {  	_ =	shalt  }
0x4c: {  	_ =	shalt  }
0x4d: {  	_ =	shalt  }
0x4e: {  	_ =	shalt  }
0x4f: {  	_ =	shalt  }
0x50: {  	_ =	shalt  }
0x51: {  	_ =	shalt  }
0x52: {  	_ =	shalt  }
0x53: {  	_ =	shalt  }
0x54: {  	_ =	shalt  }
0x55: {  	_ =	shalt  }
0x56: {  	_ =	shalt  }
0x57: {  	_ =	shalt  }
0x58: {  	_ =	shalt  }
0x59: {  	_ =	shalt  }
0x5a: {  	_ =	shalt  }
0x5b: {  	_ =	shalt  }
0x5c: {  	_ =	shalt  }
0x5d: {  	_ =	shalt  }
0x5e: {  	_ =	shalt  }
0x5f: {  	_ =	shalt  }
0x60: {  	_ =	shalt  }
0x61: {  	_ =	shalt  }
0x62: {  	_ =	shalt  }
0x63: {  	_ =	shalt  }
0x64: {  	_ =	shalt  }
0x65: {  	_ =	shalt  }
0x66: {  	_ =	shalt  }
0x67: {  	_ =	shalt  }
0x68: {  	_ =	shalt  }
0x69: {  	_ =	shalt  }
0x6a: {  	_ =	shalt  }
0x6b: {  	_ =	shalt  }
0x6c: {  	_ =	shalt  }
0x6d: {  	_ =	shalt  }
0x6e: {  	_ =	shalt  }
0x6f: {  	_ =	shalt  }
0x70: {  	_ =	shalt  }
0x71: {  	_ =	shalt  }
0x72: {  	_ =	shalt  }
0x73: {  	_ =	shalt  }
0x74: {  	_ =	shalt  }
0x75: {  	_ =	shalt  }
0x76: {  	_ =	shalt  }
0x77: {  	_ =	shalt  }
0x78: {  	_ =	shalt  }
0x79: {  	_ =	shalt  }
0x7a: {  	_ =	shalt  }
0x7b: {  	_ =	shalt  }
0x7c: {  	_ =	shalt  }
0x7d: {  	_ =	shalt  }
0x7e: {  	_ =	shalt  }
0x7f: {  	_ =	shalt  }
0x80: {  	_ =	shalt  }
0x81: {  	_ =	shalt  }
0x82: {  	_ =	shalt  }
0x83: {  	_ =	shalt  }
0x84: {  	_ =	shalt  }
0x85: {  	_ =	shalt  }
0x86: {  	_ =	shalt  }
0x87: {  	_ =	shalt  }
.Lfunc_end0:
.L_simem_size_0:
called_computation_lowered:
.L_overlay_start_0:
0x88: {  	s2 =	sld [smem:$0x3FD9]  }
0x89: {  	s3 =	sld [smem:$0x3FFE];
	_ =	sdelay $0x1  }
0x8a: {  	s1 =	srdreg.scid  }
0x8b: {  	s0 =	sand.u32 $0x1, s1  }
0x8c: {  	s17 =	sshll.u32 s0, $0xA;
	s2 =	sadd.s32 s3, s2  }
0x8d: {  	s2 =	sadd.s32 s2, s17  }
0x8e: {  	[smem:$0x3FC4] =	sst s2  }
0x8f: {  	_ = 	snop  }
0x90: {  	s2 =	sld [smem:$0x3FC8]  }
0x91: {  	s18 =	sld [smem:$0x3FD0];
	(tm) =	ssettm $0x1  }
0x92: {  	s4 =	sld [smem:$0x3FFB];
	_ =	sdelay $0x3  }
0x93: {  	_ =	strace s4  }
0x94: {  	s4 =	sld [smem:$0x3FFC];
	_ =	sdelay $0x3  }
0x95: {  	_ =	strace s4  }
0x96: {  	s4 =	sld [smem:$0x3FFD];
	_ =	sdelay $0x3  }
0x97: {  	_ =	strace s4  }
0x98: {  	_ =	strace $0x8FFFFFFF  }
0x99: {  	s19 =	sld [smem:$0x3FDB];
	_ =	sdelay $0x1  }
0x9a: {  	s5 =	simm.s32 $_scs_section_size  }
0x9b: {  	s6 =	simm.s32 $_size__tile_overlayer_lowered;
	s7 =	simm.s32 $_tile_overlayer_lowered  }
0x9c: {  	s22 =	simm.s32 $0x1BFF;
	s21 =	sshll.u32 s7, $0x1;
	s4 =	sadd.s32 s5, s19  }
0x9d: {  	s8 =	simm.s32 $0x0;
	s20 =	sshll.u32 s6, $0x1;
	s6 =	sadd.s32 s21, s4  }
0x9e: {  	[timem:s8], [sflag:s22] =	dma.local [hbm:s6], s20  }
0x9f: {  	_ =	swait.ge [sflag:s22], s20  }
0xa0: {  	s5 =	ssub.s32 $0x0, s20;
	[sflag:s22] =	ssyncset.done $0x0  }
0xa1: {  	[sflag:s22] =	ssyncadd.s32 s5;
	_ =	sdelay $0x1  }
0xa2: {  	s23 =	simm.s32 $0x1B8B  }
0xa3: {  	_ =	swait.ge [sflag:s23], $0x1  }
0xa4: {  	[sflag:s23] =	ssyncset.done $0x0  }
0xa5: {  	s25 =	simm.s32 $0x1B8E;
	s24 =	sld [smem:$0x3FFE];
	[sflag:s23] =	ssyncadd.s32 $0xFFFFFFFF  }
0xa6: {  	s26 =	simm.s32 $execute0_lowered;
	[smem:$0x3FD2] =	sst s25  }
0xa7: {  	s6 =	sshll.u32 s26, $0x1;
	_ =	strace $0x80000046;
	[dreg:$0x1] =	wrdreg $0xFFFFFFFF  }
0xa8: {  	s28 =	simm.s32 $_size_execute0_lowered;
	s4 =	sadd.s32 s4, s6;
	[dreg:$0x0] =	wrdreg $0x0  }
0xa9: {  	s6 =	sshll.u32 s28, $0x1;
	[dreg:$0x2] =	wrdreg s4  }
0xaa: {  	[dreg:$0x3] =	wrdreg s6  }
0xab: {  	[dreg:$0x4] =	wrdreg $0xC0  }
0xac: {  	_ =	task [dreg:s8], $0x5FFFF  }
0xad: {  	[dreg:$0x1] =	wrdreg $0xFFFFFFFF  }
0xae: {  	[dreg:$0x0] =	wrdreg $0x60  }
0xaf: {  	[dreg:$0x2] =	wrdreg s2  }
0xb0: {  	[dreg:$0x3] =	wrdreg s24  }
0xb1: {  	[dreg:$0x4] =	wrdreg s18  }
0xb2: {  	[dreg:$0x5] =	wrdreg $0x51000  }
0xb3: {  	[dreg:$0x6] =	wrdreg $0x9  }
0xb4: {  	_ =	task.clear_ibuf [dreg:s8], $0x7FFFF;
	_ =	strace $0x90000046  }
0xb5: {  	s29 =	simm.s32 $0x9;
	_ =	strace $0x80000048  }
0xb6: {  	_ =	swait.ge [sflag:s29], $0x1  }
0xb7: {  	[sflag:s29] =	ssyncadd.s32 $0xFFFFFFFF  }
0xb8: {  	_ =	strace $0x90000048  }
0xb9: {  	_ =	sfence  }
0xba: {  	s30 =	sld [smem:$0x0];
	_ =	sdelay $0x2  }
0xbb: {  	s31 =	sshll.u32 s1, $0xD;
	s1 =	sshrl.u32 s1, $0x2  }
0xbc: {  	s3 =	sand.u32 $0x4000, s31;
	s1 =	sadd.s32 s1, s30  }
0xbd: {  	s0 =	sor.u32 s3, s0;
	s1 =	sshll.u32 s1, $0x11  }
0xbe: {  	s0 =	sor.u32 s1, s0  }
0xbf: {  	s0 =	sadd.s32 $0x8F2B, s0  }
0xc0: {  	[sflag:s0] =	ssyncadd.remote.s32 $0x1  }
0xc1: {  	_ =	sfence.sel $0xFFFF  }
0xc2: {  	[dreg:$0x0] =	wrdreg $0xFFFFFFFF;
	(pc) =	sbr.abs _section_cstart, $3  }
0xc3: {  	[dreg:$0x1] =	wrdreg $0xFFFFFFFF  }
0xc4: {  	_ =	task.clear_ibuf [dreg:s8], $0x2FFFF;
	_ =	strace $0x9FFFFFFF  }
0xc5: {  	(tm) =	ssettm $0x7FFFFFFF  }
tec
execute0_lowered:
.L_overlay_start_1:
0x0: {  	(tag) =	ssettag $0x1  }
0x1: {  	s7 =	rddreg [dreg:$0x0]  }
0x2: {  	s3 =	rddreg [dreg:$0x1]  }
0x3: {  	s9 =	rddreg [dreg:$0x2]  }
0x4: {  	s1 =	rddreg [dreg:$0x3]  }
0x5: {  	s0 =	rddreg [dreg:$0x4];
	s2 =	simm.s32 $0x0;
	s6 =	srdreg.scid  }
0x6: {  	s14 =	simm.s32 $0x80;
	s16 =	simm.s32 $0x0;
	[smem:$0x7FF] =	sst s2  }
0x7: {  	s4 =	sadd.s32 $0x2000, s3;
	s5 =	sadd.s32 $0x2200, s3;
	s3 =	stileid.u32  }
0x8: {  	s6 =	sand.u32 $0x1, s6;
	_ =	strace $0x80000047;
	s11 =	smul.u32 $0x280, s3  }
0x9: {  	s8 =	ssub.s32 $0x2, s6;
	s10 =	sshll.u32 s6, $0x4;
	s30 =	smul.u32 $0x2800, s6  }
0xa: {  	s13 =	sshll.u32 s3, $0x5;
	s12 =	sshrl.u32 s8, $0x1;
	s15 =	sor.u32 s3, s10  }
0xb: {  	s13 =	sadd.s32 s13, s7;
	s12 =	ssub.s32 s8, s12;
	s31 =	smul.u32 $0x9C0, s15  }
0xc: {  	s6 =	sadd.s32 s11, s1;
	s10 =	sadd.s32 s11, s30;
	s8 =	sadd.s32 $0x13800, s13  }
0xd: {  	s11 =	simm.s32 $0x4E80;
	s13 =	simm.s32 $0x4E00;
	p0 =	sgt.u32 s15, $0x3  }
0xe: {  	s15 =	simm.s32 $0x1;
	s10 =	sshrl.u32 s10, $0x3;
	s7 =	sadd.s32 s7, s31  }
0xf: {  	s9 =	sadd.s32 s9, s10;
	s10 =	smax.u32 s12, $0x1;
	s12 =	simm.s32 $0x2  }
.LBB2_1:
0x10: {  	[tilespmem:s11], [sflag:$0x2] =	stream.linear.gather [hbm4b:s5+s2], $0x280, $0x38;
	[tilespmem:$0x5380] =	vst v63  }
0x11: {  	_ =	swait.ge [sflag:s12], $0x280  }
0x12: {  	[sflag:s12] =	ssyncset.done $0x0  }
0x13: {  	[sflag:s12] =	ssyncadd.s32 $0xFFFFFD80  }
0x14: {  	[spmem:s6] =	stream.linear.scatter [tilespmem:s11], [sflag:$0x2], $0x280, $0x38;
	[tilespmem:$0x5380] =	vst v63  }
0x15: {  	_ =	swait.ge [sflag:s12], $0x280  }
0x16: {  	[sflag:s12] =	ssyncset.done $0x0  }
0x17: {  	[sflag:s12] =	ssyncadd.s32 $0xFFFFFD80  }
0x18: {  	[tilespmem:s13], [sflag:$0x2] =	stream.linear.gather [hbm4b:s4+s2], $0x80, $0x38;
	[tilespmem:$0x5380] =	vst v63  }
0x19: {  	_ =	swait.ge [sflag:s12], $0x80  }
0x1a: {  	[sflag:s12] =	ssyncset.done $0x0  }
0x1b: {  	[sflag:s12] =	ssyncadd.s32 $0xFFFFFF80  }
0x1c: {  	[tilespmem:s2], [sflag:$0x2] =	stream.linear.gather [hbm4b:s7+s2], $0x4E00, $0x38;
	[tilespmem:$0x5380] =	vst v63  }
0x1d: {  	_ =	swait.ge [sflag:s12], $0x4E00  }
0x1e: {  	[sflag:s12] =	ssyncset.done $0x0  }
0x1f: {  	[sflag:s12] =	ssyncadd.s32 $0xFFFFB200  }
0x20: {  	s17 =	simm.s32 $0x600;
	s18 =	simm.s32 $0x80;
	[bflag:$0x0] =	sbarrier.arrive $0xFFFF  }
.LBB2_2:
0x21: {  	[spmem:s1] =	stream.indirect.scatter.add.f32 [tilespmem:s13], [sflag:$0x1], $0x1, s18, s14, $0xb8;
	[tilespmem:$0x5380] =	vst v63  }
0x22: {  	s18 =	smov.u32 s17;
	p1 =	sne.s32 s17, $0x13600  }
.Ltmp0:
0x23: {  	s17 =	sadd.s32 $0x400, s17;
	(pc) =	sbr.rel @p1 .LBB2_2-.Ltmp0, $2  }
0x24: {  	_ =	sdelay $0x2  }
0x25: {  	s18 =	sshra.s32 s18, $0x2  }
0x26: {  	[spmem:s1] =	stream.indirect.scatter.add.f32 [tilespmem:s13], [sflag:$0x1], $0x1, s18, s14, $0xb8;
	[tilespmem:$0x5380] =	vst v63  }
0x27: {  	s17 =	simm.s32 @!p0 $0x0  }
0x28: {  	[tilespmem:s17], [sflag:$0x2] =	stream.linear.gather @!p0 [hbm4b:s8+s17], $0x100, $0x38;
	[tilespmem:$0x5380] =	vst v63  }
0x29: {  	s17 =	simm.s32 @!p0 $0x2  }
0x2a: {  	_ =	swait.ge @!p0 [sflag:s17], $0x100  }
0x2b: {  	[sflag:s17] =	ssyncset.done @!p0 $0x0  }
0x2c: {  	s18 =	simm.s32 @!p0 $0x4E00;
	[sflag:s17] =	ssyncadd.s32 @!p0 $0xFFFFFF00;
	s17 =	simm.s32 @!p0 $0x80  }
0x2d: {  	[spmem:s1] =	stream.indirect.scatter.add.f32 @!p0 [tilespmem:s18], [sflag:$0x1], $0x1, s17, s17, $0xb8;
	[tilespmem:$0x5380] =	vst v63  }
0x2e: {  	_ =	swait.ge [sflag:s15], $0x80  }
0x2f: {  	s17 =	simm.s32 $0x4D;
	[sflag:s15] =	ssyncset.done $0x0  }
.LBB2_4:
0x30: {  	p1 =	sne.s32 s17, $0x1;
	s17 =	sadd.s32 $0xFFFFFFFF, s17;
	[sflag:s15] =	ssyncadd.s32 $0xFFFFFF80  }
.Ltmp1:
0x31: {  	(pc) =	sbr.rel @p1 .LBB2_4-.Ltmp1, $3  }
0x32: {  	_ =	sdelay $0x1  }
0x33: {  	_ =	swait.ge [sflag:s15], $0x80  }
0x34: {  	[sflag:s15] =	ssyncset.done $0x0  }
0x35: {  	[sflag:s15] =	ssyncadd.s32 $0xFFFFFF80;
	s17 =	simm.s32 @!p0 $0x1  }
0x36: {  	_ =	swait.ge @!p0 [sflag:s17], $0x80  }
0x37: {  	[sflag:s17] =	ssyncset.done @!p0 $0x0  }
0x38: {  	[sflag:s17] =	ssyncadd.s32 @!p0 $0xFFFFFF80  }
0x39: {  	[bflag:$0x0] =	sbarrier.arrive $0xFFFF  }
0x3a: {  	[tilespmem:s11], [sflag:$0x2] =	stream.linear.gather [spmem:s6], $0x280, $0x38;
	[tilespmem:$0x5380] =	vst v63  }
0x3b: {  	s16 =	sadd.s32 $0x1, s16;
	_ =	swait.ge [sflag:s12], $0x280  }
0x3c: {  	p1 =	sne.s32 s16, s10;
	[sflag:s12] =	ssyncset.done $0x0  }
.Ltmp2:
0x3d: {  	[sflag:s12] =	ssyncadd.s32 $0xFFFFFD80;
	(pc) =	sbr.rel @p1 .LBB2_1-.Ltmp2, $4  }
0x3e: {  	[hbm4b:s9+s2] =	stream.linear.scatter [tilespmem:s11], [sflag:$0x2], $0x280, $0x38;
	[tilespmem:$0x5380] =	vst v63  }
0x3f: {  	_ =	swait.ge [sflag:s12], $0x280  }
0x40: {  	[sflag:s12] =	ssyncset.done $0x0  }
0x41: {  	[sflag:s12] =	ssyncadd.s32 $0xFFFFFD80  }
0x42: {  	_ =	sfence.sel $0x180000  }
0x43: {  	[bflag:$0x0] =	sbarrier.arrive $0xFFFF  }
0x44: {  	p0 =	sne.s32 s3, $0x0;
	_ =	strace $0x90000047  }
0x45: {  	s0 =	sadd.s32 @!p0 $0x100000, s0;
	[bflag:$0x2] =	sbarrier.arrive $0xFFFF  }
0x46: {  	[sflag:s0] =	ssyncadd.tile.s32 @!p0 $0x1;
	_ =	shalt  }
.Lfunc_end2:
_tile_overlayer_lowered:
.L_overlay_start_2:
0x47: {  	(tag) =	ssettag $0x2  }
0x48: {  	s0 =	rddreg [dreg:$0x0];
	s2 =	stileid.u32  }
0x49: {  	s1 =	rddreg [dreg:$0x1];
	p0 =	sne.s32 s2, $0x0  }
0x4a: {  	s3 =	rddreg [dreg:$0x2];
	[bflag:$0x3] =	sbarrier.arrive $0xFFFF;
	s2 =	simm.s32 @!p0 $0x1C02  }
0x4b: {  	[timem:s3], [sflag:s2] =	dma.local @!p0 [hbm:s0], s1  }
0x4c: {  	s0 =	simm.s32 @!p0 $0x2  }
0x4d: {  	_ =	swait.ge @!p0 [sflag:s0], s1  }
0x4e: {  	s1 =	ssub.s32 @!p0 $0x0, s1;
	[sflag:s0] =	ssyncset.done @!p0 $0x0  }
0x4f: {  	[sflag:s0] =	ssyncadd.s32 @!p0 s1  }
0x50: {  	[bflag:$0x3] =	sbarrier.arrive $0xFFFF  }
0x51: {  	_ =	shalt  }

</sc_bundles>
